<compile_context>
chip_gen: v7x
topology: tpu7x:2x2x1
jax: 0.10.2.dev20260603
libtpu: 0.0.44.dev20260713+nightly
codegen_flags: <defaults>
</compile_context>

<pallas_src>
import functools

import jax
import jax.numpy as jnp
from jax import lax
from jax.experimental import pallas as pl
from jax.experimental.pallas import tpu as pltpu
from jax.experimental.pallas import tpu_sc as plsc

N = 10000
D = 128
E = 320000
NC = 2
NS = 16
NW = NC * NS
C = 128
J = 81
E_PAD = NW * J * C
N_SUB = 632
N_PAD = NS * N_SUB
CW = 16


def _agg_body(x_hbm, src_hbm, dst_hbm, z_hbm,
              sums_hbm,
              acc_sh, sring, dring, rows0, rows1, rows2,
              sg0, sg1, sg2, ssi0, ssi1, ssi2, si0, si1, si2):
    cid = lax.axis_index("c")
    sid = lax.axis_index("s")
    wid = sid * NC + cid
    r0 = sid * N_SUB
    e0 = wid * (J * C)
    pltpu.sync_copy(z_hbm, acc_sh.at[pl.ds(r0, N_SUB)])
    plsc.subcore_barrier()

    rows = (rows0, rows1, rows2)
    sg = (sg0, sg1, sg2)
    ssi = (ssi0, ssi1, ssi2)
    si = (si0, si1, si2)

    for b in range(3):
        pltpu.async_copy(src_hbm.at[pl.ds(e0 + b * C, C)], sring.at[b], ssi[b])
    for b in range(2):
        pltpu.async_copy(dst_hbm.at[pl.ds(e0 + b * C, C)], dring.at[b], si[b])
    for b in range(2):
        pltpu.make_async_copy(src_hbm.at[pl.ds(e0 + b * C, C)], sring.at[b],
                              ssi[b]).wait()
        pltpu.async_copy(x_hbm.at[sring.at[b]], rows[b], sg[b])

    def body(k, carry):
        for b in range(3):
            jj = 3 * k + b
            b2 = (b + 2) % 3
            pltpu.make_async_copy(x_hbm.at[sring.at[b]], rows[b], sg[b]).wait()

            @pl.when(jj + 2 < J)
            def _():
                pltpu.make_async_copy(
                    src_hbm.at[pl.ds(e0 + (jj + 2) * C, C)], sring.at[b2],
                    ssi[b2]).wait()
                pltpu.async_copy(x_hbm.at[sring.at[b2]], rows[b2], sg[b2])
                pltpu.async_copy(dst_hbm.at[pl.ds(e0 + (jj + 2) * C, C)],
                                 dring.at[b2], si[b2])

            @pl.when(jj + 3 < J)
            def _():
                pltpu.async_copy(src_hbm.at[pl.ds(e0 + (jj + 3) * C, C)],
                                 sring.at[b], ssi[b])

            pltpu.make_async_copy(dst_hbm.at[pl.ds(e0 + jj * C, C)],
                                  dring.at[b], si[b]).wait()
            pltpu.sync_copy(rows[b], acc_sh.at[dring.at[b]], add=True)
        return carry

    lax.fori_loop(0, J // 3, body, 0)
    plsc.subcore_barrier()
    pltpu.sync_copy(acc_sh.at[pl.ds(r0, N_SUB)], sums_hbm.at[cid, pl.ds(r0, N_SUB)])


def _count_body(dst_hbm, z_hbm, ones_hbm,
                cnt_hbm,
                cnt_sh, didx, ones_v, sem):
    cid = lax.axis_index("c")
    sid = lax.axis_index("s")
    wid = sid * NC + cid
    r0 = sid * N_SUB
    pltpu.sync_copy(z_hbm, cnt_sh.at[pl.ds(r0, N_SUB)])
    pltpu.sync_copy(dst_hbm.at[pl.ds(wid * (J * C), J * C)], didx)
    pltpu.sync_copy(ones_hbm, ones_v)
    plsc.subcore_barrier()

    def fire(j, carry):
        pltpu.async_copy(ones_v, cnt_sh.at[didx.at[pl.ds(j * C, C)]], sem,
                         add=True)
        return carry

    lax.fori_loop(0, J, fire, 0)

    def drain(j, carry):
        pltpu.make_async_copy(ones_v, cnt_sh.at[didx.at[pl.ds(0, C)]],
                              sem).wait()
        return carry

    lax.fori_loop(0, J, drain, 0)
    plsc.subcore_barrier()
    pltpu.sync_copy(cnt_sh.at[pl.ds(r0, N_SUB)], cnt_hbm.at[cid, pl.ds(r0, N_SUB)])


_MESH = plsc.VectorSubcoreMesh(core_axis_name="c", subcore_axis_name="s")

_agg = pl.kernel(
    _agg_body,
    mesh=_MESH,
    out_type=[jax.ShapeDtypeStruct((NC, N_PAD, D), jnp.float32)],
    scratch_types=[
        pltpu.VMEM_SHARED((N_PAD, D), jnp.float32),
        pltpu.VMEM((3, C), jnp.int32),
        pltpu.VMEM((3, C), jnp.int32),
        pltpu.VMEM((C, D), jnp.float32),
        pltpu.VMEM((C, D), jnp.float32),
        pltpu.VMEM((C, D), jnp.float32),
    ] + [pltpu.SemaphoreType.DMA] * 9,
    compiler_params=pltpu.CompilerParams(use_tc_tiling_on_sc=False),
)

_count = pl.kernel(
    _count_body,
    mesh=_MESH,
    out_type=[jax.ShapeDtypeStruct((NC, N_PAD, CW), jnp.float32)],
    scratch_types=[
        pltpu.VMEM_SHARED((N_PAD, CW), jnp.float32),
        pltpu.VMEM((J * C,), jnp.int32),
        pltpu.VMEM((C, CW), jnp.float32),
        pltpu.SemaphoreType.DMA,
    ],
    compiler_params=pltpu.CompilerParams(use_tc_tiling_on_sc=False),
)


def _dense_kernel(relu, s_ref, c_ref, x_ref, wl_ref, b_ref, wr_ref, o_ref):
    cnt = c_ref[0, :, 0:1] + c_ref[1, :, 0:1]
    mean = (s_ref[0] + s_ref[1]) / jnp.maximum(cnt, 1.0)
    r = (jnp.dot(mean, wl_ref[...], preferred_element_type=jnp.float32)
         + b_ref[...]
         + jnp.dot(x_ref[...], wr_ref[...], preferred_element_type=jnp.float32))
    if relu:
        r = jnp.maximum(r, 0.0)
    o_ref[...] = r


_BLK = 2000


def _dense(sums, cnts, x, wl_t, b, wr_t, relu):
    grid = (N // _BLK,)
    row_spec = pl.BlockSpec((_BLK, D), lambda i: (i, 0))
    sum_spec = pl.BlockSpec((NC, _BLK, D), lambda i: (0, i, 0))
    cnt_spec = pl.BlockSpec((NC, _BLK, CW), lambda i: (0, i, 0))
    w_spec = pl.BlockSpec((D, D), lambda i: (0, 0))
    b_spec = pl.BlockSpec((1, D), lambda i: (0, 0))
    return pl.pallas_call(
        functools.partial(_dense_kernel, relu),
        grid=grid,
        in_specs=[sum_spec, cnt_spec, row_spec, w_spec, b_spec, w_spec],
        out_specs=row_spec,
        out_shape=jax.ShapeDtypeStruct((N, D), jnp.float32),
    )(sums, cnts, x, wl_t, b, wr_t)


def kernel(x, edge_index, W1_l, b1_l, W1_r, W2_l, b2_l, W2_r):
    src = edge_index[0]
    dst = edge_index[1]
    npad = E_PAD - E
    pad_src = jnp.arange(npad, dtype=jnp.int32) & 8191
    pad_dst = N + (jnp.arange(npad, dtype=jnp.int32) % (N_PAD - N))
    src_p = jnp.concatenate([src, pad_src])
    dst_p = jnp.concatenate([dst, pad_dst])

    zeros = jnp.zeros((N_SUB, D), jnp.float32)
    zeros_c = jnp.zeros((N_SUB, CW), jnp.float32)
    ones = jnp.ones((C, CW), jnp.float32)

    (cnts,) = _count(dst_p, zeros_c, ones)
    (sums1,) = _agg(x, src_p, dst_p, zeros)
    h = _dense(sums1, cnts, x, W1_l.T, b1_l.reshape(1, D), W1_r.T, relu=True)
    (sums2,) = _agg(h, src_p, dst_p, zeros)
    out = _dense(sums2, cnts, h, W2_l.T, b2_l.reshape(1, D), W2_r.T, relu=False)
    return out

# --- scband reference (transcript-rebuilt; emitter-appended) ---
"""Pipeline reference for scband-sage-12781822673112 (READ-ONLY COPY).

The authoritative reference and input builder live on the scoring server;
editing this copy changes nothing except your own understanding.
"""

import jax, jax.numpy as jnp
import numpy as np

N = 10000
E = 320000
D_IN = 128
D_HID = 128
D_OUT = 128


def sage_conv(x, edge_index, W_l, b_l, W_r):
    # PyG SAGEConv with default mean aggregation:
    #   out = lin_l(mean_{j in N(i)} x_j) + lin_r(x_i)
    # lin_l has bias, lin_r has no bias. Messages flow src (row 0) -> dst (row 1).
    src = edge_index[0]
    dst = edge_index[1]
    msgs = jnp.take(x, src, axis=0)
    sums = jax.ops.segment_sum(msgs, dst, num_segments=x.shape[0])
    counts = jax.ops.segment_sum(jnp.ones((src.shape[0],), dtype=x.dtype), dst, num_segments=x.shape[0])
    mean = sums / jnp.clip(counts, 1.0)[:, None]
    return mean @ W_l.T + b_l + x @ W_r.T


def setup_inputs(seed: int = 0) -> dict:
    key = jax.random.key(seed)
    ks = jax.random.split(key, 9)
    x = jax.random.normal(ks[0], (N, D_IN), dtype=jnp.float32)
    edge_index = jax.random.randint(ks[1], (2, E), 0, N, dtype=jnp.int32)
    s_in = 1.0 / np.sqrt(D_IN)
    s_hid = 1.0 / np.sqrt(D_HID)
    W1_l = jax.random.normal(ks[2], (D_HID, D_IN), dtype=jnp.float32) * s_in
    b1_l = jnp.zeros((D_HID,), dtype=jnp.float32)
    W1_r = jax.random.normal(ks[3], (D_HID, D_IN), dtype=jnp.float32) * s_in
    W2_l = jax.random.normal(ks[4], (D_OUT, D_HID), dtype=jnp.float32) * s_hid
    b2_l = jnp.zeros((D_OUT,), dtype=jnp.float32)
    W2_r = jax.random.normal(ks[5], (D_OUT, D_HID), dtype=jnp.float32) * s_hid
    return {"x": x, "edge_index": edge_index, "W1_l": W1_l, "b1_l": b1_l, "W1_r": W1_r,
            "W2_l": W2_l, "b2_l": b2_l, "W2_r": W2_r}


def reference(x, edge_index, W1_l, b1_l, W1_r, W2_l, b2_l, W2_r):
    # Layer 1 + ReLU (dropout is identity in eval mode)
    h = sage_conv(x, edge_index, W1_l, b1_l, W1_r)
    h = jax.nn.relu(h)
    # Layer 2 (final layer: no activation / dropout)
    out = sage_conv(h, edge_index, W2_l, b2_l, W2_r)
    return out

if __name__ == "__main__":
    import jax
    _d = setup_inputs()
    print(jax.jit(kernel)(*tuple(_d.values())))

</pallas_src>

<mosaic_0001>
#map = affine_map<(d0, d1) -> (0)>
#map1 = affine_map<(d0, d1) -> (0, 0)>
#map2 = affine_map<(d0, d1) -> (0, 0, 0)>
module attributes {stable_mosaic.version = 14 : i64} {
  func.func @_count_body(%arg0: i32, %arg1: i32, %arg2: memref<331776xi32, #tpu.memory_space<hbm>>, %arg3: memref<632x16xf32, #tpu.memory_space<hbm>>, %arg4: memref<128x16xf32, #tpu.memory_space<hbm>>, %arg5: memref<2x10112x16xf32, #tpu.memory_space<hbm>>, %arg6: memref<10112x16xf32, #tpu.memory_space<vmem_shared>>, %arg7: memref<10368xi32, #tpu.memory_space<vmem>>, %arg8: memref<128x16xf32, #tpu.memory_space<vmem>>, %arg9: memref<!tpu.dma_semaphore, #tpu.memory_space<semaphore_mem>>) attributes {dimension_semantics = [#tpu.dimension_semantics<core_parallel>, #tpu.dimension_semantics<subcore_parallel>], iteration_bounds = array<i64: 2, 16>, scalar_prefetch = 0 : i64, scratch_operands = 4 : i64, tpu.core_type = #tpu.core_type<sc_vector_subcore>, window_params = [{transform_indices = #map}, {transform_indices = #map1}, {transform_indices = #map1}, {transform_indices = #map2}]} {
    %mul3A = arith.constant 2 : i32
    %mul3A_0 = arith.muli %arg1, %mul3A : i32
    %add3A = arith.addi %mul3A_0, %arg0 : i32
    %mul3A_1 = arith.constant 632 : i32
    %mul3A_2 = arith.muli %arg1, %mul3A_1 : i32
    "tpu.region"() ({
      %run_scoped3A = tpu.sem_alloc : memref<!tpu.dma_semaphore, #tpu.memory_space<semaphore_mem>>
      %dma_start3A = arith.constant 0 : i32
      %dma_start3A_17 = tpu.memref_slice %arg6[%mul3A_2, %dma_start3A] : memref<10112x16xf32, #tpu.memory_space<vmem_shared>> -> memref<632x16xf32, #tpu.memory_space<vmem_shared>>
      tpu.enqueue_dma source(%arg3 : memref<632x16xf32, #tpu.memory_space<hbm>>) target(%dma_start3A_17 : memref<632x16xf32, #tpu.memory_space<vmem_shared>>) target_semaphore(%run_scoped3A : memref<!tpu.dma_semaphore, #tpu.memory_space<semaphore_mem>>)
      %dma_wait3A = arith.constant 0 : i32
      %dma_wait3A_18 = tpu.memref_slice %arg6[%mul3A_2, %dma_wait3A] : memref<10112x16xf32, #tpu.memory_space<vmem_shared>> -> memref<632x16xf32, #tpu.memory_space<vmem_shared>>
      tpu.wait_dma2 semaphore(%run_scoped3A : memref<!tpu.dma_semaphore, #tpu.memory_space<semaphore_mem>>) src(%arg3 : memref<632x16xf32, #tpu.memory_space<hbm>>) dst(%dma_wait3A_18 : memref<632x16xf32, #tpu.memory_space<vmem_shared>>)
      tpu.yield
    }) : () -> ()
    %mul3A_3 = arith.constant 10368 : i32
    %mul3A_4 = arith.muli %add3A, %mul3A_3 : i32
    "tpu.region"() ({
      %run_scoped3A = tpu.sem_alloc : memref<!tpu.dma_semaphore, #tpu.memory_space<semaphore_mem>>
      %dma_start3A = tpu.memref_slice %arg2[%mul3A_4] : memref<331776xi32, #tpu.memory_space<hbm>> -> memref<10368xi32, #tpu.memory_space<hbm>>
      %dma_start3A_17 = tpu.memref_slice %arg2[%mul3A_4] : memref<331776xi32, #tpu.memory_space<hbm>> -> memref<10368xi32, #tpu.memory_space<hbm>>
      tpu.enqueue_dma source(%dma_start3A_17 : memref<10368xi32, #tpu.memory_space<hbm>>) target(%arg7 : memref<10368xi32, #tpu.memory_space<vmem>>) target_semaphore(%run_scoped3A : memref<!tpu.dma_semaphore, #tpu.memory_space<semaphore_mem>>)
      %dma_wait3A = tpu.memref_slice %arg2[%mul3A_4] : memref<331776xi32, #tpu.memory_space<hbm>> -> memref<10368xi32, #tpu.memory_space<hbm>>
      %dma_wait3A_18 = tpu.memref_slice %arg2[%mul3A_4] : memref<331776xi32, #tpu.memory_space<hbm>> -> memref<10368xi32, #tpu.memory_space<hbm>>
      tpu.wait_dma2 semaphore(%run_scoped3A : memref<!tpu.dma_semaphore, #tpu.memory_space<semaphore_mem>>) src(%dma_wait3A_18 : memref<10368xi32, #tpu.memory_space<hbm>>) dst(%arg7 : memref<10368xi32, #tpu.memory_space<vmem>>)
      tpu.yield
    }) : () -> ()
    "tpu.region"() ({
      %run_scoped3A = tpu.sem_alloc : memref<!tpu.dma_semaphore, #tpu.memory_space<semaphore_mem>>
      tpu.enqueue_dma source(%arg4 : memref<128x16xf32, #tpu.memory_space<hbm>>) target(%arg8 : memref<128x16xf32, #tpu.memory_space<vmem>>) target_semaphore(%run_scoped3A : memref<!tpu.dma_semaphore, #tpu.memory_space<semaphore_mem>>)
      tpu.wait_dma2 semaphore(%run_scoped3A : memref<!tpu.dma_semaphore, #tpu.memory_space<semaphore_mem>>) src(%arg4 : memref<128x16xf32, #tpu.memory_space<hbm>>) dst(%arg8 : memref<128x16xf32, #tpu.memory_space<vmem>>)
      tpu.yield
    }) : () -> ()
    %barrier3A = arith.constant 0 : index
    tpu.barrier barrier_id(%barrier3A)
    %scan3A = arith.constant 0 : i32
    %scan3A_5 = arith.constant 0 : i32
    %scan3A_6 = arith.constant 81 : i32
    %scan3A_7 = arith.addi %scan3A_5, %scan3A_6 : i32
    %scan3A_8 = arith.constant 1 : i32
    scf.for %scan3A_17 = %scan3A_5 to %scan3A_7 step %scan3A_8  : i32 {
      %mul3A_18 = arith.constant 128 : i32
      %mul3A_19 = arith.muli %scan3A_17, %mul3A_18 : i32
      %dma_start3A = tpu.memref_slice %arg7[%mul3A_19] : memref<10368xi32, #tpu.memory_space<vmem>> -> memref<128xi32, #tpu.memory_space<vmem>>
      %dma_start3A_20 = arith.constant 0 : i32
      %dma_start3A_21 = arith.constant 0 : i32
      %dma_start3A_22 = tpu.memref_slice %arg6[%dma_start3A_20, %dma_start3A_21] : memref<10112x16xf32, #tpu.memory_space<vmem_shared>> -> memref<10112x16xf32, #tpu.memory_space<vmem_shared>>
      tpu.enqueue_indirect_dma source(%arg8 : memref<128x16xf32, #tpu.memory_space<vmem>>) target(%dma_start3A_22 : memref<10112x16xf32, #tpu.memory_space<vmem_shared>>) offsets(%dma_start3A : memref<128xi32, #tpu.memory_space<vmem>>) semaphore(%arg9 : memref<!tpu.dma_semaphore, #tpu.memory_space<semaphore_mem>>) {add = true}
    }
    %scan3A_9 = arith.constant 81 : i32
    %scan3A_10 = arith.constant 0 : i32
    %scan3A_11 = arith.constant 0 : i32
    %scan3A_12 = arith.constant 81 : i32
    %scan3A_13 = arith.addi %scan3A_11, %scan3A_12 : i32
    %scan3A_14 = arith.constant 1 : i32
    scf.for %scan3A_17 = %scan3A_11 to %scan3A_13 step %scan3A_14  : i32 {
      %dma_wait3A = arith.constant 0 : i32
      %dma_wait3A_18 = tpu.memref_slice %arg7[%dma_wait3A] : memref<10368xi32, #tpu.memory_space<vmem>> -> memref<128xi32, #tpu.memory_space<vmem>>
      %dma_wait3A_19 = arith.constant 0 : i32
      %dma_wait3A_20 = arith.constant 0 : i32
      %dma_wait3A_21 = tpu.memref_slice %arg6[%dma_wait3A_19, %dma_wait3A_20] : memref<10112x16xf32, #tpu.memory_space<vmem_shared>> -> memref<10112x16xf32, #tpu.memory_space<vmem_shared>>
      tpu.wait_indirect_dma semaphore(%arg9 : memref<!tpu.dma_semaphore, #tpu.memory_space<semaphore_mem>>) src(%arg8 : memref<128x16xf32, #tpu.memory_space<vmem>>) dst(%dma_wait3A_21 : memref<10112x16xf32, #tpu.memory_space<vmem_shared>>)
    }
    %scan3A_15 = arith.constant 81 : i32
    %barrier3A_16 = arith.constant 0 : index
    tpu.barrier barrier_id(%barrier3A_16)
    "tpu.region"() ({
      %run_scoped3A = tpu.sem_alloc : memref<!tpu.dma_semaphore, #tpu.memory_space<semaphore_mem>>
      %dma_start3A = arith.constant 0 : i32
      %dma_start3A_17 = tpu.memref_slice %arg5[%arg0, %mul3A_2, %dma_start3A] : memref<2x10112x16xf32, #tpu.memory_space<hbm>> -> memref<1x632x16xf32, #tpu.memory_space<hbm>>
      %dma_start3A_18 = tpu.memref_squeeze %dma_start3A_17 : memref<1x632x16xf32, #tpu.memory_space<hbm>> -> memref<632x16xf32, #tpu.memory_space<hbm>>
      %dma_start3A_19 = arith.constant 0 : i32
      %dma_start3A_20 = tpu.memref_slice %arg6[%mul3A_2, %dma_start3A_19] : memref<10112x16xf32, #tpu.memory_space<vmem_shared>> -> memref<632x16xf32, #tpu.memory_space<vmem_shared>>
      tpu.enqueue_dma source(%dma_start3A_20 : memref<632x16xf32, #tpu.memory_space<vmem_shared>>) target(%dma_start3A_18 : memref<632x16xf32, #tpu.memory_space<hbm>>) target_semaphore(%run_scoped3A : memref<!tpu.dma_semaphore, #tpu.memory_space<semaphore_mem>>)
      %dma_wait3A = arith.constant 0 : i32
      %dma_wait3A_21 = tpu.memref_slice %arg5[%arg0, %mul3A_2, %dma_wait3A] : memref<2x10112x16xf32, #tpu.memory_space<hbm>> -> memref<1x632x16xf32, #tpu.memory_space<hbm>>
      %dma_wait3A_22 = tpu.memref_squeeze %dma_wait3A_21 : memref<1x632x16xf32, #tpu.memory_space<hbm>> -> memref<632x16xf32, #tpu.memory_space<hbm>>
      %dma_wait3A_23 = arith.constant 0 : i32
      %dma_wait3A_24 = tpu.memref_slice %arg6[%mul3A_2, %dma_wait3A_23] : memref<10112x16xf32, #tpu.memory_space<vmem_shared>> -> memref<632x16xf32, #tpu.memory_space<vmem_shared>>
      tpu.wait_dma2 semaphore(%run_scoped3A : memref<!tpu.dma_semaphore, #tpu.memory_space<semaphore_mem>>) src(%dma_wait3A_24 : memref<632x16xf32, #tpu.memory_space<vmem_shared>>) dst(%dma_wait3A_22 : memref<632x16xf32, #tpu.memory_space<hbm>>)
      tpu.yield
    }) : () -> ()
    return
  }
}

#map = affine_map<(d0, d1) -> (0, 0)>
#map1 = affine_map<(d0, d1) -> (0)>
#map2 = affine_map<(d0, d1) -> (0, 0, 0)>
module attributes {stable_mosaic.version = 14 : i64} {
  func.func @_agg_body(%arg0: i32, %arg1: i32, %arg2: memref<10000x128xf32, #tpu.memory_space<hbm>>, %arg3: memref<331776xi32, #tpu.memory_space<hbm>>, %arg4: memref<331776xi32, #tpu.memory_space<hbm>>, %arg5: memref<632x128xf32, #tpu.memory_space<hbm>>, %arg6: memref<2x10112x128xf32, #tpu.memory_space<hbm>>, %arg7: memref<10112x128xf32, #tpu.memory_space<vmem_shared>>, %arg8: memref<3x128xi32, #tpu.memory_space<vmem>>, %arg9: memref<3x128xi32, #tpu.memory_space<vmem>>, %arg10: memref<128x128xf32, #tpu.memory_space<vmem>>, %arg11: memref<128x128xf32, #tpu.memory_space<vmem>>, %arg12: memref<128x128xf32, #tpu.memory_space<vmem>>, %arg13: memref<!tpu.dma_semaphore, #tpu.memory_space<semaphore_mem>>, %arg14: memref<!tpu.dma_semaphore, #tpu.memory_space<semaphore_mem>>, %arg15: memref<!tpu.dma_semaphore, #tpu.memory_space<semaphore_mem>>, %arg16: memref<!tpu.dma_semaphore, #tpu.memory_space<semaphore_mem>>, %arg17: memref<!tpu.dma_semaphore, #tpu.memory_space<semaphore_mem>>, %arg18: memref<!tpu.dma_semaphore, #tpu.memory_space<semaphore_mem>>, %arg19: memref<!tpu.dma_semaphore, #tpu.memory_space<semaphore_mem>>, %arg20: memref<!tpu.dma_semaphore, #tpu.memory_space<semaphore_mem>>, %arg21: memref<!tpu.dma_semaphore, #tpu.memory_space<semaphore_mem>>) attributes {dimension_semantics = [#tpu.dimension_semantics<core_parallel>, #tpu.dimension_semantics<subcore_parallel>], iteration_bounds = array<i64: 2, 16>, scalar_prefetch = 0 : i64, scratch_operands = 15 : i64, tpu.core_type = #tpu.core_type<sc_vector_subcore>, window_params = [{transform_indices = #map}, {transform_indices = #map1}, {transform_indices = #map1}, {transform_indices = #map}, {transform_indices = #map2}]} {
    %mul3A = arith.constant 2 : i32
    %mul3A_0 = arith.muli %arg1, %mul3A : i32
    %add3A = arith.addi %mul3A_0, %arg0 : i32
    %mul3A_1 = arith.constant 632 : i32
    %mul3A_2 = arith.muli %arg1, %mul3A_1 : i32
    %mul3A_3 = arith.constant 10368 : i32
    %mul3A_4 = arith.muli %add3A, %mul3A_3 : i32
    "tpu.region"() ({
      %run_scoped3A = tpu.sem_alloc : memref<!tpu.dma_semaphore, #tpu.memory_space<semaphore_mem>>
      %dma_start3A_100 = arith.constant 0 : i32
      %dma_start3A_101 = tpu.memref_slice %arg7[%mul3A_2, %dma_start3A_100] : memref<10112x128xf32, #tpu.memory_space<vmem_shared>> -> memref<632x128xf32, #tpu.memory_space<vmem_shared>>
      tpu.enqueue_dma source(%arg5 : memref<632x128xf32, #tpu.memory_space<hbm>>) target(%dma_start3A_101 : memref<632x128xf32, #tpu.memory_space<vmem_shared>>) target_semaphore(%run_scoped3A : memref<!tpu.dma_semaphore, #tpu.memory_space<semaphore_mem>>)
      %dma_wait3A_102 = arith.constant 0 : i32
      %dma_wait3A_103 = tpu.memref_slice %arg7[%mul3A_2, %dma_wait3A_102] : memref<10112x128xf32, #tpu.memory_space<vmem_shared>> -> memref<632x128xf32, #tpu.memory_space<vmem_shared>>
      tpu.wait_dma2 semaphore(%run_scoped3A : memref<!tpu.dma_semaphore, #tpu.memory_space<semaphore_mem>>) src(%arg5 : memref<632x128xf32, #tpu.memory_space<hbm>>) dst(%dma_wait3A_103 : memref<632x128xf32, #tpu.memory_space<vmem_shared>>)
      tpu.yield
    }) : () -> ()
    %barrier3A = arith.constant 0 : index
    tpu.barrier barrier_id(%barrier3A)
    %add3A_5 = arith.constant 0 : i32
    %add3A_6 = arith.addi %mul3A_4, %add3A_5 : i32
    %dma_start3A = arith.constant 0 : i32
    %dma_start3A_7 = arith.constant 0 : i32
    %dma_start3A_8 = tpu.memref_slice %arg8[%dma_start3A, %dma_start3A_7] : memref<3x128xi32, #tpu.memory_space<vmem>> -> memref<1x128xi32, #tpu.memory_space<vmem>>
    %dma_start3A_9 = tpu.memref_squeeze %dma_start3A_8 : memref<1x128xi32, #tpu.memory_space<vmem>> -> memref<128xi32, #tpu.memory_space<vmem>>
    %dma_start3A_10 = tpu.memref_slice %arg3[%add3A_6] : memref<331776xi32, #tpu.memory_space<hbm>> -> memref<128xi32, #tpu.memory_space<hbm>>
    %dma_start3A_11 = arith.constant 0 : i32
    %dma_start3A_12 = tpu.memref_slice %arg8[%dma_start3A, %dma_start3A_11] : memref<3x128xi32, #tpu.memory_space<vmem>> -> memref<1x128xi32, #tpu.memory_space<vmem>>
    %dma_start3A_13 = tpu.memref_squeeze %dma_start3A_12 : memref<1x128xi32, #tpu.memory_space<vmem>> -> memref<128xi32, #tpu.memory_space<vmem>>
    %dma_start3A_14 = tpu.memref_slice %arg3[%add3A_6] : memref<331776xi32, #tpu.memory_space<hbm>> -> memref<128xi32, #tpu.memory_space<hbm>>
    tpu.enqueue_dma source(%dma_start3A_14 : memref<128xi32, #tpu.memory_space<hbm>>) target(%dma_start3A_13 : memref<128xi32, #tpu.memory_space<vmem>>) target_semaphore(%arg16 : memref<!tpu.dma_semaphore, #tpu.memory_space<semaphore_mem>>)
    %add3A_15 = arith.constant 128 : i32
    %add3A_16 = arith.addi %mul3A_4, %add3A_15 : i32
    %dma_start3A_17 = arith.constant 1 : i32
    %dma_start3A_18 = arith.constant 0 : i32
    %dma_start3A_19 = tpu.memref_slice %arg8[%dma_start3A_17, %dma_start3A_18] : memref<3x128xi32, #tpu.memory_space<vmem>> -> memref<1x128xi32, #tpu.memory_space<vmem>>
    %dma_start3A_20 = tpu.memref_squeeze %dma_start3A_19 : memref<1x128xi32, #tpu.memory_space<vmem>> -> memref<128xi32, #tpu.memory_space<vmem>>
    %dma_start3A_21 = tpu.memref_slice %arg3[%add3A_16] : memref<331776xi32, #tpu.memory_space<hbm>> -> memref<128xi32, #tpu.memory_space<hbm>>
    %dma_start3A_22 = arith.constant 0 : i32
    %dma_start3A_23 = tpu.memref_slice %arg8[%dma_start3A_17, %dma_start3A_22] : memref<3x128xi32, #tpu.memory_space<vmem>> -> memref<1x128xi32, #tpu.memory_space<vmem>>
    %dma_start3A_24 = tpu.memref_squeeze %dma_start3A_23 : memref<1x128xi32, #tpu.memory_space<vmem>> -> memref<128xi32, #tpu.memory_space<vmem>>
    %dma_start3A_25 = tpu.memref_slice %arg3[%add3A_16] : memref<331776xi32, #tpu.memory_space<hbm>> -> memref<128xi32, #tpu.memory_space<hbm>>
    tpu.enqueue_dma source(%dma_start3A_25 : memref<128xi32, #tpu.memory_space<hbm>>) target(%dma_start3A_24 : memref<128xi32, #tpu.memory_space<vmem>>) target_semaphore(%arg17 : memref<!tpu.dma_semaphore, #tpu.memory_space<semaphore_mem>>)
    %add3A_26 = arith.constant 256 : i32
    %add3A_27 = arith.addi %mul3A_4, %add3A_26 : i32
    %dma_start3A_28 = arith.constant 2 : i32
    %dma_start3A_29 = arith.constant 0 : i32
    %dma_start3A_30 = tpu.memref_slice %arg8[%dma_start3A_28, %dma_start3A_29] : memref<3x128xi32, #tpu.memory_space<vmem>> -> memref<1x128xi32, #tpu.memory_space<vmem>>
    %dma_start3A_31 = tpu.memref_squeeze %dma_start3A_30 : memref<1x128xi32, #tpu.memory_space<vmem>> -> memref<128xi32, #tpu.memory_space<vmem>>
    %dma_start3A_32 = tpu.memref_slice %arg3[%add3A_27] : memref<331776xi32, #tpu.memory_space<hbm>> -> memref<128xi32, #tpu.memory_space<hbm>>
    %dma_start3A_33 = arith.constant 0 : i32
    %dma_start3A_34 = tpu.memref_slice %arg8[%dma_start3A_28, %dma_start3A_33] : memref<3x128xi32, #tpu.memory_space<vmem>> -> memref<1x128xi32, #tpu.memory_space<vmem>>
    %dma_start3A_35 = tpu.memref_squeeze %dma_start3A_34 : memref<1x128xi32, #tpu.memory_space<vmem>> -> memref<128xi32, #tpu.memory_space<vmem>>
    %dma_start3A_36 = tpu.memref_slice %arg3[%add3A_27] : memref<331776xi32, #tpu.memory_space<hbm>> -> memref<128xi32, #tpu.memory_space<hbm>>
    tpu.enqueue_dma source(%dma_start3A_36 : memref<128xi32, #tpu.memory_space<hbm>>) target(%dma_start3A_35 : memref<128xi32, #tpu.memory_space<vmem>>) target_semaphore(%arg18 : memref<!tpu.dma_semaphore, #tpu.memory_space<semaphore_mem>>)
    %add3A_37 = arith.constant 0 : i32
    %add3A_38 = arith.addi %mul3A_4, %add3A_37 : i32
    %dma_start3A_39 = arith.constant 0 : i32
    %dma_start3A_40 = arith.constant 0 : i32
    %dma_start3A_41 = tpu.memref_slice %arg9[%dma_start3A_39, %dma_start3A_40] : memref<3x128xi32, #tpu.memory_space<vmem>> -> memref<1x128xi32, #tpu.memory_space<vmem>>
    %dma_start3A_42 = tpu.memref_squeeze %dma_start3A_41 : memref<1x128xi32, #tpu.memory_space<vmem>> -> memref<128xi32, #tpu.memory_space<vmem>>
    %dma_start3A_43 = tpu.memref_slice %arg4[%add3A_38] : memref<331776xi32, #tpu.memory_space<hbm>> -> memref<128xi32, #tpu.memory_space<hbm>>
    %dma_start3A_44 = arith.constant 0 : i32
    %dma_start3A_45 = tpu.memref_slice %arg9[%dma_start3A_39, %dma_start3A_44] : memref<3x128xi32, #tpu.memory_space<vmem>> -> memref<1x128xi32, #tpu.memory_space<vmem>>
    %dma_start3A_46 = tpu.memref_squeeze %dma_start3A_45 : memref<1x128xi32, #tpu.memory_space<vmem>> -> memref<128xi32, #tpu.memory_space<vmem>>
    %dma_start3A_47 = tpu.memref_slice %arg4[%add3A_38] : memref<331776xi32, #tpu.memory_space<hbm>> -> memref<128xi32, #tpu.memory_space<hbm>>
    tpu.enqueue_dma source(%dma_start3A_47 : memref<128xi32, #tpu.memory_space<hbm>>) target(%dma_start3A_46 : memref<128xi32, #tpu.memory_space<vmem>>) target_semaphore(%arg19 : memref<!tpu.dma_semaphore, #tpu.memory_space<semaphore_mem>>)
    %add3A_48 = arith.constant 128 : i32
    %add3A_49 = arith.addi %mul3A_4, %add3A_48 : i32
    %dma_start3A_50 = arith.constant 1 : i32
    %dma_start3A_51 = arith.constant 0 : i32
    %dma_start3A_52 = tpu.memref_slice %arg9[%dma_start3A_50, %dma_start3A_51] : memref<3x128xi32, #tpu.memory_space<vmem>> -> memref<1x128xi32, #tpu.memory_space<vmem>>
    %dma_start3A_53 = tpu.memref_squeeze %dma_start3A_52 : memref<1x128xi32, #tpu.memory_space<vmem>> -> memref<128xi32, #tpu.memory_space<vmem>>
    %dma_start3A_54 = tpu.memref_slice %arg4[%add3A_49] : memref<331776xi32, #tpu.memory_space<hbm>> -> memref<128xi32, #tpu.memory_space<hbm>>
    %dma_start3A_55 = arith.constant 0 : i32
    %dma_start3A_56 = tpu.memref_slice %arg9[%dma_start3A_50, %dma_start3A_55] : memref<3x128xi32, #tpu.memory_space<vmem>> -> memref<1x128xi32, #tpu.memory_space<vmem>>
    %dma_start3A_57 = tpu.memref_squeeze %dma_start3A_56 : memref<1x128xi32, #tpu.memory_space<vmem>> -> memref<128xi32, #tpu.memory_space<vmem>>
    %dma_start3A_58 = tpu.memref_slice %arg4[%add3A_49] : memref<331776xi32, #tpu.memory_space<hbm>> -> memref<128xi32, #tpu.memory_space<hbm>>
    tpu.enqueue_dma source(%dma_start3A_58 : memref<128xi32, #tpu.memory_space<hbm>>) target(%dma_start3A_57 : memref<128xi32, #tpu.memory_space<vmem>>) target_semaphore(%arg20 : memref<!tpu.dma_semaphore, #tpu.memory_space<semaphore_mem>>)
    %add3A_59 = arith.constant 0 : i32
    %add3A_60 = arith.addi %mul3A_4, %add3A_59 : i32
    %dma_wait3A = arith.constant 0 : i32
    %dma_wait3A_61 = arith.constant 0 : i32
    %dma_wait3A_62 = tpu.memref_slice %arg8[%dma_wait3A, %dma_wait3A_61] : memref<3x128xi32, #tpu.memory_space<vmem>> -> memref<1x128xi32, #tpu.memory_space<vmem>>
    %dma_wait3A_63 = tpu.memref_squeeze %dma_wait3A_62 : memref<1x128xi32, #tpu.memory_space<vmem>> -> memref<128xi32, #tpu.memory_space<vmem>>
    %dma_wait3A_64 = tpu.memref_slice %arg3[%add3A_60] : memref<331776xi32, #tpu.memory_space<hbm>> -> memref<128xi32, #tpu.memory_space<hbm>>
    %dma_wait3A_65 = arith.constant 0 : i32
    %dma_wait3A_66 = tpu.memref_slice %arg8[%dma_wait3A, %dma_wait3A_65] : memref<3x128xi32, #tpu.memory_space<vmem>> -> memref<1x128xi32, #tpu.memory_space<vmem>>
    %dma_wait3A_67 = tpu.memref_squeeze %dma_wait3A_66 : memref<1x128xi32, #tpu.memory_space<vmem>> -> memref<128xi32, #tpu.memory_space<vmem>>
    %dma_wait3A_68 = tpu.memref_slice %arg3[%add3A_60] : memref<331776xi32, #tpu.memory_space<hbm>> -> memref<128xi32, #tpu.memory_space<hbm>>
    tpu.wait_dma2 semaphore(%arg16 : memref<!tpu.dma_semaphore, #tpu.memory_space<semaphore_mem>>) src(%dma_wait3A_68 : memref<128xi32, #tpu.memory_space<hbm>>) dst(%dma_wait3A_67 : memref<128xi32, #tpu.memory_space<vmem>>)
    %dma_start3A_69 = arith.constant 0 : i32
    %dma_start3A_70 = arith.constant 0 : i32
    %dma_start3A_71 = tpu.memref_slice %arg8[%dma_start3A_69, %dma_start3A_70] : memref<3x128xi32, #tpu.memory_space<vmem>> -> memref<1x128xi32, #tpu.memory_space<vmem>>
    %dma_start3A_72 = tpu.memref_squeeze %dma_start3A_71 : memref<1x128xi32, #tpu.memory_space<vmem>> -> memref<128xi32, #tpu.memory_space<vmem>>
    %dma_start3A_73 = arith.constant 0 : i32
    %dma_start3A_74 = arith.constant 0 : i32
    %dma_start3A_75 = tpu.memref_slice %arg2[%dma_start3A_73, %dma_start3A_74] : memref<10000x128xf32, #tpu.memory_space<hbm>> -> memref<10000x128xf32, #tpu.memory_space<hbm>>
    tpu.enqueue_indirect_dma source(%dma_start3A_75 : memref<10000x128xf32, #tpu.memory_space<hbm>>) target(%arg10 : memref<128x128xf32, #tpu.memory_space<vmem>>) offsets(%dma_start3A_72 : memref<128xi32, #tpu.memory_space<vmem>>) semaphore(%arg13 : memref<!tpu.dma_semaphore, #tpu.memory_space<semaphore_mem>>)
    %add3A_76 = arith.constant 128 : i32
    %add3A_77 = arith.addi %mul3A_4, %add3A_76 : i32
    %dma_wait3A_78 = arith.constant 1 : i32
    %dma_wait3A_79 = arith.constant 0 : i32
    %dma_wait3A_80 = tpu.memref_slice %arg8[%dma_wait3A_78, %dma_wait3A_79] : memref<3x128xi32, #tpu.memory_space<vmem>> -> memref<1x128xi32, #tpu.memory_space<vmem>>
    %dma_wait3A_81 = tpu.memref_squeeze %dma_wait3A_80 : memref<1x128xi32, #tpu.memory_space<vmem>> -> memref<128xi32, #tpu.memory_space<vmem>>
    %dma_wait3A_82 = tpu.memref_slice %arg3[%add3A_77] : memref<331776xi32, #tpu.memory_space<hbm>> -> memref<128xi32, #tpu.memory_space<hbm>>
    %dma_wait3A_83 = arith.constant 0 : i32
    %dma_wait3A_84 = tpu.memref_slice %arg8[%dma_wait3A_78, %dma_wait3A_83] : memref<3x128xi32, #tpu.memory_space<vmem>> -> memref<1x128xi32, #tpu.memory_space<vmem>>
    %dma_wait3A_85 = tpu.memref_squeeze %dma_wait3A_84 : memref<1x128xi32, #tpu.memory_space<vmem>> -> memref<128xi32, #tpu.memory_space<vmem>>
    %dma_wait3A_86 = tpu.memref_slice %arg3[%add3A_77] : memref<331776xi32, #tpu.memory_space<hbm>> -> memref<128xi32, #tpu.memory_space<hbm>>
    tpu.wait_dma2 semaphore(%arg17 : memref<!tpu.dma_semaphore, #tpu.memory_space<semaphore_mem>>) src(%dma_wait3A_86 : memref<128xi32, #tpu.memory_space<hbm>>) dst(%dma_wait3A_85 : memref<128xi32, #tpu.memory_space<vmem>>)
    %dma_start3A_87 = arith.constant 1 : i32
    %dma_start3A_88 = arith.constant 0 : i32
    %dma_start3A_89 = tpu.memref_slice %arg8[%dma_start3A_87, %dma_start3A_88] : memref<3x128xi32, #tpu.memory_space<vmem>> -> memref<1x128xi32, #tpu.memory_space<vmem>>
    %dma_start3A_90 = tpu.memref_squeeze %dma_start3A_89 : memref<1x128xi32, #tpu.memory_space<vmem>> -> memref<128xi32, #tpu.memory_space<vmem>>
    %dma_start3A_91 = arith.constant 0 : i32
    %dma_start3A_92 = arith.constant 0 : i32
    %dma_start3A_93 = tpu.memref_slice %arg2[%dma_start3A_91, %dma_start3A_92] : memref<10000x128xf32, #tpu.memory_space<hbm>> -> memref<10000x128xf32, #tpu.memory_space<hbm>>
    tpu.enqueue_indirect_dma source(%dma_start3A_93 : memref<10000x128xf32, #tpu.memory_space<hbm>>) target(%arg11 : memref<128x128xf32, #tpu.memory_space<vmem>>) offsets(%dma_start3A_90 : memref<128xi32, #tpu.memory_space<vmem>>) semaphore(%arg14 : memref<!tpu.dma_semaphore, #tpu.memory_space<semaphore_mem>>)
    %scan3A = arith.constant 0 : i32
    %scan3A_94 = arith.constant 0 : i32
    %scan3A_95 = arith.constant 27 : i32
    %scan3A_96 = arith.addi %scan3A_94, %scan3A_95 : i32
    %scan3A_97 = arith.constant 1 : i32
    scf.for %scan3A_100 = %scan3A_94 to %scan3A_96 step %scan3A_97  : i32 {
      %mul3A_101 = arith.constant 3 : i32
      %mul3A_102 = arith.muli %mul3A_101, %scan3A_100 : i32
      %add3A_103 = arith.constant 0 : i32
      %add3A_104 = arith.addi %mul3A_102, %add3A_103 : i32
      %dma_wait3A_105 = arith.constant 0 : i32
      %dma_wait3A_106 = arith.constant 0 : i32
      %dma_wait3A_107 = tpu.memref_slice %arg8[%dma_wait3A_105, %dma_wait3A_106] : memref<3x128xi32, #tpu.memory_space<vmem>> -> memref<1x128xi32, #tpu.memory_space<vmem>>
      %dma_wait3A_108 = tpu.memref_squeeze %dma_wait3A_107 : memref<1x128xi32, #tpu.memory_space<vmem>> -> memref<128xi32, #tpu.memory_space<vmem>>
      %dma_wait3A_109 = arith.constant 0 : i32
      %dma_wait3A_110 = arith.constant 0 : i32
      %dma_wait3A_111 = tpu.memref_slice %arg2[%dma_wait3A_109, %dma_wait3A_110] : memref<10000x128xf32, #tpu.memory_space<hbm>> -> memref<10000x128xf32, #tpu.memory_space<hbm>>
      tpu.wait_indirect_dma semaphore(%arg13 : memref<!tpu.dma_semaphore, #tpu.memory_space<semaphore_mem>>) src(%dma_wait3A_111 : memref<10000x128xf32, #tpu.memory_space<hbm>>) dst(%arg10 : memref<128x128xf32, #tpu.memory_space<vmem>>)
      %add3A_112 = arith.constant 2 : i32
      %add3A_113 = arith.addi %add3A_104, %add3A_112 : i32
      %lt3A = arith.constant 81 : i32
      %lt3A_114 = arith.cmpi slt, %add3A_113, %lt3A : i32
      %convert_element_type3A = arith.extui %lt3A_114 : i1 to i32
      %cond3A = arith.constant 0 : i32
      %cond3A_115 = arith.cmpi ne, %convert_element_type3A, %cond3A : i32
      scf.if %cond3A_115 {
        %add3A_211 = arith.constant 2 : i32
        %add3A_212 = arith.addi %add3A_104, %add3A_211 : i32
        %mul3A_213 = arith.constant 128 : i32
        %mul3A_214 = arith.muli %add3A_212, %mul3A_213 : i32
        %add3A_215 = arith.addi %mul3A_4, %mul3A_214 : i32
        %dma_wait3A_216 = arith.constant 2 : i32
        %dma_wait3A_217 = arith.constant 0 : i32
        %dma_wait3A_218 = tpu.memref_slice %arg8[%dma_wait3A_216, %dma_wait3A_217] : memref<3x128xi32, #tpu.memory_space<vmem>> -> memref<1x128xi32, #tpu.memory_space<vmem>>
        %dma_wait3A_219 = tpu.memref_squeeze %dma_wait3A_218 : memref<1x128xi32, #tpu.memory_space<vmem>> -> memref<128xi32, #tpu.memory_space<vmem>>
        %dma_wait3A_220 = tpu.memref_slice %arg3[%add3A_215] : memref<331776xi32, #tpu.memory_space<hbm>> -> memref<128xi32, #tpu.memory_space<hbm>>
        %dma_wait3A_221 = arith.constant 0 : i32
        %dma_wait3A_222 = tpu.memref_slice %arg8[%dma_wait3A_216, %dma_wait3A_221] : memref<3x128xi32, #tpu.memory_space<vmem>> -> memref<1x128xi32, #tpu.memory_space<vmem>>
        %dma_wait3A_223 = tpu.memref_squeeze %dma_wait3A_222 : memref<1x128xi32, #tpu.memory_space<vmem>> -> memref<128xi32, #tpu.memory_space<vmem>>
        %dma_wait3A_224 = tpu.memref_slice %arg3[%add3A_215] : memref<331776xi32, #tpu.memory_space<hbm>> -> memref<128xi32, #tpu.memory_space<hbm>>
        tpu.wait_dma2 semaphore(%arg18 : memref<!tpu.dma_semaphore, #tpu.memory_space<semaphore_mem>>) src(%dma_wait3A_224 : memref<128xi32, #tpu.memory_space<hbm>>) dst(%dma_wait3A_223 : memref<128xi32, #tpu.memory_space<vmem>>)
        %dma_start3A_225 = arith.constant 2 : i32
        %dma_start3A_226 = arith.constant 0 : i32
        %dma_start3A_227 = tpu.memref_slice %arg8[%dma_start3A_225, %dma_start3A_226] : memref<3x128xi32, #tpu.memory_space<vmem>> -> memref<1x128xi32, #tpu.memory_space<vmem>>
        %dma_start3A_228 = tpu.memref_squeeze %dma_start3A_227 : memref<1x128xi32, #tpu.memory_space<vmem>> -> memref<128xi32, #tpu.memory_space<vmem>>
        %dma_start3A_229 = arith.constant 0 : i32
        %dma_start3A_230 = arith.constant 0 : i32
        %dma_start3A_231 = tpu.memref_slice %arg2[%dma_start3A_229, %dma_start3A_230] : memref<10000x128xf32, #tpu.memory_space<hbm>> -> memref<10000x128xf32, #tpu.memory_space<hbm>>
        tpu.enqueue_indirect_dma source(%dma_start3A_231 : memref<10000x128xf32, #tpu.memory_space<hbm>>) target(%arg12 : memref<128x128xf32, #tpu.memory_space<vmem>>) offsets(%dma_start3A_228 : memref<128xi32, #tpu.memory_space<vmem>>) semaphore(%arg15 : memref<!tpu.dma_semaphore, #tpu.memory_space<semaphore_mem>>)
        %add3A_232 = arith.constant 2 : i32
        %add3A_233 = arith.addi %add3A_104, %add3A_232 : i32
        %mul3A_234 = arith.constant 128 : i32
        %mul3A_235 = arith.muli %add3A_233, %mul3A_234 : i32
        %add3A_236 = arith.addi %mul3A_4, %mul3A_235 : i32
        %dma_start3A_237 = arith.constant 2 : i32
        %dma_start3A_238 = arith.constant 0 : i32
        %dma_start3A_239 = tpu.memref_slice %arg9[%dma_start3A_237, %dma_start3A_238] : memref<3x128xi32, #tpu.memory_space<vmem>> -> memref<1x128xi32, #tpu.memory_space<vmem>>
        %dma_start3A_240 = tpu.memref_squeeze %dma_start3A_239 : memref<1x128xi32, #tpu.memory_space<vmem>> -> memref<128xi32, #tpu.memory_space<vmem>>
        %dma_start3A_241 = tpu.memref_slice %arg4[%add3A_236] : memref<331776xi32, #tpu.memory_space<hbm>> -> memref<128xi32, #tpu.memory_space<hbm>>
        %dma_start3A_242 = arith.constant 0 : i32
        %dma_start3A_243 = tpu.memref_slice %arg9[%dma_start3A_237, %dma_start3A_242] : memref<3x128xi32, #tpu.memory_space<vmem>> -> memref<1x128xi32, #tpu.memory_space<vmem>>
        %dma_start3A_244 = tpu.memref_squeeze %dma_start3A_243 : memref<1x128xi32, #tpu.memory_space<vmem>> -> memref<128xi32, #tpu.memory_space<vmem>>
        %dma_start3A_245 = tpu.memref_slice %arg4[%add3A_236] : memref<331776xi32, #tpu.memory_space<hbm>> -> memref<128xi32, #tpu.memory_space<hbm>>
        tpu.enqueue_dma source(%dma_start3A_245 : memref<128xi32, #tpu.memory_space<hbm>>) target(%dma_start3A_244 : memref<128xi32, #tpu.memory_space<vmem>>) target_semaphore(%arg21 : memref<!tpu.dma_semaphore, #tpu.memory_space<semaphore_mem>>)
      } else {
      }
      %add3A_116 = arith.constant 3 : i32
      %add3A_117 = arith.addi %add3A_104, %add3A_116 : i32
      %lt3A_118 = arith.constant 81 : i32
      %lt3A_119 = arith.cmpi slt, %add3A_117, %lt3A_118 : i32
      %convert_element_type3A_120 = arith.extui %lt3A_119 : i1 to i32
      %cond3A_121 = arith.constant 0 : i32
      %cond3A_122 = arith.cmpi ne, %convert_element_type3A_120, %cond3A_121 : i32
      scf.if %cond3A_122 {
        %add3A_211 = arith.constant 3 : i32
        %add3A_212 = arith.addi %add3A_104, %add3A_211 : i32
        %mul3A_213 = arith.constant 128 : i32
        %mul3A_214 = arith.muli %add3A_212, %mul3A_213 : i32
        %add3A_215 = arith.addi %mul3A_4, %mul3A_214 : i32
        %dma_start3A_216 = arith.constant 0 : i32
        %dma_start3A_217 = arith.constant 0 : i32
        %dma_start3A_218 = tpu.memref_slice %arg8[%dma_start3A_216, %dma_start3A_217] : memref<3x128xi32, #tpu.memory_space<vmem>> -> memref<1x128xi32, #tpu.memory_space<vmem>>
        %dma_start3A_219 = tpu.memref_squeeze %dma_start3A_218 : memref<1x128xi32, #tpu.memory_space<vmem>> -> memref<128xi32, #tpu.memory_space<vmem>>
        %dma_start3A_220 = tpu.memref_slice %arg3[%add3A_215] : memref<331776xi32, #tpu.memory_space<hbm>> -> memref<128xi32, #tpu.memory_space<hbm>>
        %dma_start3A_221 = arith.constant 0 : i32
        %dma_start3A_222 = tpu.memref_slice %arg8[%dma_start3A_216, %dma_start3A_221] : memref<3x128xi32, #tpu.memory_space<vmem>> -> memref<1x128xi32, #tpu.memory_space<vmem>>
        %dma_start3A_223 = tpu.memref_squeeze %dma_start3A_222 : memref<1x128xi32, #tpu.memory_space<vmem>> -> memref<128xi32, #tpu.memory_space<vmem>>
        %dma_start3A_224 = tpu.memref_slice %arg3[%add3A_215] : memref<331776xi32, #tpu.memory_space<hbm>> -> memref<128xi32, #tpu.memory_space<hbm>>
        tpu.enqueue_dma source(%dma_start3A_224 : memref<128xi32, #tpu.memory_space<hbm>>) target(%dma_start3A_223 : memref<128xi32, #tpu.memory_space<vmem>>) target_semaphore(%arg16 : memref<!tpu.dma_semaphore, #tpu.memory_space<semaphore_mem>>)
      } else {
      }
      %mul3A_123 = arith.constant 128 : i32
      %mul3A_124 = arith.muli %add3A_104, %mul3A_123 : i32
      %add3A_125 = arith.addi %mul3A_4, %mul3A_124 : i32
      %dma_wait3A_126 = arith.constant 0 : i32
      %dma_wait3A_127 = arith.constant 0 : i32
      %dma_wait3A_128 = tpu.memref_slice %arg9[%dma_wait3A_126, %dma_wait3A_127] : memref<3x128xi32, #tpu.memory_space<vmem>> -> memref<1x128xi32, #tpu.memory_space<vmem>>
      %dma_wait3A_129 = tpu.memref_squeeze %dma_wait3A_128 : memref<1x128xi32, #tpu.memory_space<vmem>> -> memref<128xi32, #tpu.memory_space<vmem>>
      %dma_wait3A_130 = tpu.memref_slice %arg4[%add3A_125] : memref<331776xi32, #tpu.memory_space<hbm>> -> memref<128xi32, #tpu.memory_space<hbm>>
      %dma_wait3A_131 = arith.constant 0 : i32
      %dma_wait3A_132 = tpu.memref_slice %arg9[%dma_wait3A_126, %dma_wait3A_131] : memref<3x128xi32, #tpu.memory_space<vmem>> -> memref<1x128xi32, #tpu.memory_space<vmem>>
      %dma_wait3A_133 = tpu.memref_squeeze %dma_wait3A_132 : memref<1x128xi32, #tpu.memory_space<vmem>> -> memref<128xi32, #tpu.memory_space<vmem>>
      %dma_wait3A_134 = tpu.memref_slice %arg4[%add3A_125] : memref<331776xi32, #tpu.memory_space<hbm>> -> memref<128xi32, #tpu.memory_space<hbm>>
      tpu.wait_dma2 semaphore(%arg19 : memref<!tpu.dma_semaphore, #tpu.memory_space<semaphore_mem>>) src(%dma_wait3A_134 : memref<128xi32, #tpu.memory_space<hbm>>) dst(%dma_wait3A_133 : memref<128xi32, #tpu.memory_space<vmem>>)
      %run_scoped3A = arith.constant 0 : i32
      "tpu.region"() ({
        %run_scoped3A_211 = tpu.sem_alloc : memref<!tpu.dma_semaphore, #tpu.memory_space<semaphore_mem>>
        %dma_start3A_212 = arith.constant 0 : i32
        %dma_start3A_213 = tpu.memref_slice %arg9[%run_scoped3A, %dma_start3A_212] : memref<3x128xi32, #tpu.memory_space<vmem>> -> memref<1x128xi32, #tpu.memory_space<vmem>>
        %dma_start3A_214 = tpu.memref_squeeze %dma_start3A_213 : memref<1x128xi32, #tpu.memory_space<vmem>> -> memref<128xi32, #tpu.memory_space<vmem>>
        %dma_start3A_215 = arith.constant 0 : i32
        %dma_start3A_216 = arith.constant 0 : i32
        %dma_start3A_217 = tpu.memref_slice %arg7[%dma_start3A_215, %dma_start3A_216] : memref<10112x128xf32, #tpu.memory_space<vmem_shared>> -> memref<10112x128xf32, #tpu.memory_space<vmem_shared>>
        tpu.enqueue_indirect_dma source(%arg10 : memref<128x128xf32, #tpu.memory_space<vmem>>) target(%dma_start3A_217 : memref<10112x128xf32, #tpu.memory_space<vmem_shared>>) offsets(%dma_start3A_214 : memref<128xi32, #tpu.memory_space<vmem>>) semaphore(%run_scoped3A_211 : memref<!tpu.dma_semaphore, #tpu.memory_space<semaphore_mem>>) {add = true}
        %dma_wait3A_218 = arith.constant 0 : i32
        %dma_wait3A_219 = tpu.memref_slice %arg9[%run_scoped3A, %dma_wait3A_218] : memref<3x128xi32, #tpu.memory_space<vmem>> -> memref<1x128xi32, #tpu.memory_space<vmem>>
        %dma_wait3A_220 = tpu.memref_squeeze %dma_wait3A_219 : memref<1x128xi32, #tpu.memory_space<vmem>> -> memref<128xi32, #tpu.memory_space<vmem>>
        %dma_wait3A_221 = arith.constant 0 : i32
        %dma_wait3A_222 = arith.constant 0 : i32
        %dma_wait3A_223 = tpu.memref_slice %arg7[%dma_wait3A_221, %dma_wait3A_222] : memref<10112x128xf32, #tpu.memory_space<vmem_shared>> -> memref<10112x128xf32, #tpu.memory_space<vmem_shared>>
        tpu.wait_indirect_dma semaphore(%run_scoped3A_211 : memref<!tpu.dma_semaphore, #tpu.memory_space<semaphore_mem>>) src(%arg10 : memref<128x128xf32, #tpu.memory_space<vmem>>) dst(%dma_wait3A_223 : memref<10112x128xf32, #tpu.memory_space<vmem_shared>>)
        tpu.yield
      }) : () -> ()
      %mul3A_135 = arith.constant 3 : i32
      %mul3A_136 = arith.muli %mul3A_135, %scan3A_100 : i32
      %add3A_137 = arith.constant 1 : i32
      %add3A_138 = arith.addi %mul3A_136, %add3A_137 : i32
      %dma_wait3A_139 = arith.constant 1 : i32
      %dma_wait3A_140 = arith.constant 0 : i32
      %dma_wait3A_141 = tpu.memref_slice %arg8[%dma_wait3A_139, %dma_wait3A_140] : memref<3x128xi32, #tpu.memory_space<vmem>> -> memref<1x128xi32, #tpu.memory_space<vmem>>
      %dma_wait3A_142 = tpu.memref_squeeze %dma_wait3A_141 : memref<1x128xi32, #tpu.memory_space<vmem>> -> memref<128xi32, #tpu.memory_space<vmem>>
      %dma_wait3A_143 = arith.constant 0 : i32
      %dma_wait3A_144 = arith.constant 0 : i32
      %dma_wait3A_145 = tpu.memref_slice %arg2[%dma_wait3A_143, %dma_wait3A_144] : memref<10000x128xf32, #tpu.memory_space<hbm>> -> memref<10000x128xf32, #tpu.memory_space<hbm>>
      tpu.wait_indirect_dma semaphore(%arg14 : memref<!tpu.dma_semaphore, #tpu.memory_space<semaphore_mem>>) src(%dma_wait3A_145 : memref<10000x128xf32, #tpu.memory_space<hbm>>) dst(%arg11 : memref<128x128xf32, #tpu.memory_space<vmem>>)
      %add3A_146 = arith.constant 2 : i32
      %add3A_147 = arith.addi %add3A_138, %add3A_146 : i32
      %lt3A_148 = arith.constant 81 : i32
      %lt3A_149 = arith.cmpi slt, %add3A_147, %lt3A_148 : i32
      %convert_element_type3A_150 = arith.extui %lt3A_149 : i1 to i32
      %cond3A_151 = arith.constant 0 : i32
      %cond3A_152 = arith.cmpi ne, %convert_element_type3A_150, %cond3A_151 : i32
      scf.if %cond3A_152 {
        %add3A_211 = arith.constant 2 : i32
        %add3A_212 = arith.addi %add3A_138, %add3A_211 : i32
        %mul3A_213 = arith.constant 128 : i32
        %mul3A_214 = arith.muli %add3A_212, %mul3A_213 : i32
        %add3A_215 = arith.addi %mul3A_4, %mul3A_214 : i32
        %dma_wait3A_216 = arith.constant 0 : i32
        %dma_wait3A_217 = arith.constant 0 : i32
        %dma_wait3A_218 = tpu.memref_slice %arg8[%dma_wait3A_216, %dma_wait3A_217] : memref<3x128xi32, #tpu.memory_space<vmem>> -> memref<1x128xi32, #tpu.memory_space<vmem>>
        %dma_wait3A_219 = tpu.memref_squeeze %dma_wait3A_218 : memref<1x128xi32, #tpu.memory_space<vmem>> -> memref<128xi32, #tpu.memory_space<vmem>>
        %dma_wait3A_220 = tpu.memref_slice %arg3[%add3A_215] : memref<331776xi32, #tpu.memory_space<hbm>> -> memref<128xi32, #tpu.memory_space<hbm>>
        %dma_wait3A_221 = arith.constant 0 : i32
        %dma_wait3A_222 = tpu.memref_slice %arg8[%dma_wait3A_216, %dma_wait3A_221] : memref<3x128xi32, #tpu.memory_space<vmem>> -> memref<1x128xi32, #tpu.memory_space<vmem>>
        %dma_wait3A_223 = tpu.memref_squeeze %dma_wait3A_222 : memref<1x128xi32, #tpu.memory_space<vmem>> -> memref<128xi32, #tpu.memory_space<vmem>>
        %dma_wait3A_224 = tpu.memref_slice %arg3[%add3A_215] : memref<331776xi32, #tpu.memory_space<hbm>> -> memref<128xi32, #tpu.memory_space<hbm>>
        tpu.wait_dma2 semaphore(%arg16 : memref<!tpu.dma_semaphore, #tpu.memory_space<semaphore_mem>>) src(%dma_wait3A_224 : memref<128xi32, #tpu.memory_space<hbm>>) dst(%dma_wait3A_223 : memref<128xi32, #tpu.memory_space<vmem>>)
        %dma_start3A_225 = arith.constant 0 : i32
        %dma_start3A_226 = arith.constant 0 : i32
        %dma_start3A_227 = tpu.memref_slice %arg8[%dma_start3A_225, %dma_start3A_226] : memref<3x128xi32, #tpu.memory_space<vmem>> -> memref<1x128xi32, #tpu.memory_space<vmem>>
        %dma_start3A_228 = tpu.memref_squeeze %dma_start3A_227 : memref<1x128xi32, #tpu.memory_space<vmem>> -> memref<128xi32, #tpu.memory_space<vmem>>
        %dma_start3A_229 = arith.constant 0 : i32
        %dma_start3A_230 = arith.constant 0 : i32
        %dma_start3A_231 = tpu.memref_slice %arg2[%dma_start3A_229, %dma_start3A_230] : memref<10000x128xf32, #tpu.memory_space<hbm>> -> memref<10000x128xf32, #tpu.memory_space<hbm>>
        tpu.enqueue_indirect_dma source(%dma_start3A_231 : memref<10000x128xf32, #tpu.memory_space<hbm>>) target(%arg10 : memref<128x128xf32, #tpu.memory_space<vmem>>) offsets(%dma_start3A_228 : memref<128xi32, #tpu.memory_space<vmem>>) semaphore(%arg13 : memref<!tpu.dma_semaphore, #tpu.memory_space<semaphore_mem>>)
        %add3A_232 = arith.constant 2 : i32
        %add3A_233 = arith.addi %add3A_138, %add3A_232 : i32
        %mul3A_234 = arith.constant 128 : i32
        %mul3A_235 = arith.muli %add3A_233, %mul3A_234 : i32
        %add3A_236 = arith.addi %mul3A_4, %mul3A_235 : i32
        %dma_start3A_237 = arith.constant 0 : i32
        %dma_start3A_238 = arith.constant 0 : i32
        %dma_start3A_239 = tpu.memref_slice %arg9[%dma_start3A_237, %dma_start3A_238] : memref<3x128xi32, #tpu.memory_space<vmem>> -> memref<1x128xi32, #tpu.memory_space<vmem>>
        %dma_start3A_240 = tpu.memref_squeeze %dma_start3A_239 : memref<1x128xi32, #tpu.memory_space<vmem>> -> memref<128xi32, #tpu.memory_space<vmem>>
        %dma_start3A_241 = tpu.memref_slice %arg4[%add3A_236] : memref<331776xi32, #tpu.memory_space<hbm>> -> memref<128xi32, #tpu.memory_space<hbm>>
        %dma_start3A_242 = arith.constant 0 : i32
        %dma_start3A_243 = tpu.memref_slice %arg9[%dma_start3A_237, %dma_start3A_242] : memref<3x128xi32, #tpu.memory_space<vmem>> -> memref<1x128xi32, #tpu.memory_space<vmem>>
        %dma_start3A_244 = tpu.memref_squeeze %dma_start3A_243 : memref<1x128xi32, #tpu.memory_space<vmem>> -> memref<128xi32, #tpu.memory_space<vmem>>
        %dma_start3A_245 = tpu.memref_slice %arg4[%add3A_236] : memref<331776xi32, #tpu.memory_space<hbm>> -> memref<128xi32, #tpu.memory_space<hbm>>
        tpu.enqueue_dma source(%dma_start3A_245 : memref<128xi32, #tpu.memory_space<hbm>>) target(%dma_start3A_244 : memref<128xi32, #tpu.memory_space<vmem>>) target_semaphore(%arg19 : memref<!tpu.dma_semaphore, #tpu.memory_space<semaphore_mem>>)
      } else {
      }
      %add3A_153 = arith.constant 3 : i32
      %add3A_154 = arith.addi %add3A_138, %add3A_153 : i32
      %lt3A_155 = arith.constant 81 : i32
      %lt3A_156 = arith.cmpi slt, %add3A_154, %lt3A_155 : i32
      %convert_element_type3A_157 = arith.extui %lt3A_156 : i1 to i32
      %cond3A_158 = arith.constant 0 : i32
      %cond3A_159 = arith.cmpi ne, %convert_element_type3A_157, %cond3A_158 : i32
      scf.if %cond3A_159 {
        %add3A_211 = arith.constant 3 : i32
        %add3A_212 = arith.addi %add3A_138, %add3A_211 : i32
        %mul3A_213 = arith.constant 128 : i32
        %mul3A_214 = arith.muli %add3A_212, %mul3A_213 : i32
        %add3A_215 = arith.addi %mul3A_4, %mul3A_214 : i32
        %dma_start3A_216 = arith.constant 1 : i32
        %dma_start3A_217 = arith.constant 0 : i32
        %dma_start3A_218 = tpu.memref_slice %arg8[%dma_start3A_216, %dma_start3A_217] : memref<3x128xi32, #tpu.memory_space<vmem>> -> memref<1x128xi32, #tpu.memory_space<vmem>>
        %dma_start3A_219 = tpu.memref_squeeze %dma_start3A_218 : memref<1x128xi32, #tpu.memory_space<vmem>> -> memref<128xi32, #tpu.memory_space<vmem>>
        %dma_start3A_220 = tpu.memref_slice %arg3[%add3A_215] : memref<331776xi32, #tpu.memory_space<hbm>> -> memref<128xi32, #tpu.memory_space<hbm>>
        %dma_start3A_221 = arith.constant 0 : i32
        %dma_start3A_222 = tpu.memref_slice %arg8[%dma_start3A_216, %dma_start3A_221] : memref<3x128xi32, #tpu.memory_space<vmem>> -> memref<1x128xi32, #tpu.memory_space<vmem>>
        %dma_start3A_223 = tpu.memref_squeeze %dma_start3A_222 : memref<1x128xi32, #tpu.memory_space<vmem>> -> memref<128xi32, #tpu.memory_space<vmem>>
        %dma_start3A_224 = tpu.memref_slice %arg3[%add3A_215] : memref<331776xi32, #tpu.memory_space<hbm>> -> memref<128xi32, #tpu.memory_space<hbm>>
        tpu.enqueue_dma source(%dma_start3A_224 : memref<128xi32, #tpu.memory_space<hbm>>) target(%dma_start3A_223 : memref<128xi32, #tpu.memory_space<vmem>>) target_semaphore(%arg17 : memref<!tpu.dma_semaphore, #tpu.memory_space<semaphore_mem>>)
      } else {
      }
      %mul3A_160 = arith.constant 128 : i32
      %mul3A_161 = arith.muli %add3A_138, %mul3A_160 : i32
      %add3A_162 = arith.addi %mul3A_4, %mul3A_161 : i32
      %dma_wait3A_163 = arith.constant 1 : i32
      %dma_wait3A_164 = arith.constant 0 : i32
      %dma_wait3A_165 = tpu.memref_slice %arg9[%dma_wait3A_163, %dma_wait3A_164] : memref<3x128xi32, #tpu.memory_space<vmem>> -> memref<1x128xi32, #tpu.memory_space<vmem>>
      %dma_wait3A_166 = tpu.memref_squeeze %dma_wait3A_165 : memref<1x128xi32, #tpu.memory_space<vmem>> -> memref<128xi32, #tpu.memory_space<vmem>>
      %dma_wait3A_167 = tpu.memref_slice %arg4[%add3A_162] : memref<331776xi32, #tpu.memory_space<hbm>> -> memref<128xi32, #tpu.memory_space<hbm>>
      %dma_wait3A_168 = arith.constant 0 : i32
      %dma_wait3A_169 = tpu.memref_slice %arg9[%dma_wait3A_163, %dma_wait3A_168] : memref<3x128xi32, #tpu.memory_space<vmem>> -> memref<1x128xi32, #tpu.memory_space<vmem>>
      %dma_wait3A_170 = tpu.memref_squeeze %dma_wait3A_169 : memref<1x128xi32, #tpu.memory_space<vmem>> -> memref<128xi32, #tpu.memory_space<vmem>>
      %dma_wait3A_171 = tpu.memref_slice %arg4[%add3A_162] : memref<331776xi32, #tpu.memory_space<hbm>> -> memref<128xi32, #tpu.memory_space<hbm>>
      tpu.wait_dma2 semaphore(%arg20 : memref<!tpu.dma_semaphore, #tpu.memory_space<semaphore_mem>>) src(%dma_wait3A_171 : memref<128xi32, #tpu.memory_space<hbm>>) dst(%dma_wait3A_170 : memref<128xi32, #tpu.memory_space<vmem>>)
      %run_scoped3A_172 = arith.constant 1 : i32
      "tpu.region"() ({
        %run_scoped3A_211 = tpu.sem_alloc : memref<!tpu.dma_semaphore, #tpu.memory_space<semaphore_mem>>
        %dma_start3A_212 = arith.constant 0 : i32
        %dma_start3A_213 = tpu.memref_slice %arg9[%run_scoped3A_172, %dma_start3A_212] : memref<3x128xi32, #tpu.memory_space<vmem>> -> memref<1x128xi32, #tpu.memory_space<vmem>>
        %dma_start3A_214 = tpu.memref_squeeze %dma_start3A_213 : memref<1x128xi32, #tpu.memory_space<vmem>> -> memref<128xi32, #tpu.memory_space<vmem>>
        %dma_start3A_215 = arith.constant 0 : i32
        %dma_start3A_216 = arith.constant 0 : i32
        %dma_start3A_217 = tpu.memref_slice %arg7[%dma_start3A_215, %dma_start3A_216] : memref<10112x128xf32, #tpu.memory_space<vmem_shared>> -> memref<10112x128xf32, #tpu.memory_space<vmem_shared>>
        tpu.enqueue_indirect_dma source(%arg11 : memref<128x128xf32, #tpu.memory_space<vmem>>) target(%dma_start3A_217 : memref<10112x128xf32, #tpu.memory_space<vmem_shared>>) offsets(%dma_start3A_214 : memref<128xi32, #tpu.memory_space<vmem>>) semaphore(%run_scoped3A_211 : memref<!tpu.dma_semaphore, #tpu.memory_space<semaphore_mem>>) {add = true}
        %dma_wait3A_218 = arith.constant 0 : i32
        %dma_wait3A_219 = tpu.memref_slice %arg9[%run_scoped3A_172, %dma_wait3A_218] : memref<3x128xi32, #tpu.memory_space<vmem>> -> memref<1x128xi32, #tpu.memory_space<vmem>>
        %dma_wait3A_220 = tpu.memref_squeeze %dma_wait3A_219 : memref<1x128xi32, #tpu.memory_space<vmem>> -> memref<128xi32, #tpu.memory_space<vmem>>
        %dma_wait3A_221 = arith.constant 0 : i32
        %dma_wait3A_222 = arith.constant 0 : i32
        %dma_wait3A_223 = tpu.memref_slice %arg7[%dma_wait3A_221, %dma_wait3A_222] : memref<10112x128xf32, #tpu.memory_space<vmem_shared>> -> memref<10112x128xf32, #tpu.memory_space<vmem_shared>>
        tpu.wait_indirect_dma semaphore(%run_scoped3A_211 : memref<!tpu.dma_semaphore, #tpu.memory_space<semaphore_mem>>) src(%arg11 : memref<128x128xf32, #tpu.memory_space<vmem>>) dst(%dma_wait3A_223 : memref<10112x128xf32, #tpu.memory_space<vmem_shared>>)
        tpu.yield
      }) : () -> ()
      %mul3A_173 = arith.constant 3 : i32
      %mul3A_174 = arith.muli %mul3A_173, %scan3A_100 : i32
      %add3A_175 = arith.constant 2 : i32
      %add3A_176 = arith.addi %mul3A_174, %add3A_175 : i32
      %dma_wait3A_177 = arith.constant 2 : i32
      %dma_wait3A_178 = arith.constant 0 : i32
      %dma_wait3A_179 = tpu.memref_slice %arg8[%dma_wait3A_177, %dma_wait3A_178] : memref<3x128xi32, #tpu.memory_space<vmem>> -> memref<1x128xi32, #tpu.memory_space<vmem>>
      %dma_wait3A_180 = tpu.memref_squeeze %dma_wait3A_179 : memref<1x128xi32, #tpu.memory_space<vmem>> -> memref<128xi32, #tpu.memory_space<vmem>>
      %dma_wait3A_181 = arith.constant 0 : i32
      %dma_wait3A_182 = arith.constant 0 : i32
      %dma_wait3A_183 = tpu.memref_slice %arg2[%dma_wait3A_181, %dma_wait3A_182] : memref<10000x128xf32, #tpu.memory_space<hbm>> -> memref<10000x128xf32, #tpu.memory_space<hbm>>
      tpu.wait_indirect_dma semaphore(%arg15 : memref<!tpu.dma_semaphore, #tpu.memory_space<semaphore_mem>>) src(%dma_wait3A_183 : memref<10000x128xf32, #tpu.memory_space<hbm>>) dst(%arg12 : memref<128x128xf32, #tpu.memory_space<vmem>>)
      %add3A_184 = arith.constant 2 : i32
      %add3A_185 = arith.addi %add3A_176, %add3A_184 : i32
      %lt3A_186 = arith.constant 81 : i32
      %lt3A_187 = arith.cmpi slt, %add3A_185, %lt3A_186 : i32
      %convert_element_type3A_188 = arith.extui %lt3A_187 : i1 to i32
      %cond3A_189 = arith.constant 0 : i32
      %cond3A_190 = arith.cmpi ne, %convert_element_type3A_188, %cond3A_189 : i32
      scf.if %cond3A_190 {
        %add3A_211 = arith.constant 2 : i32
        %add3A_212 = arith.addi %add3A_176, %add3A_211 : i32
        %mul3A_213 = arith.constant 128 : i32
        %mul3A_214 = arith.muli %add3A_212, %mul3A_213 : i32
        %add3A_215 = arith.addi %mul3A_4, %mul3A_214 : i32
        %dma_wait3A_216 = arith.constant 1 : i32
        %dma_wait3A_217 = arith.constant 0 : i32
        %dma_wait3A_218 = tpu.memref_slice %arg8[%dma_wait3A_216, %dma_wait3A_217] : memref<3x128xi32, #tpu.memory_space<vmem>> -> memref<1x128xi32, #tpu.memory_space<vmem>>
        %dma_wait3A_219 = tpu.memref_squeeze %dma_wait3A_218 : memref<1x128xi32, #tpu.memory_space<vmem>> -> memref<128xi32, #tpu.memory_space<vmem>>
        %dma_wait3A_220 = tpu.memref_slice %arg3[%add3A_215] : memref<331776xi32, #tpu.memory_space<hbm>> -> memref<128xi32, #tpu.memory_space<hbm>>
        %dma_wait3A_221 = arith.constant 0 : i32
        %dma_wait3A_222 = tpu.memref_slice %arg8[%dma_wait3A_216, %dma_wait3A_221] : memref<3x128xi32, #tpu.memory_space<vmem>> -> memref<1x128xi32, #tpu.memory_space<vmem>>
        %dma_wait3A_223 = tpu.memref_squeeze %dma_wait3A_222 : memref<1x128xi32, #tpu.memory_space<vmem>> -> memref<128xi32, #tpu.memory_space<vmem>>
        %dma_wait3A_224 = tpu.memref_slice %arg3[%add3A_215] : memref<331776xi32, #tpu.memory_space<hbm>> -> memref<128xi32, #tpu.memory_space<hbm>>
        tpu.wait_dma2 semaphore(%arg17 : memref<!tpu.dma_semaphore, #tpu.memory_space<semaphore_mem>>) src(%dma_wait3A_224 : memref<128xi32, #tpu.memory_space<hbm>>) dst(%dma_wait3A_223 : memref<128xi32, #tpu.memory_space<vmem>>)
        %dma_start3A_225 = arith.constant 1 : i32
        %dma_start3A_226 = arith.constant 0 : i32
        %dma_start3A_227 = tpu.memref_slice %arg8[%dma_start3A_225, %dma_start3A_226] : memref<3x128xi32, #tpu.memory_space<vmem>> -> memref<1x128xi32, #tpu.memory_space<vmem>>
        %dma_start3A_228 = tpu.memref_squeeze %dma_start3A_227 : memref<1x128xi32, #tpu.memory_space<vmem>> -> memref<128xi32, #tpu.memory_space<vmem>>
        %dma_start3A_229 = arith.constant 0 : i32
        %dma_start3A_230 = arith.constant 0 : i32
        %dma_start3A_231 = tpu.memref_slice %arg2[%dma_start3A_229, %dma_start3A_230] : memref<10000x128xf32, #tpu.memory_space<hbm>> -> memref<10000x128xf32, #tpu.memory_space<hbm>>
        tpu.enqueue_indirect_dma source(%dma_start3A_231 : memref<10000x128xf32, #tpu.memory_space<hbm>>) target(%arg11 : memref<128x128xf32, #tpu.memory_space<vmem>>) offsets(%dma_start3A_228 : memref<128xi32, #tpu.memory_space<vmem>>) semaphore(%arg14 : memref<!tpu.dma_semaphore, #tpu.memory_space<semaphore_mem>>)
        %add3A_232 = arith.constant 2 : i32
        %add3A_233 = arith.addi %add3A_176, %add3A_232 : i32
        %mul3A_234 = arith.constant 128 : i32
        %mul3A_235 = arith.muli %add3A_233, %mul3A_234 : i32
        %add3A_236 = arith.addi %mul3A_4, %mul3A_235 : i32
        %dma_start3A_237 = arith.constant 1 : i32
        %dma_start3A_238 = arith.constant 0 : i32
        %dma_start3A_239 = tpu.memref_slice %arg9[%dma_start3A_237, %dma_start3A_238] : memref<3x128xi32, #tpu.memory_space<vmem>> -> memref<1x128xi32, #tpu.memory_space<vmem>>
        %dma_start3A_240 = tpu.memref_squeeze %dma_start3A_239 : memref<1x128xi32, #tpu.memory_space<vmem>> -> memref<128xi32, #tpu.memory_space<vmem>>
        %dma_start3A_241 = tpu.memref_slice %arg4[%add3A_236] : memref<331776xi32, #tpu.memory_space<hbm>> -> memref<128xi32, #tpu.memory_space<hbm>>
        %dma_start3A_242 = arith.constant 0 : i32
        %dma_start3A_243 = tpu.memref_slice %arg9[%dma_start3A_237, %dma_start3A_242] : memref<3x128xi32, #tpu.memory_space<vmem>> -> memref<1x128xi32, #tpu.memory_space<vmem>>
        %dma_start3A_244 = tpu.memref_squeeze %dma_start3A_243 : memref<1x128xi32, #tpu.memory_space<vmem>> -> memref<128xi32, #tpu.memory_space<vmem>>
        %dma_start3A_245 = tpu.memref_slice %arg4[%add3A_236] : memref<331776xi32, #tpu.memory_space<hbm>> -> memref<128xi32, #tpu.memory_space<hbm>>
        tpu.enqueue_dma source(%dma_start3A_245 : memref<128xi32, #tpu.memory_space<hbm>>) target(%dma_start3A_244 : memref<128xi32, #tpu.memory_space<vmem>>) target_semaphore(%arg20 : memref<!tpu.dma_semaphore, #tpu.memory_space<semaphore_mem>>)
      } else {
      }
      %add3A_191 = arith.constant 3 : i32
      %add3A_192 = arith.addi %add3A_176, %add3A_191 : i32
      %lt3A_193 = arith.constant 81 : i32
      %lt3A_194 = arith.cmpi slt, %add3A_192, %lt3A_193 : i32
      %convert_element_type3A_195 = arith.extui %lt3A_194 : i1 to i32
      %cond3A_196 = arith.constant 0 : i32
      %cond3A_197 = arith.cmpi ne, %convert_element_type3A_195, %cond3A_196 : i32
      scf.if %cond3A_197 {
        %add3A_211 = arith.constant 3 : i32
        %add3A_212 = arith.addi %add3A_176, %add3A_211 : i32
        %mul3A_213 = arith.constant 128 : i32
        %mul3A_214 = arith.muli %add3A_212, %mul3A_213 : i32
        %add3A_215 = arith.addi %mul3A_4, %mul3A_214 : i32
        %dma_start3A_216 = arith.constant 2 : i32
        %dma_start3A_217 = arith.constant 0 : i32
        %dma_start3A_218 = tpu.memref_slice %arg8[%dma_start3A_216, %dma_start3A_217] : memref<3x128xi32, #tpu.memory_space<vmem>> -> memref<1x128xi32, #tpu.memory_space<vmem>>
        %dma_start3A_219 = tpu.memref_squeeze %dma_start3A_218 : memref<1x128xi32, #tpu.memory_space<vmem>> -> memref<128xi32, #tpu.memory_space<vmem>>
        %dma_start3A_220 = tpu.memref_slice %arg3[%add3A_215] : memref<331776xi32, #tpu.memory_space<hbm>> -> memref<128xi32, #tpu.memory_space<hbm>>
        %dma_start3A_221 = arith.constant 0 : i32
        %dma_start3A_222 = tpu.memref_slice %arg8[%dma_start3A_216, %dma_start3A_221] : memref<3x128xi32, #tpu.memory_space<vmem>> -> memref<1x128xi32, #tpu.memory_space<vmem>>
        %dma_start3A_223 = tpu.memref_squeeze %dma_start3A_222 : memref<1x128xi32, #tpu.memory_space<vmem>> -> memref<128xi32, #tpu.memory_space<vmem>>
        %dma_start3A_224 = tpu.memref_slice %arg3[%add3A_215] : memref<331776xi32, #tpu.memory_space<hbm>> -> memref<128xi32, #tpu.memory_space<hbm>>
        tpu.enqueue_dma source(%dma_start3A_224 : memref<128xi32, #tpu.memory_space<hbm>>) target(%dma_start3A_223 : memref<128xi32, #tpu.memory_space<vmem>>) target_semaphore(%arg18 : memref<!tpu.dma_semaphore, #tpu.memory_space<semaphore_mem>>)
      } else {
      }
      %mul3A_198 = arith.constant 128 : i32
      %mul3A_199 = arith.muli %add3A_176, %mul3A_198 : i32
      %add3A_200 = arith.addi %mul3A_4, %mul3A_199 : i32
      %dma_wait3A_201 = arith.constant 2 : i32
      %dma_wait3A_202 = arith.constant 0 : i32
      %dma_wait3A_203 = tpu.memref_slice %arg9[%dma_wait3A_201, %dma_wait3A_202] : memref<3x128xi32, #tpu.memory_space<vmem>> -> memref<1x128xi32, #tpu.memory_space<vmem>>
      %dma_wait3A_204 = tpu.memref_squeeze %dma_wait3A_203 : memref<1x128xi32, #tpu.memory_space<vmem>> -> memref<128xi32, #tpu.memory_space<vmem>>
      %dma_wait3A_205 = tpu.memref_slice %arg4[%add3A_200] : memref<331776xi32, #tpu.memory_space<hbm>> -> memref<128xi32, #tpu.memory_space<hbm>>
      %dma_wait3A_206 = arith.constant 0 : i32
      %dma_wait3A_207 = tpu.memref_slice %arg9[%dma_wait3A_201, %dma_wait3A_206] : memref<3x128xi32, #tpu.memory_space<vmem>> -> memref<1x128xi32, #tpu.memory_space<vmem>>
      %dma_wait3A_208 = tpu.memref_squeeze %dma_wait3A_207 : memref<1x128xi32, #tpu.memory_space<vmem>> -> memref<128xi32, #tpu.memory_space<vmem>>
      %dma_wait3A_209 = tpu.memref_slice %arg4[%add3A_200] : memref<331776xi32, #tpu.memory_space<hbm>> -> memref<128xi32, #tpu.memory_space<hbm>>
      tpu.wait_dma2 semaphore(%arg21 : memref<!tpu.dma_semaphore, #tpu.memory_space<semaphore_mem>>) src(%dma_wait3A_209 : memref<128xi32, #tpu.memory_space<hbm>>) dst(%dma_wait3A_208 : memref<128xi32, #tpu.memory_space<vmem>>)
      %run_scoped3A_210 = arith.constant 2 : i32
      "tpu.region"() ({
        %run_scoped3A_211 = tpu.sem_alloc : memref<!tpu.dma_semaphore, #tpu.memory_space<semaphore_mem>>
        %dma_start3A_212 = arith.constant 0 : i32
        %dma_start3A_213 = tpu.memref_slice %arg9[%run_scoped3A_210, %dma_start3A_212] : memref<3x128xi32, #tpu.memory_space<vmem>> -> memref<1x128xi32, #tpu.memory_space<vmem>>
        %dma_start3A_214 = tpu.memref_squeeze %dma_start3A_213 : memref<1x128xi32, #tpu.memory_space<vmem>> -> memref<128xi32, #tpu.memory_space<vmem>>
        %dma_start3A_215 = arith.constant 0 : i32
        %dma_start3A_216 = arith.constant 0 : i32
        %dma_start3A_217 = tpu.memref_slice %arg7[%dma_start3A_215, %dma_start3A_216] : memref<10112x128xf32, #tpu.memory_space<vmem_shared>> -> memref<10112x128xf32, #tpu.memory_space<vmem_shared>>
        tpu.enqueue_indirect_dma source(%arg12 : memref<128x128xf32, #tpu.memory_space<vmem>>) target(%dma_start3A_217 : memref<10112x128xf32, #tpu.memory_space<vmem_shared>>) offsets(%dma_start3A_214 : memref<128xi32, #tpu.memory_space<vmem>>) semaphore(%run_scoped3A_211 : memref<!tpu.dma_semaphore, #tpu.memory_space<semaphore_mem>>) {add = true}
        %dma_wait3A_218 = arith.constant 0 : i32
        %dma_wait3A_219 = tpu.memref_slice %arg9[%run_scoped3A_210, %dma_wait3A_218] : memref<3x128xi32, #tpu.memory_space<vmem>> -> memref<1x128xi32, #tpu.memory_space<vmem>>
        %dma_wait3A_220 = tpu.memref_squeeze %dma_wait3A_219 : memref<1x128xi32, #tpu.memory_space<vmem>> -> memref<128xi32, #tpu.memory_space<vmem>>
        %dma_wait3A_221 = arith.constant 0 : i32
        %dma_wait3A_222 = arith.constant 0 : i32
        %dma_wait3A_223 = tpu.memref_slice %arg7[%dma_wait3A_221, %dma_wait3A_222] : memref<10112x128xf32, #tpu.memory_space<vmem_shared>> -> memref<10112x128xf32, #tpu.memory_space<vmem_shared>>
        tpu.wait_indirect_dma semaphore(%run_scoped3A_211 : memref<!tpu.dma_semaphore, #tpu.memory_space<semaphore_mem>>) src(%arg12 : memref<128x128xf32, #tpu.memory_space<vmem>>) dst(%dma_wait3A_223 : memref<10112x128xf32, #tpu.memory_space<vmem_shared>>)
        tpu.yield
      }) : () -> ()
    }
    %scan3A_98 = arith.constant 27 : i32
    %barrier3A_99 = arith.constant 0 : index
    tpu.barrier barrier_id(%barrier3A_99)
    "tpu.region"() ({
      %run_scoped3A = tpu.sem_alloc : memref<!tpu.dma_semaphore, #tpu.memory_space<semaphore_mem>>
      %dma_start3A_100 = arith.constant 0 : i32
      %dma_start3A_101 = tpu.memref_slice %arg6[%arg0, %mul3A_2, %dma_start3A_100] : memref<2x10112x128xf32, #tpu.memory_space<hbm>> -> memref<1x632x128xf32, #tpu.memory_space<hbm>>
      %dma_start3A_102 = tpu.memref_squeeze %dma_start3A_101 : memref<1x632x128xf32, #tpu.memory_space<hbm>> -> memref<632x128xf32, #tpu.memory_space<hbm>>
      %dma_start3A_103 = arith.constant 0 : i32
      %dma_start3A_104 = tpu.memref_slice %arg7[%mul3A_2, %dma_start3A_103] : memref<10112x128xf32, #tpu.memory_space<vmem_shared>> -> memref<632x128xf32, #tpu.memory_space<vmem_shared>>
      tpu.enqueue_dma source(%dma_start3A_104 : memref<632x128xf32, #tpu.memory_space<vmem_shared>>) target(%dma_start3A_102 : memref<632x128xf32, #tpu.memory_space<hbm>>) target_semaphore(%run_scoped3A : memref<!tpu.dma_semaphore, #tpu.memory_space<semaphore_mem>>)
      %dma_wait3A_105 = arith.constant 0 : i32
      %dma_wait3A_106 = tpu.memref_slice %arg6[%arg0, %mul3A_2, %dma_wait3A_105] : memref<2x10112x128xf32, #tpu.memory_space<hbm>> -> memref<1x632x128xf32, #tpu.memory_space<hbm>>
      %dma_wait3A_107 = tpu.memref_squeeze %dma_wait3A_106 : memref<1x632x128xf32, #tpu.memory_space<hbm>> -> memref<632x128xf32, #tpu.memory_space<hbm>>
      %dma_wait3A_108 = arith.constant 0 : i32
      %dma_wait3A_109 = tpu.memref_slice %arg7[%mul3A_2, %dma_wait3A_108] : memref<10112x128xf32, #tpu.memory_space<vmem_shared>> -> memref<632x128xf32, #tpu.memory_space<vmem_shared>>
      tpu.wait_dma2 semaphore(%run_scoped3A : memref<!tpu.dma_semaphore, #tpu.memory_space<semaphore_mem>>) src(%dma_wait3A_109 : memref<632x128xf32, #tpu.memory_space<vmem_shared>>) dst(%dma_wait3A_107 : memref<632x128xf32, #tpu.memory_space<hbm>>)
      tpu.yield
    }) : () -> ()
    return
  }
}

#map = affine_map<(d0, d1) -> (0, 0)>
#map1 = affine_map<(d0, d1) -> (0)>
#map2 = affine_map<(d0, d1) -> (0, 0, 0)>
module attributes {stable_mosaic.version = 14 : i64} {
  func.func @_agg_body(%arg0: i32, %arg1: i32, %arg2: memref<10000x128xf32, #tpu.memory_space<hbm>>, %arg3: memref<331776xi32, #tpu.memory_space<hbm>>, %arg4: memref<331776xi32, #tpu.memory_space<hbm>>, %arg5: memref<632x128xf32, #tpu.memory_space<hbm>>, %arg6: memref<2x10112x128xf32, #tpu.memory_space<hbm>>, %arg7: memref<10112x128xf32, #tpu.memory_space<vmem_shared>>, %arg8: memref<3x128xi32, #tpu.memory_space<vmem>>, %arg9: memref<3x128xi32, #tpu.memory_space<vmem>>, %arg10: memref<128x128xf32, #tpu.memory_space<vmem>>, %arg11: memref<128x128xf32, #tpu.memory_space<vmem>>, %arg12: memref<128x128xf32, #tpu.memory_space<vmem>>, %arg13: memref<!tpu.dma_semaphore, #tpu.memory_space<semaphore_mem>>, %arg14: memref<!tpu.dma_semaphore, #tpu.memory_space<semaphore_mem>>, %arg15: memref<!tpu.dma_semaphore, #tpu.memory_space<semaphore_mem>>, %arg16: memref<!tpu.dma_semaphore, #tpu.memory_space<semaphore_mem>>, %arg17: memref<!tpu.dma_semaphore, #tpu.memory_space<semaphore_mem>>, %arg18: memref<!tpu.dma_semaphore, #tpu.memory_space<semaphore_mem>>, %arg19: memref<!tpu.dma_semaphore, #tpu.memory_space<semaphore_mem>>, %arg20: memref<!tpu.dma_semaphore, #tpu.memory_space<semaphore_mem>>, %arg21: memref<!tpu.dma_semaphore, #tpu.memory_space<semaphore_mem>>) attributes {dimension_semantics = [#tpu.dimension_semantics<core_parallel>, #tpu.dimension_semantics<subcore_parallel>], iteration_bounds = array<i64: 2, 16>, scalar_prefetch = 0 : i64, scratch_operands = 15 : i64, tpu.core_type = #tpu.core_type<sc_vector_subcore>, window_params = [{transform_indices = #map}, {transform_indices = #map1}, {transform_indices = #map1}, {transform_indices = #map}, {transform_indices = #map2}]} {
    %mul3A = arith.constant 2 : i32
    %mul3A_0 = arith.muli %arg1, %mul3A : i32
    %add3A = arith.addi %mul3A_0, %arg0 : i32
    %mul3A_1 = arith.constant 632 : i32
    %mul3A_2 = arith.muli %arg1, %mul3A_1 : i32
    %mul3A_3 = arith.constant 10368 : i32
    %mul3A_4 = arith.muli %add3A, %mul3A_3 : i32
    "tpu.region"() ({
      %run_scoped3A = tpu.sem_alloc : memref<!tpu.dma_semaphore, #tpu.memory_space<semaphore_mem>>
      %dma_start3A_100 = arith.constant 0 : i32
      %dma_start3A_101 = tpu.memref_slice %arg7[%mul3A_2, %dma_start3A_100] : memref<10112x128xf32, #tpu.memory_space<vmem_shared>> -> memref<632x128xf32, #tpu.memory_space<vmem_shared>>
      tpu.enqueue_dma source(%arg5 : memref<632x128xf32, #tpu.memory_space<hbm>>) target(%dma_start3A_101 : memref<632x128xf32, #tpu.memory_space<vmem_shared>>) target_semaphore(%run_scoped3A : memref<!tpu.dma_semaphore, #tpu.memory_space<semaphore_mem>>)
      %dma_wait3A_102 = arith.constant 0 : i32
      %dma_wait3A_103 = tpu.memref_slice %arg7[%mul3A_2, %dma_wait3A_102] : memref<10112x128xf32, #tpu.memory_space<vmem_shared>> -> memref<632x128xf32, #tpu.memory_space<vmem_shared>>
      tpu.wait_dma2 semaphore(%run_scoped3A : memref<!tpu.dma_semaphore, #tpu.memory_space<semaphore_mem>>) src(%arg5 : memref<632x128xf32, #tpu.memory_space<hbm>>) dst(%dma_wait3A_103 : memref<632x128xf32, #tpu.memory_space<vmem_shared>>)
      tpu.yield
    }) : () -> ()
    %barrier3A = arith.constant 0 : index
    tpu.barrier barrier_id(%barrier3A)
    %add3A_5 = arith.constant 0 : i32
    %add3A_6 = arith.addi %mul3A_4, %add3A_5 : i32
    %dma_start3A = arith.constant 0 : i32
    %dma_start3A_7 = arith.constant 0 : i32
    %dma_start3A_8 = tpu.memref_slice %arg8[%dma_start3A, %dma_start3A_7] : memref<3x128xi32, #tpu.memory_space<vmem>> -> memref<1x128xi32, #tpu.memory_space<vmem>>
    %dma_start3A_9 = tpu.memref_squeeze %dma_start3A_8 : memref<1x128xi32, #tpu.memory_space<vmem>> -> memref<128xi32, #tpu.memory_space<vmem>>
    %dma_start3A_10 = tpu.memref_slice %arg3[%add3A_6] : memref<331776xi32, #tpu.memory_space<hbm>> -> memref<128xi32, #tpu.memory_space<hbm>>
    %dma_start3A_11 = arith.constant 0 : i32
    %dma_start3A_12 = tpu.memref_slice %arg8[%dma_start3A, %dma_start3A_11] : memref<3x128xi32, #tpu.memory_space<vmem>> -> memref<1x128xi32, #tpu.memory_space<vmem>>
    %dma_start3A_13 = tpu.memref_squeeze %dma_start3A_12 : memref<1x128xi32, #tpu.memory_space<vmem>> -> memref<128xi32, #tpu.memory_space<vmem>>
    %dma_start3A_14 = tpu.memref_slice %arg3[%add3A_6] : memref<331776xi32, #tpu.memory_space<hbm>> -> memref<128xi32, #tpu.memory_space<hbm>>
    tpu.enqueue_dma source(%dma_start3A_14 : memref<128xi32, #tpu.memory_space<hbm>>) target(%dma_start3A_13 : memref<128xi32, #tpu.memory_space<vmem>>) target_semaphore(%arg16 : memref<!tpu.dma_semaphore, #tpu.memory_space<semaphore_mem>>)
    %add3A_15 = arith.constant 128 : i32
    %add3A_16 = arith.addi %mul3A_4, %add3A_15 : i32
    %dma_start3A_17 = arith.constant 1 : i32
    %dma_start3A_18 = arith.constant 0 : i32
    %dma_start3A_19 = tpu.memref_slice %arg8[%dma_start3A_17, %dma_start3A_18] : memref<3x128xi32, #tpu.memory_space<vmem>> -> memref<1x128xi32, #tpu.memory_space<vmem>>
    %dma_start3A_20 = tpu.memref_squeeze %dma_start3A_19 : memref<1x128xi32, #tpu.memory_space<vmem>> -> memref<128xi32, #tpu.memory_space<vmem>>
    %dma_start3A_21 = tpu.memref_slice %arg3[%add3A_16] : memref<331776xi32, #tpu.memory_space<hbm>> -> memref<128xi32, #tpu.memory_space<hbm>>
    %dma_start3A_22 = arith.constant 0 : i32
    %dma_start3A_23 = tpu.memref_slice %arg8[%dma_start3A_17, %dma_start3A_22] : memref<3x128xi32, #tpu.memory_space<vmem>> -> memref<1x128xi32, #tpu.memory_space<vmem>>
    %dma_start3A_24 = tpu.memref_squeeze %dma_start3A_23 : memref<1x128xi32, #tpu.memory_space<vmem>> -> memref<128xi32, #tpu.memory_space<vmem>>
    %dma_start3A_25 = tpu.memref_slice %arg3[%add3A_16] : memref<331776xi32, #tpu.memory_space<hbm>> -> memref<128xi32, #tpu.memory_space<hbm>>
    tpu.enqueue_dma source(%dma_start3A_25 : memref<128xi32, #tpu.memory_space<hbm>>) target(%dma_start3A_24 : memref<128xi32, #tpu.memory_space<vmem>>) target_semaphore(%arg17 : memref<!tpu.dma_semaphore, #tpu.memory_space<semaphore_mem>>)
    %add3A_26 = arith.constant 256 : i32
    %add3A_27 = arith.addi %mul3A_4, %add3A_26 : i32
    %dma_start3A_28 = arith.constant 2 : i32
    %dma_start3A_29 = arith.constant 0 : i32
    %dma_start3A_30 = tpu.memref_slice %arg8[%dma_start3A_28, %dma_start3A_29] : memref<3x128xi32, #tpu.memory_space<vmem>> -> memref<1x128xi32, #tpu.memory_space<vmem>>
    %dma_start3A_31 = tpu.memref_squeeze %dma_start3A_30 : memref<1x128xi32, #tpu.memory_space<vmem>> -> memref<128xi32, #tpu.memory_space<vmem>>
    %dma_start3A_32 = tpu.memref_slice %arg3[%add3A_27] : memref<331776xi32, #tpu.memory_space<hbm>> -> memref<128xi32, #tpu.memory_space<hbm>>
    %dma_start3A_33 = arith.constant 0 : i32
    %dma_start3A_34 = tpu.memref_slice %arg8[%dma_start3A_28, %dma_start3A_33] : memref<3x128xi32, #tpu.memory_space<vmem>> -> memref<1x128xi32, #tpu.memory_space<vmem>>
    %dma_start3A_35 = tpu.memref_squeeze %dma_start3A_34 : memref<1x128xi32, #tpu.memory_space<vmem>> -> memref<128xi32, #tpu.memory_space<vmem>>
    %dma_start3A_36 = tpu.memref_slice %arg3[%add3A_27] : memref<331776xi32, #tpu.memory_space<hbm>> -> memref<128xi32, #tpu.memory_space<hbm>>
    tpu.enqueue_dma source(%dma_start3A_36 : memref<128xi32, #tpu.memory_space<hbm>>) target(%dma_start3A_35 : memref<128xi32, #tpu.memory_space<vmem>>) target_semaphore(%arg18 : memref<!tpu.dma_semaphore, #tpu.memory_space<semaphore_mem>>)
    %add3A_37 = arith.constant 0 : i32
    %add3A_38 = arith.addi %mul3A_4, %add3A_37 : i32
    %dma_start3A_39 = arith.constant 0 : i32
    %dma_start3A_40 = arith.constant 0 : i32
    %dma_start3A_41 = tpu.memref_slice %arg9[%dma_start3A_39, %dma_start3A_40] : memref<3x128xi32, #tpu.memory_space<vmem>> -> memref<1x128xi32, #tpu.memory_space<vmem>>
    %dma_start3A_42 = tpu.memref_squeeze %dma_start3A_41 : memref<1x128xi32, #tpu.memory_space<vmem>> -> memref<128xi32, #tpu.memory_space<vmem>>
    %dma_start3A_43 = tpu.memref_slice %arg4[%add3A_38] : memref<331776xi32, #tpu.memory_space<hbm>> -> memref<128xi32, #tpu.memory_space<hbm>>
    %dma_start3A_44 = arith.constant 0 : i32
    %dma_start3A_45 = tpu.memref_slice %arg9[%dma_start3A_39, %dma_start3A_44] : memref<3x128xi32, #tpu.memory_space<vmem>> -> memref<1x128xi32, #tpu.memory_space<vmem>>
    %dma_start3A_46 = tpu.memref_squeeze %dma_start3A_45 : memref<1x128xi32, #tpu.memory_space<vmem>> -> memref<128xi32, #tpu.memory_space<vmem>>
    %dma_start3A_47 = tpu.memref_slice %arg4[%add3A_38] : memref<331776xi32, #tpu.memory_space<hbm>> -> memref<128xi32, #tpu.memory_space<hbm>>
    tpu.enqueue_dma source(%dma_start3A_47 : memref<128xi32, #tpu.memory_space<hbm>>) target(%dma_start3A_46 : memref<128xi32, #tpu.memory_space<vmem>>) target_semaphore(%arg19 : memref<!tpu.dma_semaphore, #tpu.memory_space<semaphore_mem>>)
    %add3A_48 = arith.constant 128 : i32
    %add3A_49 = arith.addi %mul3A_4, %add3A_48 : i32
    %dma_start3A_50 = arith.constant 1 : i32
    %dma_start3A_51 = arith.constant 0 : i32
    %dma_start3A_52 = tpu.memref_slice %arg9[%dma_start3A_50, %dma_start3A_51] : memref<3x128xi32, #tpu.memory_space<vmem>> -> memref<1x128xi32, #tpu.memory_space<vmem>>
    %dma_start3A_53 = tpu.memref_squeeze %dma_start3A_52 : memref<1x128xi32, #tpu.memory_space<vmem>> -> memref<128xi32, #tpu.memory_space<vmem>>
    %dma_start3A_54 = tpu.memref_slice %arg4[%add3A_49] : memref<331776xi32, #tpu.memory_space<hbm>> -> memref<128xi32, #tpu.memory_space<hbm>>
    %dma_start3A_55 = arith.constant 0 : i32
    %dma_start3A_56 = tpu.memref_slice %arg9[%dma_start3A_50, %dma_start3A_55] : memref<3x128xi32, #tpu.memory_space<vmem>> -> memref<1x128xi32, #tpu.memory_space<vmem>>
    %dma_start3A_57 = tpu.memref_squeeze %dma_start3A_56 : memref<1x128xi32, #tpu.memory_space<vmem>> -> memref<128xi32, #tpu.memory_space<vmem>>
    %dma_start3A_58 = tpu.memref_slice %arg4[%add3A_49] : memref<331776xi32, #tpu.memory_space<hbm>> -> memref<128xi32, #tpu.memory_space<hbm>>
    tpu.enqueue_dma source(%dma_start3A_58 : memref<128xi32, #tpu.memory_space<hbm>>) target(%dma_start3A_57 : memref<128xi32, #tpu.memory_space<vmem>>) target_semaphore(%arg20 : memref<!tpu.dma_semaphore, #tpu.memory_space<semaphore_mem>>)
    %add3A_59 = arith.constant 0 : i32
    %add3A_60 = arith.addi %mul3A_4, %add3A_59 : i32
    %dma_wait3A = arith.constant 0 : i32
    %dma_wait3A_61 = arith.constant 0 : i32
    %dma_wait3A_62 = tpu.memref_slice %arg8[%dma_wait3A, %dma_wait3A_61] : memref<3x128xi32, #tpu.memory_space<vmem>> -> memref<1x128xi32, #tpu.memory_space<vmem>>
    %dma_wait3A_63 = tpu.memref_squeeze %dma_wait3A_62 : memref<1x128xi32, #tpu.memory_space<vmem>> -> memref<128xi32, #tpu.memory_space<vmem>>
    %dma_wait3A_64 = tpu.memref_slice %arg3[%add3A_60] : memref<331776xi32, #tpu.memory_space<hbm>> -> memref<128xi32, #tpu.memory_space<hbm>>
    %dma_wait3A_65 = arith.constant 0 : i32
    %dma_wait3A_66 = tpu.memref_slice %arg8[%dma_wait3A, %dma_wait3A_65] : memref<3x128xi32, #tpu.memory_space<vmem>> -> memref<1x128xi32, #tpu.memory_space<vmem>>
    %dma_wait3A_67 = tpu.memref_squeeze %dma_wait3A_66 : memref<1x128xi32, #tpu.memory_space<vmem>> -> memref<128xi32, #tpu.memory_space<vmem>>
    %dma_wait3A_68 = tpu.memref_slice %arg3[%add3A_60] : memref<331776xi32, #tpu.memory_space<hbm>> -> memref<128xi32, #tpu.memory_space<hbm>>
    tpu.wait_dma2 semaphore(%arg16 : memref<!tpu.dma_semaphore, #tpu.memory_space<semaphore_mem>>) src(%dma_wait3A_68 : memref<128xi32, #tpu.memory_space<hbm>>) dst(%dma_wait3A_67 : memref<128xi32, #tpu.memory_space<vmem>>)
    %dma_start3A_69 = arith.constant 0 : i32
    %dma_start3A_70 = arith.constant 0 : i32
    %dma_start3A_71 = tpu.memref_slice %arg8[%dma_start3A_69, %dma_start3A_70] : memref<3x128xi32, #tpu.memory_space<vmem>> -> memref<1x128xi32, #tpu.memory_space<vmem>>
    %dma_start3A_72 = tpu.memref_squeeze %dma_start3A_71 : memref<1x128xi32, #tpu.memory_space<vmem>> -> memref<128xi32, #tpu.memory_space<vmem>>
    %dma_start3A_73 = arith.constant 0 : i32
    %dma_start3A_74 = arith.constant 0 : i32
    %dma_start3A_75 = tpu.memref_slice %arg2[%dma_start3A_73, %dma_start3A_74] : memref<10000x128xf32, #tpu.memory_space<hbm>> -> memref<10000x128xf32, #tpu.memory_space<hbm>>
    tpu.enqueue_indirect_dma source(%dma_start3A_75 : memref<10000x128xf32, #tpu.memory_space<hbm>>) target(%arg10 : memref<128x128xf32, #tpu.memory_space<vmem>>) offsets(%dma_start3A_72 : memref<128xi32, #tpu.memory_space<vmem>>) semaphore(%arg13 : memref<!tpu.dma_semaphore, #tpu.memory_space<semaphore_mem>>)
    %add3A_76 = arith.constant 128 : i32
    %add3A_77 = arith.addi %mul3A_4, %add3A_76 : i32
    %dma_wait3A_78 = arith.constant 1 : i32
    %dma_wait3A_79 = arith.constant 0 : i32
    %dma_wait3A_80 = tpu.memref_slice %arg8[%dma_wait3A_78, %dma_wait3A_79] : memref<3x128xi32, #tpu.memory_space<vmem>> -> memref<1x128xi32, #tpu.memory_space<vmem>>
    %dma_wait3A_81 = tpu.memref_squeeze %dma_wait3A_80 : memref<1x128xi32, #tpu.memory_space<vmem>> -> memref<128xi32, #tpu.memory_space<vmem>>
    %dma_wait3A_82 = tpu.memref_slice %arg3[%add3A_77] : memref<331776xi32, #tpu.memory_space<hbm>> -> memref<128xi32, #tpu.memory_space<hbm>>
    %dma_wait3A_83 = arith.constant 0 : i32
    %dma_wait3A_84 = tpu.memref_slice %arg8[%dma_wait3A_78, %dma_wait3A_83] : memref<3x128xi32, #tpu.memory_space<vmem>> -> memref<1x128xi32, #tpu.memory_space<vmem>>
    %dma_wait3A_85 = tpu.memref_squeeze %dma_wait3A_84 : memref<1x128xi32, #tpu.memory_space<vmem>> -> memref<128xi32, #tpu.memory_space<vmem>>
    %dma_wait3A_86 = tpu.memref_slice %arg3[%add3A_77] : memref<331776xi32, #tpu.memory_space<hbm>> -> memref<128xi32, #tpu.memory_space<hbm>>
    tpu.wait_dma2 semaphore(%arg17 : memref<!tpu.dma_semaphore, #tpu.memory_space<semaphore_mem>>) src(%dma_wait3A_86 : memref<128xi32, #tpu.memory_space<hbm>>) dst(%dma_wait3A_85 : memref<128xi32, #tpu.memory_space<vmem>>)
    %dma_start3A_87 = arith.constant 1 : i32
    %dma_start3A_88 = arith.constant 0 : i32
    %dma_start3A_89 = tpu.memref_slice %arg8[%dma_start3A_87, %dma_start3A_88] : memref<3x128xi32, #tpu.memory_space<vmem>> -> memref<1x128xi32, #tpu.memory_space<vmem>>
    %dma_start3A_90 = tpu.memref_squeeze %dma_start3A_89 : memref<1x128xi32, #tpu.memory_space<vmem>> -> memref<128xi32, #tpu.memory_space<vmem>>
    %dma_start3A_91 = arith.constant 0 : i32
    %dma_start3A_92 = arith.constant 0 : i32
    %dma_start3A_93 = tpu.memref_slice %arg2[%dma_start3A_91, %dma_start3A_92] : memref<10000x128xf32, #tpu.memory_space<hbm>> -> memref<10000x128xf32, #tpu.memory_space<hbm>>
    tpu.enqueue_indirect_dma source(%dma_start3A_93 : memref<10000x128xf32, #tpu.memory_space<hbm>>) target(%arg11 : memref<128x128xf32, #tpu.memory_space<vmem>>) offsets(%dma_start3A_90 : memref<128xi32, #tpu.memory_space<vmem>>) semaphore(%arg14 : memref<!tpu.dma_semaphore, #tpu.memory_space<semaphore_mem>>)
    %scan3A = arith.constant 0 : i32
    %scan3A_94 = arith.constant 0 : i32
    %scan3A_95 = arith.constant 27 : i32
    %scan3A_96 = arith.addi %scan3A_94, %scan3A_95 : i32
    %scan3A_97 = arith.constant 1 : i32
    scf.for %scan3A_100 = %scan3A_94 to %scan3A_96 step %scan3A_97  : i32 {
      %mul3A_101 = arith.constant 3 : i32
      %mul3A_102 = arith.muli %mul3A_101, %scan3A_100 : i32
      %add3A_103 = arith.constant 0 : i32
      %add3A_104 = arith.addi %mul3A_102, %add3A_103 : i32
      %dma_wait3A_105 = arith.constant 0 : i32
      %dma_wait3A_106 = arith.constant 0 : i32
      %dma_wait3A_107 = tpu.memref_slice %arg8[%dma_wait3A_105, %dma_wait3A_106] : memref<3x128xi32, #tpu.memory_space<vmem>> -> memref<1x128xi32, #tpu.memory_space<vmem>>
      %dma_wait3A_108 = tpu.memref_squeeze %dma_wait3A_107 : memref<1x128xi32, #tpu.memory_space<vmem>> -> memref<128xi32, #tpu.memory_space<vmem>>
      %dma_wait3A_109 = arith.constant 0 : i32
      %dma_wait3A_110 = arith.constant 0 : i32
      %dma_wait3A_111 = tpu.memref_slice %arg2[%dma_wait3A_109, %dma_wait3A_110] : memref<10000x128xf32, #tpu.memory_space<hbm>> -> memref<10000x128xf32, #tpu.memory_space<hbm>>
      tpu.wait_indirect_dma semaphore(%arg13 : memref<!tpu.dma_semaphore, #tpu.memory_space<semaphore_mem>>) src(%dma_wait3A_111 : memref<10000x128xf32, #tpu.memory_space<hbm>>) dst(%arg10 : memref<128x128xf32, #tpu.memory_space<vmem>>)
      %add3A_112 = arith.constant 2 : i32
      %add3A_113 = arith.addi %add3A_104, %add3A_112 : i32
      %lt3A = arith.constant 81 : i32
      %lt3A_114 = arith.cmpi slt, %add3A_113, %lt3A : i32
      %convert_element_type3A = arith.extui %lt3A_114 : i1 to i32
      %cond3A = arith.constant 0 : i32
      %cond3A_115 = arith.cmpi ne, %convert_element_type3A, %cond3A : i32
      scf.if %cond3A_115 {
        %add3A_211 = arith.constant 2 : i32
        %add3A_212 = arith.addi %add3A_104, %add3A_211 : i32
        %mul3A_213 = arith.constant 128 : i32
        %mul3A_214 = arith.muli %add3A_212, %mul3A_213 : i32
        %add3A_215 = arith.addi %mul3A_4, %mul3A_214 : i32
        %dma_wait3A_216 = arith.constant 2 : i32
        %dma_wait3A_217 = arith.constant 0 : i32
        %dma_wait3A_218 = tpu.memref_slice %arg8[%dma_wait3A_216, %dma_wait3A_217] : memref<3x128xi32, #tpu.memory_space<vmem>> -> memref<1x128xi32, #tpu.memory_space<vmem>>
        %dma_wait3A_219 = tpu.memref_squeeze %dma_wait3A_218 : memref<1x128xi32, #tpu.memory_space<vmem>> -> memref<128xi32, #tpu.memory_space<vmem>>
        %dma_wait3A_220 = tpu.memref_slice %arg3[%add3A_215] : memref<331776xi32, #tpu.memory_space<hbm>> -> memref<128xi32, #tpu.memory_space<hbm>>
        %dma_wait3A_221 = arith.constant 0 : i32
        %dma_wait3A_222 = tpu.memref_slice %arg8[%dma_wait3A_216, %dma_wait3A_221] : memref<3x128xi32, #tpu.memory_space<vmem>> -> memref<1x128xi32, #tpu.memory_space<vmem>>
        %dma_wait3A_223 = tpu.memref_squeeze %dma_wait3A_222 : memref<1x128xi32, #tpu.memory_space<vmem>> -> memref<128xi32, #tpu.memory_space<vmem>>
        %dma_wait3A_224 = tpu.memref_slice %arg3[%add3A_215] : memref<331776xi32, #tpu.memory_space<hbm>> -> memref<128xi32, #tpu.memory_space<hbm>>
        tpu.wait_dma2 semaphore(%arg18 : memref<!tpu.dma_semaphore, #tpu.memory_space<semaphore_mem>>) src(%dma_wait3A_224 : memref<128xi32, #tpu.memory_space<hbm>>) dst(%dma_wait3A_223 : memref<128xi32, #tpu.memory_space<vmem>>)
        %dma_start3A_225 = arith.constant 2 : i32
        %dma_start3A_226 = arith.constant 0 : i32
        %dma_start3A_227 = tpu.memref_slice %arg8[%dma_start3A_225, %dma_start3A_226] : memref<3x128xi32, #tpu.memory_space<vmem>> -> memref<1x128xi32, #tpu.memory_space<vmem>>
        %dma_start3A_228 = tpu.memref_squeeze %dma_start3A_227 : memref<1x128xi32, #tpu.memory_space<vmem>> -> memref<128xi32, #tpu.memory_space<vmem>>
        %dma_start3A_229 = arith.constant 0 : i32
        %dma_start3A_230 = arith.constant 0 : i32
        %dma_start3A_231 = tpu.memref_slice %arg2[%dma_start3A_229, %dma_start3A_230] : memref<10000x128xf32, #tpu.memory_space<hbm>> -> memref<10000x128xf32, #tpu.memory_space<hbm>>
        tpu.enqueue_indirect_dma source(%dma_start3A_231 : memref<10000x128xf32, #tpu.memory_space<hbm>>) target(%arg12 : memref<128x128xf32, #tpu.memory_space<vmem>>) offsets(%dma_start3A_228 : memref<128xi32, #tpu.memory_space<vmem>>) semaphore(%arg15 : memref<!tpu.dma_semaphore, #tpu.memory_space<semaphore_mem>>)
        %add3A_232 = arith.constant 2 : i32
        %add3A_233 = arith.addi %add3A_104, %add3A_232 : i32
        %mul3A_234 = arith.constant 128 : i32
        %mul3A_235 = arith.muli %add3A_233, %mul3A_234 : i32
        %add3A_236 = arith.addi %mul3A_4, %mul3A_235 : i32
        %dma_start3A_237 = arith.constant 2 : i32
        %dma_start3A_238 = arith.constant 0 : i32
        %dma_start3A_239 = tpu.memref_slice %arg9[%dma_start3A_237, %dma_start3A_238] : memref<3x128xi32, #tpu.memory_space<vmem>> -> memref<1x128xi32, #tpu.memory_space<vmem>>
        %dma_start3A_240 = tpu.memref_squeeze %dma_start3A_239 : memref<1x128xi32, #tpu.memory_space<vmem>> -> memref<128xi32, #tpu.memory_space<vmem>>
        %dma_start3A_241 = tpu.memref_slice %arg4[%add3A_236] : memref<331776xi32, #tpu.memory_space<hbm>> -> memref<128xi32, #tpu.memory_space<hbm>>
        %dma_start3A_242 = arith.constant 0 : i32
        %dma_start3A_243 = tpu.memref_slice %arg9[%dma_start3A_237, %dma_start3A_242] : memref<3x128xi32, #tpu.memory_space<vmem>> -> memref<1x128xi32, #tpu.memory_space<vmem>>
        %dma_start3A_244 = tpu.memref_squeeze %dma_start3A_243 : memref<1x128xi32, #tpu.memory_space<vmem>> -> memref<128xi32, #tpu.memory_space<vmem>>
        %dma_start3A_245 = tpu.memref_slice %arg4[%add3A_236] : memref<331776xi32, #tpu.memory_space<hbm>> -> memref<128xi32, #tpu.memory_space<hbm>>
        tpu.enqueue_dma source(%dma_start3A_245 : memref<128xi32, #tpu.memory_space<hbm>>) target(%dma_start3A_244 : memref<128xi32, #tpu.memory_space<vmem>>) target_semaphore(%arg21 : memref<!tpu.dma_semaphore, #tpu.memory_space<semaphore_mem>>)
      } else {
      }
      %add3A_116 = arith.constant 3 : i32
      %add3A_117 = arith.addi %add3A_104, %add3A_116 : i32
      %lt3A_118 = arith.constant 81 : i32
      %lt3A_119 = arith.cmpi slt, %add3A_117, %lt3A_118 : i32
      %convert_element_type3A_120 = arith.extui %lt3A_119 : i1 to i32
      %cond3A_121 = arith.constant 0 : i32
      %cond3A_122 = arith.cmpi ne, %convert_element_type3A_120, %cond3A_121 : i32
      scf.if %cond3A_122 {
        %add3A_211 = arith.constant 3 : i32
        %add3A_212 = arith.addi %add3A_104, %add3A_211 : i32
        %mul3A_213 = arith.constant 128 : i32
        %mul3A_214 = arith.muli %add3A_212, %mul3A_213 : i32
        %add3A_215 = arith.addi %mul3A_4, %mul3A_214 : i32
        %dma_start3A_216 = arith.constant 0 : i32
        %dma_start3A_217 = arith.constant 0 : i32
        %dma_start3A_218 = tpu.memref_slice %arg8[%dma_start3A_216, %dma_start3A_217] : memref<3x128xi32, #tpu.memory_space<vmem>> -> memref<1x128xi32, #tpu.memory_space<vmem>>
        %dma_start3A_219 = tpu.memref_squeeze %dma_start3A_218 : memref<1x128xi32, #tpu.memory_space<vmem>> -> memref<128xi32, #tpu.memory_space<vmem>>
        %dma_start3A_220 = tpu.memref_slice %arg3[%add3A_215] : memref<331776xi32, #tpu.memory_space<hbm>> -> memref<128xi32, #tpu.memory_space<hbm>>
        %dma_start3A_221 = arith.constant 0 : i32
        %dma_start3A_222 = tpu.memref_slice %arg8[%dma_start3A_216, %dma_start3A_221] : memref<3x128xi32, #tpu.memory_space<vmem>> -> memref<1x128xi32, #tpu.memory_space<vmem>>
        %dma_start3A_223 = tpu.memref_squeeze %dma_start3A_222 : memref<1x128xi32, #tpu.memory_space<vmem>> -> memref<128xi32, #tpu.memory_space<vmem>>
        %dma_start3A_224 = tpu.memref_slice %arg3[%add3A_215] : memref<331776xi32, #tpu.memory_space<hbm>> -> memref<128xi32, #tpu.memory_space<hbm>>
        tpu.enqueue_dma source(%dma_start3A_224 : memref<128xi32, #tpu.memory_space<hbm>>) target(%dma_start3A_223 : memref<128xi32, #tpu.memory_space<vmem>>) target_semaphore(%arg16 : memref<!tpu.dma_semaphore, #tpu.memory_space<semaphore_mem>>)
      } else {
      }
      %mul3A_123 = arith.constant 128 : i32
      %mul3A_124 = arith.muli %add3A_104, %mul3A_123 : i32
      %add3A_125 = arith.addi %mul3A_4, %mul3A_124 : i32
      %dma_wait3A_126 = arith.constant 0 : i32
      %dma_wait3A_127 = arith.constant 0 : i32
      %dma_wait3A_128 = tpu.memref_slice %arg9[%dma_wait3A_126, %dma_wait3A_127] : memref<3x128xi32, #tpu.memory_space<vmem>> -> memref<1x128xi32, #tpu.memory_space<vmem>>
      %dma_wait3A_129 = tpu.memref_squeeze %dma_wait3A_128 : memref<1x128xi32, #tpu.memory_space<vmem>> -> memref<128xi32, #tpu.memory_space<vmem>>
      %dma_wait3A_130 = tpu.memref_slice %arg4[%add3A_125] : memref<331776xi32, #tpu.memory_space<hbm>> -> memref<128xi32, #tpu.memory_space<hbm>>
      %dma_wait3A_131 = arith.constant 0 : i32
      %dma_wait3A_132 = tpu.memref_slice %arg9[%dma_wait3A_126, %dma_wait3A_131] : memref<3x128xi32, #tpu.memory_space<vmem>> -> memref<1x128xi32, #tpu.memory_space<vmem>>
      %dma_wait3A_133 = tpu.memref_squeeze %dma_wait3A_132 : memref<1x128xi32, #tpu.memory_space<vmem>> -> memref<128xi32, #tpu.memory_space<vmem>>
      %dma_wait3A_134 = tpu.memref_slice %arg4[%add3A_125] : memref<331776xi32, #tpu.memory_space<hbm>> -> memref<128xi32, #tpu.memory_space<hbm>>
      tpu.wait_dma2 semaphore(%arg19 : memref<!tpu.dma_semaphore, #tpu.memory_space<semaphore_mem>>) src(%dma_wait3A_134 : memref<128xi32, #tpu.memory_space<hbm>>) dst(%dma_wait3A_133 : memref<128xi32, #tpu.memory_space<vmem>>)
      %run_scoped3A = arith.constant 0 : i32
      "tpu.region"() ({
        %run_scoped3A_211 = tpu.sem_alloc : memref<!tpu.dma_semaphore, #tpu.memory_space<semaphore_mem>>
        %dma_start3A_212 = arith.constant 0 : i32
        %dma_start3A_213 = tpu.memref_slice %arg9[%run_scoped3A, %dma_start3A_212] : memref<3x128xi32, #tpu.memory_space<vmem>> -> memref<1x128xi32, #tpu.memory_space<vmem>>
        %dma_start3A_214 = tpu.memref_squeeze %dma_start3A_213 : memref<1x128xi32, #tpu.memory_space<vmem>> -> memref<128xi32, #tpu.memory_space<vmem>>
        %dma_start3A_215 = arith.constant 0 : i32
        %dma_start3A_216 = arith.constant 0 : i32
        %dma_start3A_217 = tpu.memref_slice %arg7[%dma_start3A_215, %dma_start3A_216] : memref<10112x128xf32, #tpu.memory_space<vmem_shared>> -> memref<10112x128xf32, #tpu.memory_space<vmem_shared>>
        tpu.enqueue_indirect_dma source(%arg10 : memref<128x128xf32, #tpu.memory_space<vmem>>) target(%dma_start3A_217 : memref<10112x128xf32, #tpu.memory_space<vmem_shared>>) offsets(%dma_start3A_214 : memref<128xi32, #tpu.memory_space<vmem>>) semaphore(%run_scoped3A_211 : memref<!tpu.dma_semaphore, #tpu.memory_space<semaphore_mem>>) {add = true}
        %dma_wait3A_218 = arith.constant 0 : i32
        %dma_wait3A_219 = tpu.memref_slice %arg9[%run_scoped3A, %dma_wait3A_218] : memref<3x128xi32, #tpu.memory_space<vmem>> -> memref<1x128xi32, #tpu.memory_space<vmem>>
        %dma_wait3A_220 = tpu.memref_squeeze %dma_wait3A_219 : memref<1x128xi32, #tpu.memory_space<vmem>> -> memref<128xi32, #tpu.memory_space<vmem>>
        %dma_wait3A_221 = arith.constant 0 : i32
        %dma_wait3A_222 = arith.constant 0 : i32
        %dma_wait3A_223 = tpu.memref_slice %arg7[%dma_wait3A_221, %dma_wait3A_222] : memref<10112x128xf32, #tpu.memory_space<vmem_shared>> -> memref<10112x128xf32, #tpu.memory_space<vmem_shared>>
        tpu.wait_indirect_dma semaphore(%run_scoped3A_211 : memref<!tpu.dma_semaphore, #tpu.memory_space<semaphore_mem>>) src(%arg10 : memref<128x128xf32, #tpu.memory_space<vmem>>) dst(%dma_wait3A_223 : memref<10112x128xf32, #tpu.memory_space<vmem_shared>>)
        tpu.yield
      }) : () -> ()
      %mul3A_135 = arith.constant 3 : i32
      %mul3A_136 = arith.muli %mul3A_135, %scan3A_100 : i32
      %add3A_137 = arith.constant 1 : i32
      %add3A_138 = arith.addi %mul3A_136, %add3A_137 : i32
      %dma_wait3A_139 = arith.constant 1 : i32
      %dma_wait3A_140 = arith.constant 0 : i32
      %dma_wait3A_141 = tpu.memref_slice %arg8[%dma_wait3A_139, %dma_wait3A_140] : memref<3x128xi32, #tpu.memory_space<vmem>> -> memref<1x128xi32, #tpu.memory_space<vmem>>
      %dma_wait3A_142 = tpu.memref_squeeze %dma_wait3A_141 : memref<1x128xi32, #tpu.memory_space<vmem>> -> memref<128xi32, #tpu.memory_space<vmem>>
      %dma_wait3A_143 = arith.constant 0 : i32
      %dma_wait3A_144 = arith.constant 0 : i32
      %dma_wait3A_145 = tpu.memref_slice %arg2[%dma_wait3A_143, %dma_wait3A_144] : memref<10000x128xf32, #tpu.memory_space<hbm>> -> memref<10000x128xf32, #tpu.memory_space<hbm>>
      tpu.wait_indirect_dma semaphore(%arg14 : memref<!tpu.dma_semaphore, #tpu.memory_space<semaphore_mem>>) src(%dma_wait3A_145 : memref<10000x128xf32, #tpu.memory_space<hbm>>) dst(%arg11 : memref<128x128xf32, #tpu.memory_space<vmem>>)
      %add3A_146 = arith.constant 2 : i32
      %add3A_147 = arith.addi %add3A_138, %add3A_146 : i32
      %lt3A_148 = arith.constant 81 : i32
      %lt3A_149 = arith.cmpi slt, %add3A_147, %lt3A_148 : i32
      %convert_element_type3A_150 = arith.extui %lt3A_149 : i1 to i32
      %cond3A_151 = arith.constant 0 : i32
      %cond3A_152 = arith.cmpi ne, %convert_element_type3A_150, %cond3A_151 : i32
      scf.if %cond3A_152 {
        %add3A_211 = arith.constant 2 : i32
        %add3A_212 = arith.addi %add3A_138, %add3A_211 : i32
        %mul3A_213 = arith.constant 128 : i32
        %mul3A_214 = arith.muli %add3A_212, %mul3A_213 : i32
        %add3A_215 = arith.addi %mul3A_4, %mul3A_214 : i32
        %dma_wait3A_216 = arith.constant 0 : i32
        %dma_wait3A_217 = arith.constant 0 : i32
        %dma_wait3A_218 = tpu.memref_slice %arg8[%dma_wait3A_216, %dma_wait3A_217] : memref<3x128xi32, #tpu.memory_space<vmem>> -> memref<1x128xi32, #tpu.memory_space<vmem>>
        %dma_wait3A_219 = tpu.memref_squeeze %dma_wait3A_218 : memref<1x128xi32, #tpu.memory_space<vmem>> -> memref<128xi32, #tpu.memory_space<vmem>>
        %dma_wait3A_220 = tpu.memref_slice %arg3[%add3A_215] : memref<331776xi32, #tpu.memory_space<hbm>> -> memref<128xi32, #tpu.memory_space<hbm>>
        %dma_wait3A_221 = arith.constant 0 : i32
        %dma_wait3A_222 = tpu.memref_slice %arg8[%dma_wait3A_216, %dma_wait3A_221] : memref<3x128xi32, #tpu.memory_space<vmem>> -> memref<1x128xi32, #tpu.memory_space<vmem>>
        %dma_wait3A_223 = tpu.memref_squeeze %dma_wait3A_222 : memref<1x128xi32, #tpu.memory_space<vmem>> -> memref<128xi32, #tpu.memory_space<vmem>>
        %dma_wait3A_224 = tpu.memref_slice %arg3[%add3A_215] : memref<331776xi32, #tpu.memory_space<hbm>> -> memref<128xi32, #tpu.memory_space<hbm>>
        tpu.wait_dma2 semaphore(%arg16 : memref<!tpu.dma_semaphore, #tpu.memory_space<semaphore_mem>>) src(%dma_wait3A_224 : memref<128xi32, #tpu.memory_space<hbm>>) dst(%dma_wait3A_223 : memref<128xi32, #tpu.memory_space<vmem>>)
        %dma_start3A_225 = arith.constant 0 : i32
        %dma_start3A_226 = arith.constant 0 : i32
        %dma_start3A_227 = tpu.memref_slice %arg8[%dma_start3A_225, %dma_start3A_226] : memref<3x128xi32, #tpu.memory_space<vmem>> -> memref<1x128xi32, #tpu.memory_space<vmem>>
        %dma_start3A_228 = tpu.memref_squeeze %dma_start3A_227 : memref<1x128xi32, #tpu.memory_space<vmem>> -> memref<128xi32, #tpu.memory_space<vmem>>
        %dma_start3A_229 = arith.constant 0 : i32
        %dma_start3A_230 = arith.constant 0 : i32
        %dma_start3A_231 = tpu.memref_slice %arg2[%dma_start3A_229, %dma_start3A_230] : memref<10000x128xf32, #tpu.memory_space<hbm>> -> memref<10000x128xf32, #tpu.memory_space<hbm>>
        tpu.enqueue_indirect_dma source(%dma_start3A_231 : memref<10000x128xf32, #tpu.memory_space<hbm>>) target(%arg10 : memref<128x128xf32, #tpu.memory_space<vmem>>) offsets(%dma_start3A_228 : memref<128xi32, #tpu.memory_space<vmem>>) semaphore(%arg13 : memref<!tpu.dma_semaphore, #tpu.memory_space<semaphore_mem>>)
        %add3A_232 = arith.constant 2 : i32
        %add3A_233 = arith.addi %add3A_138, %add3A_232 : i32
        %mul3A_234 = arith.constant 128 : i32
        %mul3A_235 = arith.muli %add3A_233, %mul3A_234 : i32
        %add3A_236 = arith.addi %mul3A_4, %mul3A_235 : i32
        %dma_start3A_237 = arith.constant 0 : i32
        %dma_start3A_238 = arith.constant 0 : i32
        %dma_start3A_239 = tpu.memref_slice %arg9[%dma_start3A_237, %dma_start3A_238] : memref<3x128xi32, #tpu.memory_space<vmem>> -> memref<1x128xi32, #tpu.memory_space<vmem>>
        %dma_start3A_240 = tpu.memref_squeeze %dma_start3A_239 : memref<1x128xi32, #tpu.memory_space<vmem>> -> memref<128xi32, #tpu.memory_space<vmem>>
        %dma_start3A_241 = tpu.memref_slice %arg4[%add3A_236] : memref<331776xi32, #tpu.memory_space<hbm>> -> memref<128xi32, #tpu.memory_space<hbm>>
        %dma_start3A_242 = arith.constant 0 : i32
        %dma_start3A_243 = tpu.memref_slice %arg9[%dma_start3A_237, %dma_start3A_242] : memref<3x128xi32, #tpu.memory_space<vmem>> -> memref<1x128xi32, #tpu.memory_space<vmem>>
        %dma_start3A_244 = tpu.memref_squeeze %dma_start3A_243 : memref<1x128xi32, #tpu.memory_space<vmem>> -> memref<128xi32, #tpu.memory_space<vmem>>
        %dma_start3A_245 = tpu.memref_slice %arg4[%add3A_236] : memref<331776xi32, #tpu.memory_space<hbm>> -> memref<128xi32, #tpu.memory_space<hbm>>
        tpu.enqueue_dma source(%dma_start3A_245 : memref<128xi32, #tpu.memory_space<hbm>>) target(%dma_start3A_244 : memref<128xi32, #tpu.memory_space<vmem>>) target_semaphore(%arg19 : memref<!tpu.dma_semaphore, #tpu.memory_space<semaphore_mem>>)
      } else {
      }
      %add3A_153 = arith.constant 3 : i32
      %add3A_154 = arith.addi %add3A_138, %add3A_153 : i32
      %lt3A_155 = arith.constant 81 : i32
      %lt3A_156 = arith.cmpi slt, %add3A_154, %lt3A_155 : i32
      %convert_element_type3A_157 = arith.extui %lt3A_156 : i1 to i32
      %cond3A_158 = arith.constant 0 : i32
      %cond3A_159 = arith.cmpi ne, %convert_element_type3A_157, %cond3A_158 : i32
      scf.if %cond3A_159 {
        %add3A_211 = arith.constant 3 : i32
        %add3A_212 = arith.addi %add3A_138, %add3A_211 : i32
        %mul3A_213 = arith.constant 128 : i32
        %mul3A_214 = arith.muli %add3A_212, %mul3A_213 : i32
        %add3A_215 = arith.addi %mul3A_4, %mul3A_214 : i32
        %dma_start3A_216 = arith.constant 1 : i32
        %dma_start3A_217 = arith.constant 0 : i32
        %dma_start3A_218 = tpu.memref_slice %arg8[%dma_start3A_216, %dma_start3A_217] : memref<3x128xi32, #tpu.memory_space<vmem>> -> memref<1x128xi32, #tpu.memory_space<vmem>>
        %dma_start3A_219 = tpu.memref_squeeze %dma_start3A_218 : memref<1x128xi32, #tpu.memory_space<vmem>> -> memref<128xi32, #tpu.memory_space<vmem>>
        %dma_start3A_220 = tpu.memref_slice %arg3[%add3A_215] : memref<331776xi32, #tpu.memory_space<hbm>> -> memref<128xi32, #tpu.memory_space<hbm>>
        %dma_start3A_221 = arith.constant 0 : i32
        %dma_start3A_222 = tpu.memref_slice %arg8[%dma_start3A_216, %dma_start3A_221] : memref<3x128xi32, #tpu.memory_space<vmem>> -> memref<1x128xi32, #tpu.memory_space<vmem>>
        %dma_start3A_223 = tpu.memref_squeeze %dma_start3A_222 : memref<1x128xi32, #tpu.memory_space<vmem>> -> memref<128xi32, #tpu.memory_space<vmem>>
        %dma_start3A_224 = tpu.memref_slice %arg3[%add3A_215] : memref<331776xi32, #tpu.memory_space<hbm>> -> memref<128xi32, #tpu.memory_space<hbm>>
        tpu.enqueue_dma source(%dma_start3A_224 : memref<128xi32, #tpu.memory_space<hbm>>) target(%dma_start3A_223 : memref<128xi32, #tpu.memory_space<vmem>>) target_semaphore(%arg17 : memref<!tpu.dma_semaphore, #tpu.memory_space<semaphore_mem>>)
      } else {
      }
      %mul3A_160 = arith.constant 128 : i32
      %mul3A_161 = arith.muli %add3A_138, %mul3A_160 : i32
      %add3A_162 = arith.addi %mul3A_4, %mul3A_161 : i32
      %dma_wait3A_163 = arith.constant 1 : i32
      %dma_wait3A_164 = arith.constant 0 : i32
      %dma_wait3A_165 = tpu.memref_slice %arg9[%dma_wait3A_163, %dma_wait3A_164] : memref<3x128xi32, #tpu.memory_space<vmem>> -> memref<1x128xi32, #tpu.memory_space<vmem>>
      %dma_wait3A_166 = tpu.memref_squeeze %dma_wait3A_165 : memref<1x128xi32, #tpu.memory_space<vmem>> -> memref<128xi32, #tpu.memory_space<vmem>>
      %dma_wait3A_167 = tpu.memref_slice %arg4[%add3A_162] : memref<331776xi32, #tpu.memory_space<hbm>> -> memref<128xi32, #tpu.memory_space<hbm>>
      %dma_wait3A_168 = arith.constant 0 : i32
      %dma_wait3A_169 = tpu.memref_slice %arg9[%dma_wait3A_163, %dma_wait3A_168] : memref<3x128xi32, #tpu.memory_space<vmem>> -> memref<1x128xi32, #tpu.memory_space<vmem>>
      %dma_wait3A_170 = tpu.memref_squeeze %dma_wait3A_169 : memref<1x128xi32, #tpu.memory_space<vmem>> -> memref<128xi32, #tpu.memory_space<vmem>>
      %dma_wait3A_171 = tpu.memref_slice %arg4[%add3A_162] : memref<331776xi32, #tpu.memory_space<hbm>> -> memref<128xi32, #tpu.memory_space<hbm>>
      tpu.wait_dma2 semaphore(%arg20 : memref<!tpu.dma_semaphore, #tpu.memory_space<semaphore_mem>>) src(%dma_wait3A_171 : memref<128xi32, #tpu.memory_space<hbm>>) dst(%dma_wait3A_170 : memref<128xi32, #tpu.memory_space<vmem>>)
      %run_scoped3A_172 = arith.constant 1 : i32
      "tpu.region"() ({
        %run_scoped3A_211 = tpu.sem_alloc : memref<!tpu.dma_semaphore, #tpu.memory_space<semaphore_mem>>
        %dma_start3A_212 = arith.constant 0 : i32
        %dma_start3A_213 = tpu.memref_slice %arg9[%run_scoped3A_172, %dma_start3A_212] : memref<3x128xi32, #tpu.memory_space<vmem>> -> memref<1x128xi32, #tpu.memory_space<vmem>>
        %dma_start3A_214 = tpu.memref_squeeze %dma_start3A_213 : memref<1x128xi32, #tpu.memory_space<vmem>> -> memref<128xi32, #tpu.memory_space<vmem>>
        %dma_start3A_215 = arith.constant 0 : i32
        %dma_start3A_216 = arith.constant 0 : i32
        %dma_start3A_217 = tpu.memref_slice %arg7[%dma_start3A_215, %dma_start3A_216] : memref<10112x128xf32, #tpu.memory_space<vmem_shared>> -> memref<10112x128xf32, #tpu.memory_space<vmem_shared>>
        tpu.enqueue_indirect_dma source(%arg11 : memref<128x128xf32, #tpu.memory_space<vmem>>) target(%dma_start3A_217 : memref<10112x128xf32, #tpu.memory_space<vmem_shared>>) offsets(%dma_start3A_214 : memref<128xi32, #tpu.memory_space<vmem>>) semaphore(%run_scoped3A_211 : memref<!tpu.dma_semaphore, #tpu.memory_space<semaphore_mem>>) {add = true}
        %dma_wait3A_218 = arith.constant 0 : i32
        %dma_wait3A_219 = tpu.memref_slice %arg9[%run_scoped3A_172, %dma_wait3A_218] : memref<3x128xi32, #tpu.memory_space<vmem>> -> memref<1x128xi32, #tpu.memory_space<vmem>>
        %dma_wait3A_220 = tpu.memref_squeeze %dma_wait3A_219 : memref<1x128xi32, #tpu.memory_space<vmem>> -> memref<128xi32, #tpu.memory_space<vmem>>
        %dma_wait3A_221 = arith.constant 0 : i32
        %dma_wait3A_222 = arith.constant 0 : i32
        %dma_wait3A_223 = tpu.memref_slice %arg7[%dma_wait3A_221, %dma_wait3A_222] : memref<10112x128xf32, #tpu.memory_space<vmem_shared>> -> memref<10112x128xf32, #tpu.memory_space<vmem_shared>>
        tpu.wait_indirect_dma semaphore(%run_scoped3A_211 : memref<!tpu.dma_semaphore, #tpu.memory_space<semaphore_mem>>) src(%arg11 : memref<128x128xf32, #tpu.memory_space<vmem>>) dst(%dma_wait3A_223 : memref<10112x128xf32, #tpu.memory_space<vmem_shared>>)
        tpu.yield
      }) : () -> ()
      %mul3A_173 = arith.constant 3 : i32
      %mul3A_174 = arith.muli %mul3A_173, %scan3A_100 : i32
      %add3A_175 = arith.constant 2 : i32
      %add3A_176 = arith.addi %mul3A_174, %add3A_175 : i32
      %dma_wait3A_177 = arith.constant 2 : i32
      %dma_wait3A_178 = arith.constant 0 : i32
      %dma_wait3A_179 = tpu.memref_slice %arg8[%dma_wait3A_177, %dma_wait3A_178] : memref<3x128xi32, #tpu.memory_space<vmem>> -> memref<1x128xi32, #tpu.memory_space<vmem>>
      %dma_wait3A_180 = tpu.memref_squeeze %dma_wait3A_179 : memref<1x128xi32, #tpu.memory_space<vmem>> -> memref<128xi32, #tpu.memory_space<vmem>>
      %dma_wait3A_181 = arith.constant 0 : i32
      %dma_wait3A_182 = arith.constant 0 : i32
      %dma_wait3A_183 = tpu.memref_slice %arg2[%dma_wait3A_181, %dma_wait3A_182] : memref<10000x128xf32, #tpu.memory_space<hbm>> -> memref<10000x128xf32, #tpu.memory_space<hbm>>
      tpu.wait_indirect_dma semaphore(%arg15 : memref<!tpu.dma_semaphore, #tpu.memory_space<semaphore_mem>>) src(%dma_wait3A_183 : memref<10000x128xf32, #tpu.memory_space<hbm>>) dst(%arg12 : memref<128x128xf32, #tpu.memory_space<vmem>>)
      %add3A_184 = arith.constant 2 : i32
      %add3A_185 = arith.addi %add3A_176, %add3A_184 : i32
      %lt3A_186 = arith.constant 81 : i32
      %lt3A_187 = arith.cmpi slt, %add3A_185, %lt3A_186 : i32
      %convert_element_type3A_188 = arith.extui %lt3A_187 : i1 to i32
      %cond3A_189 = arith.constant 0 : i32
      %cond3A_190 = arith.cmpi ne, %convert_element_type3A_188, %cond3A_189 : i32
      scf.if %cond3A_190 {
        %add3A_211 = arith.constant 2 : i32
        %add3A_212 = arith.addi %add3A_176, %add3A_211 : i32
        %mul3A_213 = arith.constant 128 : i32
        %mul3A_214 = arith.muli %add3A_212, %mul3A_213 : i32
        %add3A_215 = arith.addi %mul3A_4, %mul3A_214 : i32
        %dma_wait3A_216 = arith.constant 1 : i32
        %dma_wait3A_217 = arith.constant 0 : i32
        %dma_wait3A_218 = tpu.memref_slice %arg8[%dma_wait3A_216, %dma_wait3A_217] : memref<3x128xi32, #tpu.memory_space<vmem>> -> memref<1x128xi32, #tpu.memory_space<vmem>>
        %dma_wait3A_219 = tpu.memref_squeeze %dma_wait3A_218 : memref<1x128xi32, #tpu.memory_space<vmem>> -> memref<128xi32, #tpu.memory_space<vmem>>
        %dma_wait3A_220 = tpu.memref_slice %arg3[%add3A_215] : memref<331776xi32, #tpu.memory_space<hbm>> -> memref<128xi32, #tpu.memory_space<hbm>>
        %dma_wait3A_221 = arith.constant 0 : i32
        %dma_wait3A_222 = tpu.memref_slice %arg8[%dma_wait3A_216, %dma_wait3A_221] : memref<3x128xi32, #tpu.memory_space<vmem>> -> memref<1x128xi32, #tpu.memory_space<vmem>>
        %dma_wait3A_223 = tpu.memref_squeeze %dma_wait3A_222 : memref<1x128xi32, #tpu.memory_space<vmem>> -> memref<128xi32, #tpu.memory_space<vmem>>
        %dma_wait3A_224 = tpu.memref_slice %arg3[%add3A_215] : memref<331776xi32, #tpu.memory_space<hbm>> -> memref<128xi32, #tpu.memory_space<hbm>>
        tpu.wait_dma2 semaphore(%arg17 : memref<!tpu.dma_semaphore, #tpu.memory_space<semaphore_mem>>) src(%dma_wait3A_224 : memref<128xi32, #tpu.memory_space<hbm>>) dst(%dma_wait3A_223 : memref<128xi32, #tpu.memory_space<vmem>>)
        %dma_start3A_225 = arith.constant 1 : i32
        %dma_start3A_226 = arith.constant 0 : i32
        %dma_start3A_227 = tpu.memref_slice %arg8[%dma_start3A_225, %dma_start3A_226] : memref<3x128xi32, #tpu.memory_space<vmem>> -> memref<1x128xi32, #tpu.memory_space<vmem>>
        %dma_start3A_228 = tpu.memref_squeeze %dma_start3A_227 : memref<1x128xi32, #tpu.memory_space<vmem>> -> memref<128xi32, #tpu.memory_space<vmem>>
        %dma_start3A_229 = arith.constant 0 : i32
        %dma_start3A_230 = arith.constant 0 : i32
        %dma_start3A_231 = tpu.memref_slice %arg2[%dma_start3A_229, %dma_start3A_230] : memref<10000x128xf32, #tpu.memory_space<hbm>> -> memref<10000x128xf32, #tpu.memory_space<hbm>>
        tpu.enqueue_indirect_dma source(%dma_start3A_231 : memref<10000x128xf32, #tpu.memory_space<hbm>>) target(%arg11 : memref<128x128xf32, #tpu.memory_space<vmem>>) offsets(%dma_start3A_228 : memref<128xi32, #tpu.memory_space<vmem>>) semaphore(%arg14 : memref<!tpu.dma_semaphore, #tpu.memory_space<semaphore_mem>>)
        %add3A_232 = arith.constant 2 : i32
        %add3A_233 = arith.addi %add3A_176, %add3A_232 : i32
        %mul3A_234 = arith.constant 128 : i32
        %mul3A_235 = arith.muli %add3A_233, %mul3A_234 : i32
        %add3A_236 = arith.addi %mul3A_4, %mul3A_235 : i32
        %dma_start3A_237 = arith.constant 1 : i32
        %dma_start3A_238 = arith.constant 0 : i32
        %dma_start3A_239 = tpu.memref_slice %arg9[%dma_start3A_237, %dma_start3A_238] : memref<3x128xi32, #tpu.memory_space<vmem>> -> memref<1x128xi32, #tpu.memory_space<vmem>>
        %dma_start3A_240 = tpu.memref_squeeze %dma_start3A_239 : memref<1x128xi32, #tpu.memory_space<vmem>> -> memref<128xi32, #tpu.memory_space<vmem>>
        %dma_start3A_241 = tpu.memref_slice %arg4[%add3A_236] : memref<331776xi32, #tpu.memory_space<hbm>> -> memref<128xi32, #tpu.memory_space<hbm>>
        %dma_start3A_242 = arith.constant 0 : i32
        %dma_start3A_243 = tpu.memref_slice %arg9[%dma_start3A_237, %dma_start3A_242] : memref<3x128xi32, #tpu.memory_space<vmem>> -> memref<1x128xi32, #tpu.memory_space<vmem>>
        %dma_start3A_244 = tpu.memref_squeeze %dma_start3A_243 : memref<1x128xi32, #tpu.memory_space<vmem>> -> memref<128xi32, #tpu.memory_space<vmem>>
        %dma_start3A_245 = tpu.memref_slice %arg4[%add3A_236] : memref<331776xi32, #tpu.memory_space<hbm>> -> memref<128xi32, #tpu.memory_space<hbm>>
        tpu.enqueue_dma source(%dma_start3A_245 : memref<128xi32, #tpu.memory_space<hbm>>) target(%dma_start3A_244 : memref<128xi32, #tpu.memory_space<vmem>>) target_semaphore(%arg20 : memref<!tpu.dma_semaphore, #tpu.memory_space<semaphore_mem>>)
      } else {
      }
      %add3A_191 = arith.constant 3 : i32
      %add3A_192 = arith.addi %add3A_176, %add3A_191 : i32
      %lt3A_193 = arith.constant 81 : i32
      %lt3A_194 = arith.cmpi slt, %add3A_192, %lt3A_193 : i32
      %convert_element_type3A_195 = arith.extui %lt3A_194 : i1 to i32
      %cond3A_196 = arith.constant 0 : i32
      %cond3A_197 = arith.cmpi ne, %convert_element_type3A_195, %cond3A_196 : i32
      scf.if %cond3A_197 {
        %add3A_211 = arith.constant 3 : i32
        %add3A_212 = arith.addi %add3A_176, %add3A_211 : i32
        %mul3A_213 = arith.constant 128 : i32
        %mul3A_214 = arith.muli %add3A_212, %mul3A_213 : i32
        %add3A_215 = arith.addi %mul3A_4, %mul3A_214 : i32
        %dma_start3A_216 = arith.constant 2 : i32
        %dma_start3A_217 = arith.constant 0 : i32
        %dma_start3A_218 = tpu.memref_slice %arg8[%dma_start3A_216, %dma_start3A_217] : memref<3x128xi32, #tpu.memory_space<vmem>> -> memref<1x128xi32, #tpu.memory_space<vmem>>
        %dma_start3A_219 = tpu.memref_squeeze %dma_start3A_218 : memref<1x128xi32, #tpu.memory_space<vmem>> -> memref<128xi32, #tpu.memory_space<vmem>>
        %dma_start3A_220 = tpu.memref_slice %arg3[%add3A_215] : memref<331776xi32, #tpu.memory_space<hbm>> -> memref<128xi32, #tpu.memory_space<hbm>>
        %dma_start3A_221 = arith.constant 0 : i32
        %dma_start3A_222 = tpu.memref_slice %arg8[%dma_start3A_216, %dma_start3A_221] : memref<3x128xi32, #tpu.memory_space<vmem>> -> memref<1x128xi32, #tpu.memory_space<vmem>>
        %dma_start3A_223 = tpu.memref_squeeze %dma_start3A_222 : memref<1x128xi32, #tpu.memory_space<vmem>> -> memref<128xi32, #tpu.memory_space<vmem>>
        %dma_start3A_224 = tpu.memref_slice %arg3[%add3A_215] : memref<331776xi32, #tpu.memory_space<hbm>> -> memref<128xi32, #tpu.memory_space<hbm>>
        tpu.enqueue_dma source(%dma_start3A_224 : memref<128xi32, #tpu.memory_space<hbm>>) target(%dma_start3A_223 : memref<128xi32, #tpu.memory_space<vmem>>) target_semaphore(%arg18 : memref<!tpu.dma_semaphore, #tpu.memory_space<semaphore_mem>>)
      } else {
      }
      %mul3A_198 = arith.constant 128 : i32
      %mul3A_199 = arith.muli %add3A_176, %mul3A_198 : i32
      %add3A_200 = arith.addi %mul3A_4, %mul3A_199 : i32
      %dma_wait3A_201 = arith.constant 2 : i32
      %dma_wait3A_202 = arith.constant 0 : i32
      %dma_wait3A_203 = tpu.memref_slice %arg9[%dma_wait3A_201, %dma_wait3A_202] : memref<3x128xi32, #tpu.memory_space<vmem>> -> memref<1x128xi32, #tpu.memory_space<vmem>>
      %dma_wait3A_204 = tpu.memref_squeeze %dma_wait3A_203 : memref<1x128xi32, #tpu.memory_space<vmem>> -> memref<128xi32, #tpu.memory_space<vmem>>
      %dma_wait3A_205 = tpu.memref_slice %arg4[%add3A_200] : memref<331776xi32, #tpu.memory_space<hbm>> -> memref<128xi32, #tpu.memory_space<hbm>>
      %dma_wait3A_206 = arith.constant 0 : i32
      %dma_wait3A_207 = tpu.memref_slice %arg9[%dma_wait3A_201, %dma_wait3A_206] : memref<3x128xi32, #tpu.memory_space<vmem>> -> memref<1x128xi32, #tpu.memory_space<vmem>>
      %dma_wait3A_208 = tpu.memref_squeeze %dma_wait3A_207 : memref<1x128xi32, #tpu.memory_space<vmem>> -> memref<128xi32, #tpu.memory_space<vmem>>
      %dma_wait3A_209 = tpu.memref_slice %arg4[%add3A_200] : memref<331776xi32, #tpu.memory_space<hbm>> -> memref<128xi32, #tpu.memory_space<hbm>>
      tpu.wait_dma2 semaphore(%arg21 : memref<!tpu.dma_semaphore, #tpu.memory_space<semaphore_mem>>) src(%dma_wait3A_209 : memref<128xi32, #tpu.memory_space<hbm>>) dst(%dma_wait3A_208 : memref<128xi32, #tpu.memory_space<vmem>>)
      %run_scoped3A_210 = arith.constant 2 : i32
      "tpu.region"() ({
        %run_scoped3A_211 = tpu.sem_alloc : memref<!tpu.dma_semaphore, #tpu.memory_space<semaphore_mem>>
        %dma_start3A_212 = arith.constant 0 : i32
        %dma_start3A_213 = tpu.memref_slice %arg9[%run_scoped3A_210, %dma_start3A_212] : memref<3x128xi32, #tpu.memory_space<vmem>> -> memref<1x128xi32, #tpu.memory_space<vmem>>
        %dma_start3A_214 = tpu.memref_squeeze %dma_start3A_213 : memref<1x128xi32, #tpu.memory_space<vmem>> -> memref<128xi32, #tpu.memory_space<vmem>>
        %dma_start3A_215 = arith.constant 0 : i32
        %dma_start3A_216 = arith.constant 0 : i32
        %dma_start3A_217 = tpu.memref_slice %arg7[%dma_start3A_215, %dma_start3A_216] : memref<10112x128xf32, #tpu.memory_space<vmem_shared>> -> memref<10112x128xf32, #tpu.memory_space<vmem_shared>>
        tpu.enqueue_indirect_dma source(%arg12 : memref<128x128xf32, #tpu.memory_space<vmem>>) target(%dma_start3A_217 : memref<10112x128xf32, #tpu.memory_space<vmem_shared>>) offsets(%dma_start3A_214 : memref<128xi32, #tpu.memory_space<vmem>>) semaphore(%run_scoped3A_211 : memref<!tpu.dma_semaphore, #tpu.memory_space<semaphore_mem>>) {add = true}
        %dma_wait3A_218 = arith.constant 0 : i32
        %dma_wait3A_219 = tpu.memref_slice %arg9[%run_scoped3A_210, %dma_wait3A_218] : memref<3x128xi32, #tpu.memory_space<vmem>> -> memref<1x128xi32, #tpu.memory_space<vmem>>
        %dma_wait3A_220 = tpu.memref_squeeze %dma_wait3A_219 : memref<1x128xi32, #tpu.memory_space<vmem>> -> memref<128xi32, #tpu.memory_space<vmem>>
        %dma_wait3A_221 = arith.constant 0 : i32
        %dma_wait3A_222 = arith.constant 0 : i32
        %dma_wait3A_223 = tpu.memref_slice %arg7[%dma_wait3A_221, %dma_wait3A_222] : memref<10112x128xf32, #tpu.memory_space<vmem_shared>> -> memref<10112x128xf32, #tpu.memory_space<vmem_shared>>
        tpu.wait_indirect_dma semaphore(%run_scoped3A_211 : memref<!tpu.dma_semaphore, #tpu.memory_space<semaphore_mem>>) src(%arg12 : memref<128x128xf32, #tpu.memory_space<vmem>>) dst(%dma_wait3A_223 : memref<10112x128xf32, #tpu.memory_space<vmem_shared>>)
        tpu.yield
      }) : () -> ()
    }
    %scan3A_98 = arith.constant 27 : i32
    %barrier3A_99 = arith.constant 0 : index
    tpu.barrier barrier_id(%barrier3A_99)
    "tpu.region"() ({
      %run_scoped3A = tpu.sem_alloc : memref<!tpu.dma_semaphore, #tpu.memory_space<semaphore_mem>>
      %dma_start3A_100 = arith.constant 0 : i32
      %dma_start3A_101 = tpu.memref_slice %arg6[%arg0, %mul3A_2, %dma_start3A_100] : memref<2x10112x128xf32, #tpu.memory_space<hbm>> -> memref<1x632x128xf32, #tpu.memory_space<hbm>>
      %dma_start3A_102 = tpu.memref_squeeze %dma_start3A_101 : memref<1x632x128xf32, #tpu.memory_space<hbm>> -> memref<632x128xf32, #tpu.memory_space<hbm>>
      %dma_start3A_103 = arith.constant 0 : i32
      %dma_start3A_104 = tpu.memref_slice %arg7[%mul3A_2, %dma_start3A_103] : memref<10112x128xf32, #tpu.memory_space<vmem_shared>> -> memref<632x128xf32, #tpu.memory_space<vmem_shared>>
      tpu.enqueue_dma source(%dma_start3A_104 : memref<632x128xf32, #tpu.memory_space<vmem_shared>>) target(%dma_start3A_102 : memref<632x128xf32, #tpu.memory_space<hbm>>) target_semaphore(%run_scoped3A : memref<!tpu.dma_semaphore, #tpu.memory_space<semaphore_mem>>)
      %dma_wait3A_105 = arith.constant 0 : i32
      %dma_wait3A_106 = tpu.memref_slice %arg6[%arg0, %mul3A_2, %dma_wait3A_105] : memref<2x10112x128xf32, #tpu.memory_space<hbm>> -> memref<1x632x128xf32, #tpu.memory_space<hbm>>
      %dma_wait3A_107 = tpu.memref_squeeze %dma_wait3A_106 : memref<1x632x128xf32, #tpu.memory_space<hbm>> -> memref<632x128xf32, #tpu.memory_space<hbm>>
      %dma_wait3A_108 = arith.constant 0 : i32
      %dma_wait3A_109 = tpu.memref_slice %arg7[%mul3A_2, %dma_wait3A_108] : memref<10112x128xf32, #tpu.memory_space<vmem_shared>> -> memref<632x128xf32, #tpu.memory_space<vmem_shared>>
      tpu.wait_dma2 semaphore(%run_scoped3A : memref<!tpu.dma_semaphore, #tpu.memory_space<semaphore_mem>>) src(%dma_wait3A_109 : memref<632x128xf32, #tpu.memory_space<vmem_shared>>) dst(%dma_wait3A_107 : memref<632x128xf32, #tpu.memory_space<hbm>>)
      tpu.yield
    }) : () -> ()
    return
  }
}

module attributes {stable_mosaic.version = 14 : i64} {
  func.func @_dense_kernel(%arg0: i32, %arg1: memref<2x2000x128xf32, #tpu.memory_space<vmem>>, %arg2: memref<2x2000x16xf32, #tpu.memory_space<vmem>>, %arg3: memref<2000x128xf32, #tpu.memory_space<vmem>>, %arg4: memref<128x128xf32, #tpu.memory_space<vmem>>, %arg5: memref<1x128xf32, #tpu.memory_space<vmem>>, %arg6: memref<128x128xf32, #tpu.memory_space<vmem>>, %arg7: memref<2000x128xf32, #tpu.memory_space<vmem>>) attributes {dimension_semantics = [#tpu.dimension_semantics<arbitrary>], iteration_bounds = array<i64: 5>, scalar_prefetch = 0 : i64, scratch_operands = 0 : i64, tpu.core_type = #tpu.core_type<tc>, window_params = [{transform_indices = @transform_0, window_bounds = array<i64: 2, 2000, 128>}, {transform_indices = @transform_1, window_bounds = array<i64: 2, 2000, 16>}, {transform_indices = @transform_2, window_bounds = array<i64: 2000, 128>}, {pipeline_mode = #tpu.pipeline_mode<synchronous>, transform_indices = @transform_3, window_bounds = array<i64: 128, 128>}, {pipeline_mode = #tpu.pipeline_mode<synchronous>, transform_indices = @transform_4, window_bounds = array<i64: 1, 128>}, {pipeline_mode = #tpu.pipeline_mode<synchronous>, transform_indices = @transform_5, window_bounds = array<i64: 128, 128>}, {transform_indices = @transform_6, window_bounds = array<i64: 2000, 128>}]} {
    %get3A = arith.constant 0 : index
    %get3A_0 = arith.constant 0 : index
    %get3A_1 = arith.constant 0 : index
    %get3A_2 = vector.load %arg2[%get3A, %get3A_0, %get3A_1] : memref<2x2000x16xf32, #tpu.memory_space<vmem>>, vector<1x2000x1xf32>
    %get3A_3 = vector.shape_cast %get3A_2 : vector<1x2000x1xf32> to vector<2000x1xf32>
    %get3A_4 = arith.constant 1 : index
    %get3A_5 = arith.constant 0 : index
    %get3A_6 = arith.constant 0 : index
    %get3A_7 = vector.load %arg2[%get3A_4, %get3A_5, %get3A_6] : memref<2x2000x16xf32, #tpu.memory_space<vmem>>, vector<1x2000x1xf32>
    %get3A_8 = vector.shape_cast %get3A_7 : vector<1x2000x1xf32> to vector<2000x1xf32>
    %add3A = arith.addf %get3A_3, %get3A_8 : vector<2000x1xf32>
    %get3A_9 = arith.constant 0 : index
    %get3A_10 = arith.constant 0 : index
    %get3A_11 = arith.constant 0 : index
    %get3A_12 = vector.load %arg1[%get3A_9, %get3A_10, %get3A_11] : memref<2x2000x128xf32, #tpu.memory_space<vmem>>, vector<1x2000x128xf32>
    %get3A_13 = vector.shape_cast %get3A_12 : vector<1x2000x128xf32> to vector<2000x128xf32>
    %get3A_14 = arith.constant 1 : index
    %get3A_15 = arith.constant 0 : index
    %get3A_16 = arith.constant 0 : index
    %get3A_17 = vector.load %arg1[%get3A_14, %get3A_15, %get3A_16] : memref<2x2000x128xf32, #tpu.memory_space<vmem>>, vector<1x2000x128xf32>
    %get3A_18 = vector.shape_cast %get3A_17 : vector<1x2000x128xf32> to vector<2000x128xf32>
    %add3A_19 = arith.addf %get3A_13, %get3A_18 : vector<2000x128xf32>
    %max3A = arith.constant 1.000000e+00 : f32
    %max3A_20 = vector.broadcast %max3A : f32 to vector<2000x1xf32>
    %max3A_21 = arith.maximumf %add3A, %max3A_20 : vector<2000x1xf32>
    %div3A = vector.broadcast %max3A_21 : vector<2000x1xf32> to vector<2000x128xf32>
    %div3A_22 = arith.divf %add3A_19, %div3A : vector<2000x128xf32>
    %get3A_23 = arith.constant 0 : index
    %get3A_24 = arith.constant 0 : index
    %get3A_25 = vector.load %arg4[%get3A_23, %get3A_24] : memref<128x128xf32, #tpu.memory_space<vmem>>, vector<128x128xf32>
    %dot_general3A = arith.constant dense<0.000000e+00> : vector<2000x128xf32>
    %dot_general3A_26 = tpu.matmul %div3A_22, %get3A_25, %dot_general3A {dimension_numbers = #tpu.dot_dimension_numbers<[1], [0], [0], [1], [0, 0, 1, 1], [], []>, transpose_lhs_hint = false} : vector<2000x128xf32>, vector<128x128xf32>, vector<2000x128xf32> -> vector<2000x128xf32>
    %get3A_27 = arith.constant 0 : index
    %get3A_28 = arith.constant 0 : index
    %get3A_29 = vector.load %arg5[%get3A_27, %get3A_28] : memref<1x128xf32, #tpu.memory_space<vmem>>, vector<1x128xf32>
    %add3A_30 = vector.broadcast %get3A_29 : vector<1x128xf32> to vector<2000x128xf32>
    %add3A_31 = arith.addf %dot_general3A_26, %add3A_30 : vector<2000x128xf32>
    %get3A_32 = arith.constant 0 : index
    %get3A_33 = arith.constant 0 : index
    %get3A_34 = vector.load %arg3[%get3A_32, %get3A_33] : memref<2000x128xf32, #tpu.memory_space<vmem>>, vector<2000x128xf32>
    %get3A_35 = arith.constant 0 : index
    %get3A_36 = arith.constant 0 : index
    %get3A_37 = vector.load %arg6[%get3A_35, %get3A_36] : memref<128x128xf32, #tpu.memory_space<vmem>>, vector<128x128xf32>
    %dot_general3A_38 = arith.constant dense<0.000000e+00> : vector<2000x128xf32>
    %dot_general3A_39 = tpu.matmul %get3A_34, %get3A_37, %dot_general3A_38 {dimension_numbers = #tpu.dot_dimension_numbers<[1], [0], [0], [1], [0, 0, 1, 1], [], []>, transpose_lhs_hint = false} : vector<2000x128xf32>, vector<128x128xf32>, vector<2000x128xf32> -> vector<2000x128xf32>
    %add3A_40 = arith.addf %add3A_31, %dot_general3A_39 : vector<2000x128xf32>
    %max3A_41 = arith.constant 0.000000e+00 : f32
    %max3A_42 = vector.broadcast %max3A_41 : f32 to vector<2000x128xf32>
    %max3A_43 = arith.maximumf %add3A_40, %max3A_42 : vector<2000x128xf32>
    %swap3A = arith.constant 0 : index
    %swap3A_44 = arith.constant 0 : index
    %swap3A_45 = vector.load %arg7[%swap3A, %swap3A_44] : memref<2000x128xf32, #tpu.memory_space<vmem>>, vector<2000x128xf32>
    tpu.vector_store %arg7[%swap3A, %swap3A_44], %max3A_43 {strides = array<i32>} : memref<2000x128xf32, #tpu.memory_space<vmem>>, vector<2000x128xf32>,
    return
  }
  func.func @transform_0(%arg0: i32) -> (i32, i32, i32) {
    %c0_i32 = arith.constant 0 : i32
    %c0_i32_0 = arith.constant 0 : i32
    %c0_i32_1 = arith.constant 0 : i32
    return %c0_i32, %arg0, %c0_i32_0 : i32, i32, i32
  }
  func.func @transform_1(%arg0: i32) -> (i32, i32, i32) {
    %c0_i32 = arith.constant 0 : i32
    %c0_i32_0 = arith.constant 0 : i32
    %c0_i32_1 = arith.constant 0 : i32
    return %c0_i32, %arg0, %c0_i32_0 : i32, i32, i32
  }
  func.func @transform_2(%arg0: i32) -> (i32, i32) {
    %c0_i32 = arith.constant 0 : i32
    %c0_i32_0 = arith.constant 0 : i32
    return %arg0, %c0_i32 : i32, i32
  }
  func.func @transform_3(%arg0: i32) -> (i32, i32) {
    %c0_i32 = arith.constant 0 : i32
    %c0_i32_0 = arith.constant 0 : i32
    %c0_i32_1 = arith.constant 0 : i32
    return %c0_i32, %c0_i32_0 : i32, i32
  }
  func.func @transform_4(%arg0: i32) -> (i32, i32) {
    %c0_i32 = arith.constant 0 : i32
    %c0_i32_0 = arith.constant 0 : i32
    %c0_i32_1 = arith.constant 0 : i32
    return %c0_i32, %c0_i32_0 : i32, i32
  }
  func.func @transform_5(%arg0: i32) -> (i32, i32) {
    %c0_i32 = arith.constant 0 : i32
    %c0_i32_0 = arith.constant 0 : i32
    %c0_i32_1 = arith.constant 0 : i32
    return %c0_i32, %c0_i32_0 : i32, i32
  }
  func.func @transform_6(%arg0: i32) -> (i32, i32) {
    %c0_i32 = arith.constant 0 : i32
    %c0_i32_0 = arith.constant 0 : i32
    return %arg0, %c0_i32 : i32, i32
  }
}

module attributes {stable_mosaic.version = 14 : i64} {
  func.func @_dense_kernel(%arg0: i32, %arg1: memref<2x2000x128xf32, #tpu.memory_space<vmem>>, %arg2: memref<2x2000x16xf32, #tpu.memory_space<vmem>>, %arg3: memref<2000x128xf32, #tpu.memory_space<vmem>>, %arg4: memref<128x128xf32, #tpu.memory_space<vmem>>, %arg5: memref<1x128xf32, #tpu.memory_space<vmem>>, %arg6: memref<128x128xf32, #tpu.memory_space<vmem>>, %arg7: memref<2000x128xf32, #tpu.memory_space<vmem>>) attributes {dimension_semantics = [#tpu.dimension_semantics<arbitrary>], iteration_bounds = array<i64: 5>, scalar_prefetch = 0 : i64, scratch_operands = 0 : i64, tpu.core_type = #tpu.core_type<tc>, window_params = [{transform_indices = @transform_0, window_bounds = array<i64: 2, 2000, 128>}, {transform_indices = @transform_1, window_bounds = array<i64: 2, 2000, 16>}, {transform_indices = @transform_2, window_bounds = array<i64: 2000, 128>}, {pipeline_mode = #tpu.pipeline_mode<synchronous>, transform_indices = @transform_3, window_bounds = array<i64: 128, 128>}, {pipeline_mode = #tpu.pipeline_mode<synchronous>, transform_indices = @transform_4, window_bounds = array<i64: 1, 128>}, {pipeline_mode = #tpu.pipeline_mode<synchronous>, transform_indices = @transform_5, window_bounds = array<i64: 128, 128>}, {transform_indices = @transform_6, window_bounds = array<i64: 2000, 128>}]} {
    %get3A = arith.constant 0 : index
    %get3A_0 = arith.constant 0 : index
    %get3A_1 = arith.constant 0 : index
    %get3A_2 = vector.load %arg2[%get3A, %get3A_0, %get3A_1] : memref<2x2000x16xf32, #tpu.memory_space<vmem>>, vector<1x2000x1xf32>
    %get3A_3 = vector.shape_cast %get3A_2 : vector<1x2000x1xf32> to vector<2000x1xf32>
    %get3A_4 = arith.constant 1 : index
    %get3A_5 = arith.constant 0 : index
    %get3A_6 = arith.constant 0 : index
    %get3A_7 = vector.load %arg2[%get3A_4, %get3A_5, %get3A_6] : memref<2x2000x16xf32, #tpu.memory_space<vmem>>, vector<1x2000x1xf32>
    %get3A_8 = vector.shape_cast %get3A_7 : vector<1x2000x1xf32> to vector<2000x1xf32>
    %add3A = arith.addf %get3A_3, %get3A_8 : vector<2000x1xf32>
    %get3A_9 = arith.constant 0 : index
    %get3A_10 = arith.constant 0 : index
    %get3A_11 = arith.constant 0 : index
    %get3A_12 = vector.load %arg1[%get3A_9, %get3A_10, %get3A_11] : memref<2x2000x128xf32, #tpu.memory_space<vmem>>, vector<1x2000x128xf32>
    %get3A_13 = vector.shape_cast %get3A_12 : vector<1x2000x128xf32> to vector<2000x128xf32>
    %get3A_14 = arith.constant 1 : index
    %get3A_15 = arith.constant 0 : index
    %get3A_16 = arith.constant 0 : index
    %get3A_17 = vector.load %arg1[%get3A_14, %get3A_15, %get3A_16] : memref<2x2000x128xf32, #tpu.memory_space<vmem>>, vector<1x2000x128xf32>
    %get3A_18 = vector.shape_cast %get3A_17 : vector<1x2000x128xf32> to vector<2000x128xf32>
    %add3A_19 = arith.addf %get3A_13, %get3A_18 : vector<2000x128xf32>
    %max3A = arith.constant 1.000000e+00 : f32
    %max3A_20 = vector.broadcast %max3A : f32 to vector<2000x1xf32>
    %max3A_21 = arith.maximumf %add3A, %max3A_20 : vector<2000x1xf32>
    %div3A = vector.broadcast %max3A_21 : vector<2000x1xf32> to vector<2000x128xf32>
    %div3A_22 = arith.divf %add3A_19, %div3A : vector<2000x128xf32>
    %get3A_23 = arith.constant 0 : index
    %get3A_24 = arith.constant 0 : index
    %get3A_25 = vector.load %arg4[%get3A_23, %get3A_24] : memref<128x128xf32, #tpu.memory_space<vmem>>, vector<128x128xf32>
    %dot_general3A = arith.constant dense<0.000000e+00> : vector<2000x128xf32>
    %dot_general3A_26 = tpu.matmul %div3A_22, %get3A_25, %dot_general3A {dimension_numbers = #tpu.dot_dimension_numbers<[1], [0], [0], [1], [0, 0, 1, 1], [], []>, transpose_lhs_hint = false} : vector<2000x128xf32>, vector<128x128xf32>, vector<2000x128xf32> -> vector<2000x128xf32>
    %get3A_27 = arith.constant 0 : index
    %get3A_28 = arith.constant 0 : index
    %get3A_29 = vector.load %arg5[%get3A_27, %get3A_28] : memref<1x128xf32, #tpu.memory_space<vmem>>, vector<1x128xf32>
    %add3A_30 = vector.broadcast %get3A_29 : vector<1x128xf32> to vector<2000x128xf32>
    %add3A_31 = arith.addf %dot_general3A_26, %add3A_30 : vector<2000x128xf32>
    %get3A_32 = arith.constant 0 : index
    %get3A_33 = arith.constant 0 : index
    %get3A_34 = vector.load %arg3[%get3A_32, %get3A_33] : memref<2000x128xf32, #tpu.memory_space<vmem>>, vector<2000x128xf32>
    %get3A_35 = arith.constant 0 : index
    %get3A_36 = arith.constant 0 : index
    %get3A_37 = vector.load %arg6[%get3A_35, %get3A_36] : memref<128x128xf32, #tpu.memory_space<vmem>>, vector<128x128xf32>
    %dot_general3A_38 = arith.constant dense<0.000000e+00> : vector<2000x128xf32>
    %dot_general3A_39 = tpu.matmul %get3A_34, %get3A_37, %dot_general3A_38 {dimension_numbers = #tpu.dot_dimension_numbers<[1], [0], [0], [1], [0, 0, 1, 1], [], []>, transpose_lhs_hint = false} : vector<2000x128xf32>, vector<128x128xf32>, vector<2000x128xf32> -> vector<2000x128xf32>
    %add3A_40 = arith.addf %add3A_31, %dot_general3A_39 : vector<2000x128xf32>
    %swap3A = arith.constant 0 : index
    %swap3A_41 = arith.constant 0 : index
    %swap3A_42 = vector.load %arg7[%swap3A, %swap3A_41] : memref<2000x128xf32, #tpu.memory_space<vmem>>, vector<2000x128xf32>
    tpu.vector_store %arg7[%swap3A, %swap3A_41], %add3A_40 {strides = array<i32>} : memref<2000x128xf32, #tpu.memory_space<vmem>>, vector<2000x128xf32>,
    return
  }
  func.func @transform_0(%arg0: i32) -> (i32, i32, i32) {
    %c0_i32 = arith.constant 0 : i32
    %c0_i32_0 = arith.constant 0 : i32
    %c0_i32_1 = arith.constant 0 : i32
    return %c0_i32, %arg0, %c0_i32_0 : i32, i32, i32
  }
  func.func @transform_1(%arg0: i32) -> (i32, i32, i32) {
    %c0_i32 = arith.constant 0 : i32
    %c0_i32_0 = arith.constant 0 : i32
    %c0_i32_1 = arith.constant 0 : i32
    return %c0_i32, %arg0, %c0_i32_0 : i32, i32, i32
  }
  func.func @transform_2(%arg0: i32) -> (i32, i32) {
    %c0_i32 = arith.constant 0 : i32
    %c0_i32_0 = arith.constant 0 : i32
    return %arg0, %c0_i32 : i32, i32
  }
  func.func @transform_3(%arg0: i32) -> (i32, i32) {
    %c0_i32 = arith.constant 0 : i32
    %c0_i32_0 = arith.constant 0 : i32
    %c0_i32_1 = arith.constant 0 : i32
    return %c0_i32, %c0_i32_0 : i32, i32
  }
  func.func @transform_4(%arg0: i32) -> (i32, i32) {
    %c0_i32 = arith.constant 0 : i32
    %c0_i32_0 = arith.constant 0 : i32
    %c0_i32_1 = arith.constant 0 : i32
    return %c0_i32, %c0_i32_0 : i32, i32
  }
  func.func @transform_5(%arg0: i32) -> (i32, i32) {
    %c0_i32 = arith.constant 0 : i32
    %c0_i32_0 = arith.constant 0 : i32
    %c0_i32_1 = arith.constant 0 : i32
    return %c0_i32, %c0_i32_0 : i32, i32
  }
  func.func @transform_6(%arg0: i32) -> (i32, i32) {
    %c0_i32 = arith.constant 0 : i32
    %c0_i32_0 = arith.constant 0 : i32
    return %arg0, %c0_i32 : i32, i32
  }
}

</mosaic_0001>

<sc_bundles>
// kernel: kernel.10.cloned.1.call-start
scs
__scs_entry_jumppad:
0x0: {  	(pc) =	sbr.rel $0x88, $3  }
0x1: {  	(tag) =	ssettag $0x0;
	lr =	simm.s32 $0x1  }
0x2: {  	[smem:$0x3F99] =	sst lr;
	_ =	strace $0xD0000000  }
0x3: {  	_ = 	snop  }
0x4: {  	_ = 	snop  }
0x5: {  	_ = 	snop  }
0x6: {  	_ = 	snop  }
0x7: {  	_ = 	snop  }
__scs_overlays_trampoline_lowered:
0x8: {  	[smem:$0x3FA8] =	sst s0  }
0x9: {  	[smem:$0x3FA9] =	sst s1  }
0xa: {  	[smem:$0x3FAA] =	sst s2  }
0xb: {  	[smem:$0x3FAB] =	sst s3  }
0xc: {  	[smem:$0x3FAC] =	sst s4  }
0xd: {  	[smem:$0x3FAD] =	sst s5  }
0xe: {  	[smem:$0x3FAE] =	sst s6  }
0xf: {  	[smem:$0x3FAF] =	sst s7  }
0x10: {  	[smem:$0x3FB0] =	sst s8  }
0x11: {  	[smem:$0x3FB1] =	sst s9;
	s0 =	simm.s32 @!p0 $0x0  }
0x12: {  	s1 =	sld [smem:$0x3F97];
	s0 =	simm.s32 @p0 $0x1  }
0x13: {  	[smem:$0x3FB2] =	sst s0;
	s0 =	simm.s32 @!p1 $0x0  }
0x14: {  	s2 =	sld [smem:$0x3F96];
	s0 =	simm.s32 @p1 $0x1  }
0x15: {  	[smem:$0x3FB3] =	sst s0;
	s0 =	simm.s32 @!p2 $0x0  }
0x16: {  	s3 =	sld [smem:$0x3FDB];
	s0 =	simm.s32 @p2 $0x1  }
0x17: {  	s4 =	simm.s32 $0x1BF5;
	[smem:$0x3FB5] =	sst s0  }
0x18: {  	s0 =	sld [smem:$0x3F98];
	_ =	swait.ge [sflag:s4], $0x0  }
0x19: {  	s7 =	sld [smem:$0x3F99]  }
0x1a: {  	s8 =	sadd.s32 $0xFFFFE003, lr  }
0x1b: {  	s9 =	sadd.s32 $0xFFFFFEF7, lr;
	s5 =	simm.s32 $0xFFFFFFFF;
	p2 =	slt.u32 s8, $0xFFFFF086  }
0x1c: {  	p1 =	slt.u32 s9, $0xF7A;
	s5 =	simm.s32 @!p2 $0x0  }
0x1d: {  	s5 =	simm.s32 @p1 $0x1;
	p0 =	seq.s32 s7, s2  }
0x1e: {  	s7 =	smul.u32 @!p0 $0xF7A, s2;
	p2 =	seq.s32 @!p0 s5, $0x0  }
0x1f: {  	s9 =	smul.u32 $0xF7A, s1;
	s8 =	simm.s32 @!p0 $0x1BF5;
	p2 =	por !p2, p0  }
0x20: {  	[sflag:s8] =	ssyncset.s32 @!p0 $0xFFFFF086;
	s6 =	sadd.s32 @!p0 s3, s7;
	s7 =	simm.s32 @!p0 $0x108  }
0x21: {  	s3 =	sadd.s32 s3, s9;
	s6 =	sadd.s32 @!p0 $0x88, s6;
	s7 =	simm.s32 @p2 $0x1082  }
0x22: {  	[simem:s7], [sflag:s8] =	dma.local @!p0 [hbm:s6], $0xF7A  }
0x23: {  	s9 =	sor.u32 $0xD0000000, s2;
	s6 =	simm.s32 $0x108;
	_ =	swait.ge @!p0 [sflag:s8], $0x0  }
0x24: {  	s3 =	sadd.s32 $0x88, s3;
	s6 =	simm.s32 @!p1 $0x1082;
	[sflag:s4] =	ssyncset.s32 $0xFFFFF086  }
0x25: {  	[simem:s6], [sflag:s4] =	dma.local [hbm:s3], $0xF7A  }
0x26: {  	[smem:$0x3F99] =	sst s1;
	(tag) =	ssettag s2;
	_ =	strace s9  }
0x27: {  	s1 =	sld [smem:$0x3FA9]  }
0x28: {  	s2 =	sld [smem:$0x3FAA]  }
0x29: {  	s4 =	sld [smem:$0x3FAC]  }
0x2a: {  	p0 =	seq.s32 s5, $0x0;
	s5 =	sld [smem:$0x3FAD]  }
0x2b: {  	s6 =	sld [smem:$0x3FAE]  }
0x2c: {  	s7 =	sld [smem:$0x3FAF]  }
0x2d: {  	s3 =	simm.s32 $0x108;
	s8 =	sld [smem:$0x3FB0]  }
0x2e: {  	s3 =	simm.s32 @!p0 $0x1082;
	s9 =	sld [smem:$0x3FB1]  }
0x2f: {  	lr =	sadd.s32 s0, s3;
	s0 =	sld [smem:$0x3FA8]  }
0x30: {  	s3 =	sld [smem:$0x3FAB]  }
0x31: {  	[smem:$0x3FB4] =	sst s10  }
0x32: {  	s10 =	sld [smem:$0x3FB2];
	_ =	sdelay $0x3  }
0x33: {  	p0 =	seq.s32 s10, $0x1;
	s10 =	sld [smem:$0x3FB4];
	_ =	sdelay $0x3  }
0x34: {  	[smem:$0x3FB4] =	sst s10  }
0x35: {  	s10 =	sld [smem:$0x3FB3];
	_ =	sdelay $0x3  }
0x36: {  	p1 =	seq.s32 s10, $0x1;
	s10 =	sld [smem:$0x3FB4];
	_ =	sdelay $0x3  }
0x37: {  	[smem:$0x3FB4] =	sst s10  }
0x38: {  	s10 =	sld [smem:$0x3FB5]  }
0x39: {  	_ = 	snop;
	(pc) =	sbr.ind lr, $3  }
0x3a: {  	_ = 	snop  }
0x3b: {  	_ = 	snop  }
0x3c: {  	p2 =	seq.s32 s10, $0x1;
	s10 =	sld [smem:$0x3FB4]  }
0x3d: {  	_ =	shalt  }
0x3e: {  	_ =	shalt  }
0x3f: {  	_ =	shalt  }
0x40: {  	_ =	shalt  }
0x41: {  	_ =	shalt  }
0x42: {  	_ =	shalt  }
0x43: {  	_ =	shalt  }
0x44: {  	_ =	shalt  }
0x45: {  	_ =	shalt  }
0x46: {  	_ =	shalt  }
0x47: {  	_ =	shalt  }
0x48: {  	_ =	shalt  }
0x49: {  	_ =	shalt  }
0x4a: {  	_ =	shalt  }
0x4b: {  	_ =	shalt  }
0x4c: {  	_ =	shalt  }
0x4d: {  	_ =	shalt  }
0x4e: {  	_ =	shalt  }
0x4f: {  	_ =	shalt  }
0x50: {  	_ =	shalt  }
0x51: {  	_ =	shalt  }
0x52: {  	_ =	shalt  }
0x53: {  	_ =	shalt  }
0x54: {  	_ =	shalt  }
0x55: {  	_ =	shalt  }
0x56: {  	_ =	shalt  }
0x57: {  	_ =	shalt  }
0x58: {  	_ =	shalt  }
0x59: {  	_ =	shalt  }
0x5a: {  	_ =	shalt  }
0x5b: {  	_ =	shalt  }
0x5c: {  	_ =	shalt  }
0x5d: {  	_ =	shalt  }
0x5e: {  	_ =	shalt  }
0x5f: {  	_ =	shalt  }
0x60: {  	_ =	shalt  }
0x61: {  	_ =	shalt  }
0x62: {  	_ =	shalt  }
0x63: {  	_ =	shalt  }
0x64: {  	_ =	shalt  }
0x65: {  	_ =	shalt  }
0x66: {  	_ =	shalt  }
0x67: {  	_ =	shalt  }
0x68: {  	_ =	shalt  }
0x69: {  	_ =	shalt  }
0x6a: {  	_ =	shalt  }
0x6b: {  	_ =	shalt  }
0x6c: {  	_ =	shalt  }
0x6d: {  	_ =	shalt  }
0x6e: {  	_ =	shalt  }
0x6f: {  	_ =	shalt  }
0x70: {  	_ =	shalt  }
0x71: {  	_ =	shalt  }
0x72: {  	_ =	shalt  }
0x73: {  	_ =	shalt  }
0x74: {  	_ =	shalt  }
0x75: {  	_ =	shalt  }
0x76: {  	_ =	shalt  }
0x77: {  	_ =	shalt  }
0x78: {  	_ =	shalt  }
0x79: {  	_ =	shalt  }
0x7a: {  	_ =	shalt  }
0x7b: {  	_ =	shalt  }
0x7c: {  	_ =	shalt  }
0x7d: {  	_ =	shalt  }
0x7e: {  	_ =	shalt  }
0x7f: {  	_ =	shalt  }
0x80: {  	_ =	shalt  }
0x81: {  	_ =	shalt  }
0x82: {  	_ =	shalt  }
0x83: {  	_ =	shalt  }
0x84: {  	_ =	shalt  }
0x85: {  	_ =	shalt  }
0x86: {  	_ =	shalt  }
0x87: {  	_ =	shalt  }
.Lfunc_end0:
.L_simem_size_0:
called_computation.1_lowered:
.L_overlay_start_0:
0x88: {  	s2 =	sld [smem:$0x3FD9]  }
0x89: {  	s3 =	sld [smem:$0x3FFE];
	_ =	sdelay $0x1  }
0x8a: {  	s1 =	srdreg.scid  }
0x8b: {  	s0 =	sand.u32 $0x1, s1  }
0x8c: {  	s17 =	sshll.u32 s0, $0xA;
	s2 =	sadd.s32 s3, s2  }
0x8d: {  	s2 =	sadd.s32 s2, s17  }
0x8e: {  	[smem:$0x3FC0] =	sst s2  }
0x8f: {  	_ = 	snop  }
0x90: {  	s18 =	sld [smem:$0x3FC9];
	(tm) =	ssettm $0x1  }
0x91: {  	s19 =	sld [smem:$0x3FFB];
	_ =	sdelay $0x3  }
0x92: {  	_ =	strace s19  }
0x93: {  	s2 =	sld [smem:$0x3FFC];
	_ =	sdelay $0x3  }
0x94: {  	_ =	strace s2  }
0x95: {  	s2 =	sld [smem:$0x3FFD];
	_ =	sdelay $0x3  }
0x96: {  	_ =	strace s2  }
0x97: {  	_ =	strace $0x8FFFFFFF  }
0x98: {  	s20 =	sld [smem:$0x3FDB];
	_ =	sdelay $0x1  }
0x99: {  	s4 =	simm.s32 $_scs_section_size  }
0x9a: {  	s5 =	simm.s32 $_size__tile_overlayer_lowered;
	s6 =	simm.s32 $_tile_overlayer_lowered  }
0x9b: {  	s7 =	simm.s32 $0x1BFF;
	s21 =	sshll.u32 s6, $0x1;
	s4 =	sadd.s32 s4, s20  }
0x9c: {  	s22 =	simm.s32 $0x0;
	s5 =	sshll.u32 s5, $0x1;
	s6 =	sadd.s32 s21, s4  }
0x9d: {  	[timem:s22], [sflag:s7] =	dma.local [hbm:s6], s5  }
0x9e: {  	_ =	swait.ge [sflag:s7], s5  }
0x9f: {  	s5 =	ssub.s32 $0x0, s5;
	[sflag:s7] =	ssyncset.done $0x0  }
0xa0: {  	[sflag:s7] =	ssyncadd.s32 s5;
	_ =	sdelay $0x1  }
0xa1: {  	s23 =	simm.s32 $0x1B8B  }
0xa2: {  	_ =	swait.ge [sflag:s23], $0x1  }
0xa3: {  	[sflag:s23] =	ssyncset.done $0x0  }
0xa4: {  	[sflag:s23] =	ssyncadd.s32 $0xFFFFFFFF  }
0xa5: {  	s5 =	sld [smem:$0x0]  }
0xa6: {  	s6 =	sand.u32 $0xFFFFFFFE, s1  }
0xa7: {  	p0 =	sne.s32 s1, s6  }
0xa8: {  	s6 =	sshll.u32 @p0 s6, $0xE  }
0xa9: {  	s6 =	sadd.s32 @p0 $0x11B8D, s6;
	s7 =	sshll.u32 @p0 s5, $0x11  }
0xaa: {  	s6 =	sor.u32 @p0 s7, s6  }
0xab: {  	[sflag:s6] =	ssyncadd.remote.s32 @p0 $0x1;
	_ =	sdelay $0x1  }
0xac: {  	s6 =	simm.s32 @p0 $0x1B8D  }
0xad: {  	_ =	swait.eq @p0 [sflag:s6], $0x1  }
0xae: {  	[sflag:s6] =	ssyncadd.s32 @p0 $0xFFFFFFFF  }
0xaf: {  	s7 =	sshll.u32 @!p0 s1, $0xE  }
0xb0: {  	s7 =	sor.u32 @!p0 $0x4000, s7;
	s6 =	simm.s32 @!p0 $0x1B8D  }
0xb1: {  	s5 =	sshll.u32 @!p0 s5, $0x11;
	s7 =	sadd.s32 @!p0 $0x11B8D, s7;
	_ =	swait.eq @!p0 [sflag:s6], $0x1  }
0xb2: {  	s5 =	sor.u32 @!p0 s5, s7;
	[sflag:s6] =	ssyncadd.s32 @!p0 $0xFFFFFFFF  }
0xb3: {  	s25 =	simm.s32 $0x1B8E;
	s24 =	sld [smem:$0x3FFE];
	[sflag:s5] =	ssyncadd.remote.s32 @!p0 $0x1  }
0xb4: {  	s26 =	simm.s32 $execute0_lowered;
	[smem:$0x3FD2] =	sst s25  }
0xb5: {  	s6 =	sshll.u32 s26, $0x1;
	_ =	strace $0x80000049;
	[dreg:$0x1] =	wrdreg $0xFFFFFFFF  }
0xb6: {  	s28 =	simm.s32 $_size_execute0_lowered;
	s4 =	sadd.s32 s4, s6;
	[dreg:$0x0] =	wrdreg $0x0  }
0xb7: {  	s6 =	sshll.u32 s28, $0x1;
	[dreg:$0x2] =	wrdreg s4  }
0xb8: {  	[dreg:$0x3] =	wrdreg s6  }
0xb9: {  	[dreg:$0x4] =	wrdreg $0xC0  }
0xba: {  	_ =	task [dreg:s22], $0x5FFFF  }
0xbb: {  	[dreg:$0x1] =	wrdreg $0xFFFFFFFF  }
0xbc: {  	[dreg:$0x0] =	wrdreg $0x60  }
0xbd: {  	[dreg:$0x2] =	wrdreg s18  }
0xbe: {  	[dreg:$0x3] =	wrdreg s24  }
0xbf: {  	[dreg:$0x4] =	wrdreg $0x0  }
0xc0: {  	[dreg:$0x5] =	wrdreg $0xA  }
0xc1: {  	_ =	task.clear_ibuf [dreg:s22], $0x6FFFF;
	_ =	strace $0x90000049  }
0xc2: {  	s29 =	simm.s32 $0xA;
	_ =	strace $0x8000004B  }
0xc3: {  	_ =	swait.ge [sflag:s29], $0x1  }
0xc4: {  	[sflag:s29] =	ssyncadd.s32 $0xFFFFFFFF  }
0xc5: {  	_ =	strace $0x9000004B  }
0xc6: {  	_ =	sfence  }
0xc7: {  	s30 =	sld [smem:$0x0];
	_ =	sdelay $0x2  }
0xc8: {  	s31 =	sshll.u32 s1, $0xD;
	s1 =	sshrl.u32 s1, $0x2  }
0xc9: {  	s4 =	sand.u32 $0x4000, s31;
	s1 =	sadd.s32 s1, s30  }
0xca: {  	s0 =	sor.u32 s4, s0;
	s1 =	sshll.u32 s1, $0x11  }
0xcb: {  	s0 =	sor.u32 s1, s0  }
0xcc: {  	s0 =	sadd.s32 $0x8F2B, s0  }
0xcd: {  	[sflag:s0] =	ssyncadd.remote.s32 $0x1  }
0xce: {  	_ =	sfence.sel $0xFFFF  }
0xcf: {  	[dreg:$0x0] =	wrdreg $0xFFFFFFFF;
	(pc) =	sbr.abs _section_cstart, $3  }
0xd0: {  	[dreg:$0x1] =	wrdreg $0xFFFFFFFF  }
0xd1: {  	_ =	task.clear_ibuf [dreg:s22], $0x2FFFF;
	_ =	strace $0x9FFFFFFF  }
0xd2: {  	(tm) =	ssettm $0x7FFFFFFF  }
0xd3: {  	_ =	shalt  }
tec
execute0_lowered:
.L_overlay_start_1:
0x0: {  	(tag) =	ssettag $0x1  }
0x1: {  	s1 =	rddreg [dreg:$0x0]  }
0x2: {  	s0 =	rddreg [dreg:$0x1]  }
0x3: {  	s2 =	rddreg [dreg:$0x2];
	s4 =	simm.s32 $0x0  }
0x4: {  	s3 =	srdreg.scid;
	s13 =	stileid.u32;
	s28 =	simm.s32 $0x5  }
0x5: {  	s30 =	simm.s32 $0x1;
	s31 =	simm.s32 $0x6;
	[smem:$0x7FF] =	sst s4  }
0x6: {  	s3 =	sand.u32 $0x1, s3;
	s7 =	smul.u32 $0x13C00, s13;
	s6 =	sshll.u32 s13, $0x1  }
0x7: {  	s5 =	sadd.s32 $0x2800, s0;
	s10 =	sadd.s32 $0x17400, s0;
	s11 =	smul.u32 $0x5100, s13  }
0x8: {  	s16 =	sshll.u32 s13, $0x6;
	_ =	strace $0x8000004A;
	s8 =	smul.u32 $0x13C000, s3  }
0x9: {  	s9 =	sor.u32 s3, s6;
	s6 =	sadd.s32 $0xCA00, s0;
	s15 =	ssub.s32 $0x2, s3  }
0xa: {  	[dreg:$0x8] =	wrdreg s10;
	s3 =	smul.u32 $0x2880, s3;
	s12 =	sshrl.u32 s15, $0x1  }
0xb: {  	s9 =	smul.u32 $0x2880, s9;
	s8 =	sadd.s32 s7, s8;
	s10 =	ssub.s32 s15, s12  }
0xc: {  	s7 =	sadd.s32 s7, s2;
	s3 =	sadd.s32 s3, s11;
	s8 =	sshrl.u32 s8, $0x3  }
0xd: {  	s17 =	sshrl.u32 s9, $0x3;
	s19 =	sadd.s32 $0x200, s3;
	s23 =	sadd.s32 $0x280, s3  }
0xe: {  	s24 =	sadd.s32 $0x100, s3;
	s26 =	smax.u32 s10, $0x1;
	s29 =	sadd.s32 $0x180, s3  }
0xf: {  	s3 =	simm.s32 $0x13E80;
	s0 =	sadd.s32 s8, s0;
	s8 =	sor.u32 $0x1C0A, s16  }
0x10: {  	s18 =	sadd.s32 $0x10, s17;
	s9 =	sadd.s32 s5, s17;
	[dreg:$0xf] =	wrdreg s26  }
0x11: {  	s20 =	sshrl.u32 s19, $0x3;
	s21 =	sadd.s32 s6, s17;
	[dreg:$0x9] =	wrdreg s9  }
0x12: {  	s11 =	sshrl.u32 s23, $0x3;
	s14 =	sadd.s32 s5, s18;
	[dreg:$0xc] =	wrdreg s21  }
0x13: {  	s17 =	sshrl.u32 s7, $0x3;
	s9 =	sadd.s32 $0x20, s9;
	[dreg:$0xa] =	wrdreg s14  }
0x14: {  	s23 =	simm.s32 $0x0;
	s22 =	sadd.s32 s6, s18;
	[dreg:$0xb] =	wrdreg s9  }
0x15: {  	s15 =	sadd.s32 s20, s6;
	s11 =	sadd.s32 s11, s5;
	[dreg:$0xd] =	wrdreg s22  }
0x16: {  	s0 =	sadd.s32 $0x19C00, s0;
	s18 =	simm.s32 $0xA;
	[dreg:$0x4] =	wrdreg s15  }
0x17: {  	s21 =	simm.s32 $0x13D00;
	s14 =	sadd.s32 s20, s5;
	[dreg:$0xe] =	wrdreg s0  }
0x18: {  	s15 =	sshrl.u32 s24, $0x3;
	[dreg:$0x6] =	wrdreg s11;
	s24 =	simm.s32 $0x4  }
0x19: {  	s0 =	simm.s32 $0x1BF00;
	[dreg:$0x5] =	wrdreg s14;
	s25 =	sadd.s32 s15, s6  }
0x1a: {  	s22 =	simm.s32 $0x9;
	[dreg:$0x7] =	wrdreg s25;
	s25 =	simm.s32 $0x80  }
.LBB2_1:
0x1b: {  	s7 =	rddreg [dreg:$0x8]  }
0x1c: {  	[spmem:s17], [sflag:s8] =	dma.local [hbm:s7], $0x2780  }
0x1d: {  	_ =	swait.ge [sflag:s18], $0x2780  }
0x1e: {  	[sflag:s18] =	ssyncset.done $0x0  }
0x1f: {  	[sflag:s18] =	ssyncadd.s32 $0xFFFFD880  }
0x20: {  	[bflag:$0x0] =	sbarrier.arrive $0xFFFF  }
0x21: {  	s9 =	simm.s32 $0x13C00;
	s11 =	rddreg [dreg:$0x9]  }
0x22: {  	[tilespmem:s9], [sflag:$0x4] =	stream.linear.gather [hbm4b:s11+s4], $0x80, $0x38;
	[tilespmem:$0x1FF00] =	vst v63  }
0x23: {  	s10 =	simm.s32 $0x13C80;
	s12 =	rddreg [dreg:$0xa]  }
0x24: {  	[tilespmem:s10], [sflag:$0x5] =	stream.linear.gather [hbm4b:s12+s4], $0x80, $0x38;
	[tilespmem:$0x1FF00] =	vst v63  }
0x25: {  	s13 =	rddreg [dreg:$0xb]  }
0x26: {  	[tilespmem:s21], [sflag:$0x6] =	stream.linear.gather [hbm4b:s13+s4], $0x80, $0x38;
	[tilespmem:$0x1FF00] =	vst v63  }
0x27: {  	s14 =	rddreg [dreg:$0xc];
	s11 =	simm.s32 $0x13D80  }
0x28: {  	[tilespmem:s11], [sflag:$0x7] =	stream.linear.gather [hbm4b:s14+s4], $0x80, $0x38;
	[tilespmem:$0x1FF00] =	vst v63  }
0x29: {  	s16 =	simm.s32 $0x13E00;
	s15 =	rddreg [dreg:$0xd]  }
0x2a: {  	[tilespmem:s16], [sflag:$0x8] =	stream.linear.gather [hbm4b:s15+s4], $0x80, $0x38;
	[tilespmem:$0x1FF00] =	vst v63  }
0x2b: {  	_ =	swait.ge [sflag:s24], $0x80  }
0x2c: {  	[sflag:s24] =	ssyncset.done $0x0  }
0x2d: {  	s19 =	simm.s32 $0x13F00;
	[sflag:s24] =	ssyncadd.s32 $0xFFFFFF80  }
0x2e: {  	[tilespmem:s19], [sflag:$0x1] =	stream.indirect.gather [hbm4b:s1+s25], $0x80, s9, s25, $0xb8;
	[tilespmem:$0x1FF00] =	vst v63  }
0x2f: {  	_ =	swait.ge [sflag:s28], $0x80  }
0x30: {  	[sflag:s28] =	ssyncset.done $0x0  }
0x31: {  	s20 =	simm.s32 $0x17F00;
	[sflag:s28] =	ssyncadd.s32 $0xFFFFFF80  }
0x32: {  	[tilespmem:s20], [sflag:$0x2] =	stream.indirect.gather [hbm4b:s1+s25], $0x80, s10, s25, $0xb8;
	[tilespmem:$0x1FF00] =	vst v63  }
0x33: {  	_ =	swait.ge [sflag:s30], $0x4000  }
0x34: {  	[sflag:s30] =	ssyncset.done $0x0  }
0x35: {  	[sflag:s30] =	ssyncadd.s32 $0xFFFFC000  }
0x36: {  	_ =	swait.ge [sflag:s31], $0x80  }
0x37: {  	[sflag:s31] =	ssyncset.done $0x0  }
0x38: {  	s26 =	rddreg [dreg:$0x7];
	[sflag:s31] =	ssyncadd.s32 $0xFFFFFF80  }
0x39: {  	[tilespmem:s0], [sflag:$0x3] =	stream.indirect.gather [hbm4b:s1+s25], $0x80, s21, s25, $0xb8;
	[tilespmem:$0x1FF00] =	vst v63  }
0x3a: {  	p0 =	por $0x1, $0x1;
	s7 =	sadd.s32 $0x0, s26  }
0x3b: {  	[tilespmem:s3], [sflag:$0x9] =	stream.linear.gather [hbm4b:s7+s4], $0x80, $0x38;
	[tilespmem:$0x1FF00] =	vst v63  }
0x3c: {  	s11 =	simm.s32 @p0 $0x13C00;
	s7 =	sshrl.u32 @p0 s29, $0x3  }
0x3d: {  	s10 =	simm.s32 @p0 $0x0;
	s26 =	simm.s32 @p0 $0x7;
	s16 =	sadd.s32 @p0 s5, s7  }
0x3e: {  	[tilespmem:s11], [sflag:$0x4] =	stream.linear.gather @p0 [hbm4b:s16+s10], $0x80, $0x38;
	[tilespmem:$0x1FF00] =	vst v63  }
0x3f: {  	_ =	swait.ge @p0 [sflag:s26], $0x80  }
0x40: {  	s12 =	simm.s32 @p0 $0x80;
	s13 =	simm.s32 @p0 $0x13D80;
	[sflag:s26] =	ssyncset.done @p0 $0x0  }
0x41: {  	s16 =	simm.s32 @p0 $0x13F00;
	[sflag:s26] =	ssyncadd.s32 @p0 $0xFFFFFF80;
	s26 =	simm.s32 @p0 $0xA  }
0x42: {  	[spmem:s2] =	stream.indirect.scatter.add.f32 @p0 [tilespmem:s16], [sflag:$0xA], $0x80, s13, s12, $0xb8;
	[tilespmem:$0x1FF00] =	vst v63  }
0x43: {  	_ =	swait.ge @p0 [sflag:s26], $0x4000  }
0x44: {  	[sflag:s26] =	ssyncset.done @p0 $0x0  }
0x45: {  	s9 =	simm.s32 @p0 $0x2;
	[sflag:s26] =	ssyncadd.s32 @p0 $0xFFFFC000  }
0x46: {  	_ =	swait.ge @p0 [sflag:s9], $0x4000  }
0x47: {  	[sflag:s9] =	ssyncset.done @p0 $0x0  }
0x48: {  	[sflag:s9] =	ssyncadd.s32 @p0 $0xFFFFC000;
	s9 =	simm.s32 @p0 $0x4  }
0x49: {  	_ =	swait.ge @p0 [sflag:s9], $0x80  }
0x4a: {  	[sflag:s9] =	ssyncset.done @p0 $0x0  }
0x4b: {  	[sflag:s9] =	ssyncadd.s32 @p0 $0xFFFFFF80  }
0x4c: {  	[tilespmem:s16], [sflag:$0x1] =	stream.indirect.gather @p0 [hbm4b:s1+s12], $0x80, s11, s12, $0xb8;
	[tilespmem:$0x1FF00] =	vst v63  }
0x4d: {  	s7 =	sadd.s32 @p0 s6, s7;
	s9 =	rddreg [dreg:$0x5]  }
0x4e: {  	[tilespmem:s13], [sflag:$0x7] =	stream.linear.gather @p0 [hbm4b:s7+s10], $0x80, $0x38;
	[tilespmem:$0x1FF00] =	vst v63  }
0x4f: {  	s11 =	simm.s32 @p0 $0x8;
	s7 =	sadd.s32 @p0 $0x0, s9;
	s9 =	simm.s32 @p0 $0x13C80  }
0x50: {  	[tilespmem:s9], [sflag:$0x5] =	stream.linear.gather @p0 [hbm4b:s7+s10], $0x80, $0x38;
	[tilespmem:$0x1FF00] =	vst v63  }
0x51: {  	_ =	swait.ge @p0 [sflag:s11], $0x80  }
0x52: {  	[sflag:s11] =	ssyncset.done @p0 $0x0  }
0x53: {  	s7 =	simm.s32 @p0 $0x17F00;
	[sflag:s11] =	ssyncadd.s32 @p0 $0xFFFFFF80;
	s11 =	simm.s32 @p0 $0x13E00  }
0x54: {  	[spmem:s2] =	stream.indirect.scatter.add.f32 @p0 [tilespmem:s7], [sflag:$0xA], $0x80, s11, s12, $0xb8;
	[tilespmem:$0x1FF00] =	vst v63  }
0x55: {  	_ =	swait.ge @p0 [sflag:s26], $0x4000  }
0x56: {  	[sflag:s26] =	ssyncset.done @p0 $0x0  }
0x57: {  	s13 =	simm.s32 @p0 $0x3;
	[sflag:s26] =	ssyncadd.s32 @p0 $0xFFFFC000  }
0x58: {  	_ =	swait.ge @p0 [sflag:s13], $0x4000  }
0x59: {  	[sflag:s13] =	ssyncset.done @p0 $0x0  }
0x5a: {  	[sflag:s13] =	ssyncadd.s32 @p0 $0xFFFFC000;
	s13 =	simm.s32 @p0 $0x5  }
0x5b: {  	_ =	swait.ge @p0 [sflag:s13], $0x80  }
0x5c: {  	[sflag:s13] =	ssyncset.done @p0 $0x0  }
0x5d: {  	[sflag:s13] =	ssyncadd.s32 @p0 $0xFFFFFF80;
	s13 =	rddreg [dreg:$0x4]  }
0x5e: {  	[tilespmem:s7], [sflag:$0x2] =	stream.indirect.gather @p0 [hbm4b:s1+s12], $0x80, s9, s12, $0xb8;
	[tilespmem:$0x1FF00] =	vst v63  }
0x5f: {  	s7 =	rddreg [dreg:$0x6];
	s9 =	sadd.s32 @p0 $0x0, s13  }
0x60: {  	[tilespmem:s11], [sflag:$0x8] =	stream.linear.gather @p0 [hbm4b:s9+s10], $0x80, $0x38;
	[tilespmem:$0x1FF00] =	vst v63  }
0x61: {  	s7 =	sadd.s32 @p0 $0x0, s7;
	s9 =	simm.s32 @p0 $0x13D00;
	s11 =	simm.s32 @!p0 $0x7  }
0x62: {  	[tilespmem:s9], [sflag:$0x6] =	stream.linear.gather @p0 [hbm4b:s7+s10], $0x80, $0x38;
	[tilespmem:$0x1FF00] =	vst v63  }
0x63: {  	_ =	swait.ge @!p0 [sflag:s11], $0x80  }
0x64: {  	s7 =	simm.s32 @!p0 $0x13F00;
	s9 =	simm.s32 @!p0 $0xA;
	[sflag:s11] =	ssyncset.done @!p0 $0x0  }
0x65: {  	s10 =	simm.s32 @!p0 $0x80;
	[sflag:s11] =	ssyncadd.s32 @!p0 $0xFFFFFF80;
	s11 =	simm.s32 @!p0 $0x13D80  }
0x66: {  	[spmem:s2] =	stream.indirect.scatter.add.f32 @!p0 [tilespmem:s7], [sflag:$0xA], $0x80, s11, s10, $0xb8;
	[tilespmem:$0x1FF00] =	vst v63  }
0x67: {  	_ =	swait.ge @!p0 [sflag:s9], $0x4000  }
0x68: {  	[sflag:s9] =	ssyncset.done @!p0 $0x0  }
0x69: {  	s7 =	simm.s32 @!p0 $0x2;
	[sflag:s9] =	ssyncadd.s32 @!p0 $0xFFFFC000  }
0x6a: {  	_ =	swait.ge @!p0 [sflag:s7], $0x4000  }
0x6b: {  	[sflag:s7] =	ssyncset.done @!p0 $0x0  }
0x6c: {  	[sflag:s7] =	ssyncadd.s32 @!p0 $0xFFFFC000;
	s7 =	simm.s32 @!p0 $0x8  }
0x6d: {  	_ =	swait.ge @!p0 [sflag:s7], $0x80  }
0x6e: {  	[sflag:s7] =	ssyncset.done @!p0 $0x0  }
0x6f: {  	s11 =	simm.s32 @!p0 $0x17F00;
	[sflag:s7] =	ssyncadd.s32 @!p0 $0xFFFFFF80;
	s7 =	simm.s32 @!p0 $0x13E00  }
0x70: {  	[spmem:s2] =	stream.indirect.scatter.add.f32 @!p0 [tilespmem:s11], [sflag:$0xA], $0x80, s7, s10, $0xb8;
	[tilespmem:$0x1FF00] =	vst v63  }
0x71: {  	_ =	swait.ge @!p0 [sflag:s9], $0x4000  }
0x72: {  	[sflag:s9] =	ssyncset.done @!p0 $0x0  }
0x73: {  	s7 =	simm.s32 @!p0 $0x3;
	[sflag:s9] =	ssyncadd.s32 @!p0 $0xFFFFC000  }
0x74: {  	_ =	swait.ge @!p0 [sflag:s7], $0x4000  }
0x75: {  	[sflag:s7] =	ssyncset.done @!p0 $0x0  }
0x76: {  	[sflag:s7] =	ssyncadd.s32 @!p0 $0xFFFFC000  }
0x77: {  	_ =	swait.ge [sflag:s22], $0x80  }
0x78: {  	[sflag:s22] =	ssyncset.done $0x0  }
0x79: {  	[sflag:s22] =	ssyncadd.s32 $0xFFFFFF80  }
0x7a: {  	[spmem:s2] =	stream.indirect.scatter.add.f32 [tilespmem:s0], [sflag:$0xA], $0x80, s3, s25, $0xb8;
	[tilespmem:$0x1FF00] =	vst v63  }
0x7b: {  	s16 =	smov.u32 s29;
	s26 =	simm.s32 $0x30;
	_ =	swait.ge [sflag:s18], $0x4000  }
.LBB2_2:
0x7c: {  	[sflag:s18] =	ssyncset.done $0x0  }
0x7d: {  	[sflag:s18] =	ssyncadd.s32 $0xFFFFC000  }
0x7e: {  	_ =	swait.ge [sflag:s30], $0x4000  }
0x7f: {  	[sflag:s30] =	ssyncset.done $0x0  }
0x80: {  	[sflag:s30] =	ssyncadd.s32 $0xFFFFC000  }
0x81: {  	_ =	swait.ge [sflag:s31], $0x80  }
0x82: {  	[sflag:s31] =	ssyncset.done $0x0  }
0x83: {  	s7 =	smov.u32 s26;
	s9 =	rddreg [dreg:$0x7];
	[sflag:s31] =	ssyncadd.s32 $0xFFFFFF80  }
0x84: {  	[tilespmem:s0], [sflag:$0x3] =	stream.indirect.gather [hbm4b:s1+s25], $0x80, s21, s25, $0xb8;
	[tilespmem:$0x1FF00] =	vst v63  }
0x85: {  	s16 =	sadd.s32 $0x180, s16;
	p1 =	sne.s32 s7, $0x4E0;
	s9 =	sadd.s32 s7, s9  }
0x86: {  	[tilespmem:s3], [sflag:$0x9] =	stream.linear.gather [hbm4b:s9+s4], $0x80, $0x38;
	[tilespmem:$0x1FF00] =	vst v63  }
0x87: {  	s10 =	simm.s32 @p1 $0x0;
	s9 =	sshrl.u32 @p1 s16, $0x3  }
0x88: {  	s12 =	simm.s32 @p1 $0x13C00;
	s13 =	simm.s32 @p1 $0x7;
	s11 =	sadd.s32 @p1 s5, s9  }
0x89: {  	[tilespmem:s12], [sflag:$0x4] =	stream.linear.gather @p1 [hbm4b:s11+s10], $0x80, $0x38;
	[tilespmem:$0x1FF00] =	vst v63  }
0x8a: {  	_ =	swait.ge @p1 [sflag:s13], $0x80  }
0x8b: {  	s14 =	simm.s32 @p1 $0x13F00;
	s19 =	simm.s32 @p1 $0x13D80;
	[sflag:s13] =	ssyncset.done @p1 $0x0  }
0x8c: {  	s11 =	simm.s32 @p1 $0x80;
	[sflag:s13] =	ssyncadd.s32 @p1 $0xFFFFFF80;
	s13 =	simm.s32 @p1 $0xA  }
0x8d: {  	[spmem:s2] =	stream.indirect.scatter.add.f32 @p1 [tilespmem:s14], [sflag:$0xA], $0x80, s19, s11, $0xb8;
	[tilespmem:$0x1FF00] =	vst v63  }
0x8e: {  	_ =	swait.ge @p1 [sflag:s13], $0x4000  }
0x8f: {  	[sflag:s13] =	ssyncset.done @p1 $0x0  }
0x90: {  	s15 =	simm.s32 @p1 $0x2;
	[sflag:s13] =	ssyncadd.s32 @p1 $0xFFFFC000  }
0x91: {  	_ =	swait.ge @p1 [sflag:s15], $0x4000  }
0x92: {  	[sflag:s15] =	ssyncset.done @p1 $0x0  }
0x93: {  	s20 =	simm.s32 @p1 $0x4;
	[sflag:s15] =	ssyncadd.s32 @p1 $0xFFFFC000  }
0x94: {  	_ =	swait.ge @p1 [sflag:s20], $0x80  }
0x95: {  	[sflag:s20] =	ssyncset.done @p1 $0x0  }
0x96: {  	[sflag:s20] =	ssyncadd.s32 @p1 $0xFFFFFF80  }
0x97: {  	[tilespmem:s14], [sflag:$0x1] =	stream.indirect.gather @p1 [hbm4b:s1+s11], $0x80, s12, s11, $0xb8;
	[tilespmem:$0x1FF00] =	vst v63  }
0x98: {  	s9 =	sadd.s32 @p1 s6, s9;
	s15 =	rddreg [dreg:$0x5]  }
0x99: {  	[tilespmem:s19], [sflag:$0x7] =	stream.linear.gather @p1 [hbm4b:s9+s10], $0x80, $0x38;
	[tilespmem:$0x1FF00] =	vst v63  }
0x9a: {  	s12 =	sadd.s32 @p1 s7, s15;
	s14 =	simm.s32 @p1 $0x13C80;
	s9 =	simm.s32 @p1 $0x8  }
0x9b: {  	[tilespmem:s14], [sflag:$0x5] =	stream.linear.gather @p1 [hbm4b:s12+s10], $0x80, $0x38;
	[tilespmem:$0x1FF00] =	vst v63  }
0x9c: {  	_ =	swait.ge @p1 [sflag:s9], $0x80  }
0x9d: {  	[sflag:s9] =	ssyncset.done @p1 $0x0  }
0x9e: {  	s12 =	simm.s32 @p1 $0x17F00;
	[sflag:s9] =	ssyncadd.s32 @p1 $0xFFFFFF80;
	s9 =	simm.s32 @p1 $0x13E00  }
0x9f: {  	[spmem:s2] =	stream.indirect.scatter.add.f32 @p1 [tilespmem:s12], [sflag:$0xA], $0x80, s9, s11, $0xb8;
	[tilespmem:$0x1FF00] =	vst v63  }
0xa0: {  	_ =	swait.ge @p1 [sflag:s13], $0x4000  }
0xa1: {  	[sflag:s13] =	ssyncset.done @p1 $0x0  }
0xa2: {  	s15 =	simm.s32 @p1 $0x3;
	[sflag:s13] =	ssyncadd.s32 @p1 $0xFFFFC000  }
0xa3: {  	_ =	swait.ge @p1 [sflag:s15], $0x4000  }
0xa4: {  	[sflag:s15] =	ssyncset.done @p1 $0x0  }
0xa5: {  	s13 =	simm.s32 @p1 $0x5;
	[sflag:s15] =	ssyncadd.s32 @p1 $0xFFFFC000  }
0xa6: {  	_ =	swait.ge @p1 [sflag:s13], $0x80  }
0xa7: {  	[sflag:s13] =	ssyncset.done @p1 $0x0  }
0xa8: {  	s15 =	rddreg [dreg:$0x4];
	[sflag:s13] =	ssyncadd.s32 @p1 $0xFFFFFF80  }
0xa9: {  	[tilespmem:s12], [sflag:$0x2] =	stream.indirect.gather @p1 [hbm4b:s1+s11], $0x80, s14, s11, $0xb8;
	[tilespmem:$0x1FF00] =	vst v63  }
0xaa: {  	s13 =	rddreg [dreg:$0x6];
	s11 =	sadd.s32 @p1 s7, s15  }
0xab: {  	[tilespmem:s9], [sflag:$0x8] =	stream.linear.gather @p1 [hbm4b:s11+s10], $0x80, $0x38;
	[tilespmem:$0x1FF00] =	vst v63  }
0xac: {  	s7 =	sadd.s32 @p1 s7, s13;
	s9 =	simm.s32 @p1 $0x13D00;
	s11 =	simm.s32 @!p1 $0x7  }
0xad: {  	[tilespmem:s9], [sflag:$0x6] =	stream.linear.gather @p1 [hbm4b:s7+s10], $0x80, $0x38;
	[tilespmem:$0x1FF00] =	vst v63  }
0xae: {  	_ =	swait.ge @!p1 [sflag:s11], $0x80  }
0xaf: {  	s7 =	simm.s32 @!p1 $0x13F00;
	s9 =	simm.s32 @!p1 $0xA;
	[sflag:s11] =	ssyncset.done @!p1 $0x0  }
0xb0: {  	s10 =	simm.s32 @!p1 $0x80;
	[sflag:s11] =	ssyncadd.s32 @!p1 $0xFFFFFF80;
	s11 =	simm.s32 @!p1 $0x13D80  }
0xb1: {  	[spmem:s2] =	stream.indirect.scatter.add.f32 @!p1 [tilespmem:s7], [sflag:$0xA], $0x80, s11, s10, $0xb8;
	[tilespmem:$0x1FF00] =	vst v63  }
0xb2: {  	_ =	swait.ge @!p1 [sflag:s9], $0x4000  }
0xb3: {  	[sflag:s9] =	ssyncset.done @!p1 $0x0  }
0xb4: {  	s7 =	simm.s32 @!p1 $0x2;
	[sflag:s9] =	ssyncadd.s32 @!p1 $0xFFFFC000  }
0xb5: {  	_ =	swait.ge @!p1 [sflag:s7], $0x4000  }
0xb6: {  	[sflag:s7] =	ssyncset.done @!p1 $0x0  }
0xb7: {  	[sflag:s7] =	ssyncadd.s32 @!p1 $0xFFFFC000;
	s7 =	simm.s32 @!p1 $0x8  }
0xb8: {  	_ =	swait.ge @!p1 [sflag:s7], $0x80  }
0xb9: {  	[sflag:s7] =	ssyncset.done @!p1 $0x0  }
0xba: {  	s11 =	simm.s32 @!p1 $0x17F00;
	[sflag:s7] =	ssyncadd.s32 @!p1 $0xFFFFFF80;
	s7 =	simm.s32 @!p1 $0x13E00  }
0xbb: {  	[spmem:s2] =	stream.indirect.scatter.add.f32 @!p1 [tilespmem:s11], [sflag:$0xA], $0x80, s7, s10, $0xb8;
	[tilespmem:$0x1FF00] =	vst v63  }
0xbc: {  	_ =	swait.ge @!p1 [sflag:s9], $0x4000  }
0xbd: {  	[sflag:s9] =	ssyncset.done @!p1 $0x0  }
0xbe: {  	s7 =	simm.s32 @!p1 $0x3;
	[sflag:s9] =	ssyncadd.s32 @!p1 $0xFFFFC000  }
0xbf: {  	_ =	swait.ge @!p1 [sflag:s7], $0x4000  }
0xc0: {  	s26 =	sadd.s32 $0x30, s26;
	[sflag:s7] =	ssyncset.done @!p1 $0x0  }
0xc1: {  	p0 =	sne.s32 s26, $0x510;
	[sflag:s7] =	ssyncadd.s32 @!p1 $0xFFFFC000  }
.Ltmp0:
0xc2: {  	_ =	swait.ge [sflag:s22], $0x80;
	(pc) =	sbr.rel @p0 .LBB2_2-.Ltmp0, $4  }
0xc3: {  	[sflag:s22] =	ssyncset.done $0x0  }
0xc4: {  	[sflag:s22] =	ssyncadd.s32 $0xFFFFFF80  }
0xc5: {  	[spmem:s2] =	stream.indirect.scatter.add.f32 [tilespmem:s0], [sflag:$0xA], $0x80, s3, s25, $0xb8;
	[tilespmem:$0x1FF00] =	vst v63  }
0xc6: {  	_ =	swait.ge [sflag:s18], $0x4000  }
0xc7: {  	[sflag:s18] =	ssyncset.done $0x0  }
0xc8: {  	[sflag:s18] =	ssyncadd.s32 $0xFFFFC000  }
0xc9: {  	[bflag:$0x0] =	sbarrier.arrive $0xFFFF  }
0xca: {  	s7 =	rddreg [dreg:$0xe]  }
0xcb: {  	[hbm:s7], [sflag:s8] =	dma.local [spmem:s17], $0x2780  }
0xcc: {  	_ =	swait.ge [sflag:s18], $0x2780  }
0xcd: {  	s23 =	sadd.s32 $0x1, s23;
	s26 =	rddreg [dreg:$0xf]  }
0xce: {  	p0 =	sne.s32 s23, s26  }
.Ltmp1:
0xcf: {  	_ = 	snop;
	(pc) =	sbr.rel @p0 .LBB2_1-.Ltmp1, $3  }
0xd0: {  	_ =	sdelay $0x1  }
0xd1: {  	[sflag:s18] =	ssyncset.done $0x0  }
0xd2: {  	[sflag:s18] =	ssyncadd.s32 $0xFFFFD880  }
0xd3: {  	_ =	sfence.sel $0x180000  }
0xd4: {  	[bflag:$0x0] =	sbarrier.arrive $0xFFFF  }
0xd5: {  	_ =	strace $0x9000004A  }
0xd6: {  	s0 =	stileid.u32;
	[bflag:$0x2] =	sbarrier.arrive $0xFFFF  }
0xd7: {  	p0 =	sne.s32 s0, $0x0;
	s0 =	rddreg [dreg:$0x3]  }
0xd8: {  	s0 =	sadd.s32 @!p0 $0x100000, s0  }
0xd9: {  	[sflag:s0] =	ssyncadd.tile.s32 @!p0 $0x1;
	_ =	shalt  }
.Lfunc_end2:
_tile_overlayer_lowered:
.L_overlay_start_2:
0xda: {  	(tag) =	ssettag $0x2  }
0xdb: {  	s0 =	rddreg [dreg:$0x0];
	s2 =	stileid.u32  }
0xdc: {  	s1 =	rddreg [dreg:$0x1];
	p0 =	sne.s32 s2, $0x0  }
0xdd: {  	s3 =	rddreg [dreg:$0x2];
	[bflag:$0x3] =	sbarrier.arrive $0xFFFF;
	s2 =	simm.s32 @!p0 $0x1C0A  }
0xde: {  	[timem:s3], [sflag:s2] =	dma.local @!p0 [hbm:s0], s1  }
0xdf: {  	s0 =	simm.s32 @!p0 $0xA  }
0xe0: {  	_ =	swait.ge @!p0 [sflag:s0], s1  }
0xe1: {  	s1 =	ssub.s32 @!p0 $0x0, s1;
	[sflag:s0] =	ssyncset.done @!p0 $0x0  }
0xe2: {  	[sflag:s0] =	ssyncadd.s32 @!p0 s1  }
0xe3: {  	[bflag:$0x3] =	sbarrier.arrive $0xFFFF  }
0xe4: {  	_ =	shalt  }

// kernel: kernel.13.cloned.1.call-start
scs
__scs_entry_jumppad:
0x0: {  	(pc) =	sbr.rel $0x88, $3  }
0x1: {  	(tag) =	ssettag $0x0;
	lr =	simm.s32 $0x1  }
0x2: {  	[smem:$0x3F99] =	sst lr;
	_ =	strace $0xD0000000  }
0x3: {  	_ = 	snop  }
0x4: {  	_ = 	snop  }
0x5: {  	_ = 	snop  }
0x6: {  	_ = 	snop  }
0x7: {  	_ = 	snop  }
__scs_overlays_trampoline_lowered:
0x8: {  	[smem:$0x3FA8] =	sst s0  }
0x9: {  	[smem:$0x3FA9] =	sst s1  }
0xa: {  	[smem:$0x3FAA] =	sst s2  }
0xb: {  	[smem:$0x3FAB] =	sst s3  }
0xc: {  	[smem:$0x3FAC] =	sst s4  }
0xd: {  	[smem:$0x3FAD] =	sst s5  }
0xe: {  	[smem:$0x3FAE] =	sst s6  }
0xf: {  	[smem:$0x3FAF] =	sst s7  }
0x10: {  	[smem:$0x3FB0] =	sst s8  }
0x11: {  	[smem:$0x3FB1] =	sst s9;
	s0 =	simm.s32 @!p0 $0x0  }
0x12: {  	s1 =	sld [smem:$0x3F97];
	s0 =	simm.s32 @p0 $0x1  }
0x13: {  	[smem:$0x3FB2] =	sst s0;
	s0 =	simm.s32 @!p1 $0x0  }
0x14: {  	s2 =	sld [smem:$0x3F96];
	s0 =	simm.s32 @p1 $0x1  }
0x15: {  	[smem:$0x3FB3] =	sst s0;
	s0 =	simm.s32 @!p2 $0x0  }
0x16: {  	s3 =	sld [smem:$0x3FDB];
	s0 =	simm.s32 @p2 $0x1  }
0x17: {  	s4 =	simm.s32 $0x1BF5;
	[smem:$0x3FB5] =	sst s0  }
0x18: {  	s0 =	sld [smem:$0x3F98];
	_ =	swait.ge [sflag:s4], $0x0  }
0x19: {  	s7 =	sld [smem:$0x3F99]  }
0x1a: {  	s8 =	sadd.s32 $0xFFFFE003, lr  }
0x1b: {  	s9 =	sadd.s32 $0xFFFFFEF7, lr;
	s5 =	simm.s32 $0xFFFFFFFF;
	p2 =	slt.u32 s8, $0xFFFFF086  }
0x1c: {  	p1 =	slt.u32 s9, $0xF7A;
	s5 =	simm.s32 @!p2 $0x0  }
0x1d: {  	s5 =	simm.s32 @p1 $0x1;
	p0 =	seq.s32 s7, s2  }
0x1e: {  	s7 =	smul.u32 @!p0 $0xF7A, s2;
	p2 =	seq.s32 @!p0 s5, $0x0  }
0x1f: {  	s9 =	smul.u32 $0xF7A, s1;
	s8 =	simm.s32 @!p0 $0x1BF5;
	p2 =	por !p2, p0  }
0x20: {  	[sflag:s8] =	ssyncset.s32 @!p0 $0xFFFFF086;
	s6 =	sadd.s32 @!p0 s3, s7;
	s7 =	simm.s32 @!p0 $0x108  }
0x21: {  	s3 =	sadd.s32 s3, s9;
	s6 =	sadd.s32 @!p0 $0x88, s6;
	s7 =	simm.s32 @p2 $0x1082  }
0x22: {  	[simem:s7], [sflag:s8] =	dma.local @!p0 [hbm:s6], $0xF7A  }
0x23: {  	s9 =	sor.u32 $0xD0000000, s2;
	s6 =	simm.s32 $0x108;
	_ =	swait.ge @!p0 [sflag:s8], $0x0  }
0x24: {  	s3 =	sadd.s32 $0x88, s3;
	s6 =	simm.s32 @!p1 $0x1082;
	[sflag:s4] =	ssyncset.s32 $0xFFFFF086  }
0x25: {  	[simem:s6], [sflag:s4] =	dma.local [hbm:s3], $0xF7A  }
0x26: {  	[smem:$0x3F99] =	sst s1;
	(tag) =	ssettag s2;
	_ =	strace s9  }
0x27: {  	s1 =	sld [smem:$0x3FA9]  }
0x28: {  	s2 =	sld [smem:$0x3FAA]  }
0x29: {  	s4 =	sld [smem:$0x3FAC]  }
0x2a: {  	p0 =	seq.s32 s5, $0x0;
	s5 =	sld [smem:$0x3FAD]  }
0x2b: {  	s6 =	sld [smem:$0x3FAE]  }
0x2c: {  	s7 =	sld [smem:$0x3FAF]  }
0x2d: {  	s3 =	simm.s32 $0x108;
	s8 =	sld [smem:$0x3FB0]  }
0x2e: {  	s3 =	simm.s32 @!p0 $0x1082;
	s9 =	sld [smem:$0x3FB1]  }
0x2f: {  	lr =	sadd.s32 s0, s3;
	s0 =	sld [smem:$0x3FA8]  }
0x30: {  	s3 =	sld [smem:$0x3FAB]  }
0x31: {  	[smem:$0x3FB4] =	sst s10  }
0x32: {  	s10 =	sld [smem:$0x3FB2];
	_ =	sdelay $0x3  }
0x33: {  	p0 =	seq.s32 s10, $0x1;
	s10 =	sld [smem:$0x3FB4];
	_ =	sdelay $0x3  }
0x34: {  	[smem:$0x3FB4] =	sst s10  }
0x35: {  	s10 =	sld [smem:$0x3FB3];
	_ =	sdelay $0x3  }
0x36: {  	p1 =	seq.s32 s10, $0x1;
	s10 =	sld [smem:$0x3FB4];
	_ =	sdelay $0x3  }
0x37: {  	[smem:$0x3FB4] =	sst s10  }
0x38: {  	s10 =	sld [smem:$0x3FB5]  }
0x39: {  	_ = 	snop;
	(pc) =	sbr.ind lr, $3  }
0x3a: {  	_ = 	snop  }
0x3b: {  	_ = 	snop  }
0x3c: {  	p2 =	seq.s32 s10, $0x1;
	s10 =	sld [smem:$0x3FB4]  }
0x3d: {  	_ =	shalt  }
0x3e: {  	_ =	shalt  }
0x3f: {  	_ =	shalt  }
0x40: {  	_ =	shalt  }
0x41: {  	_ =	shalt  }
0x42: {  	_ =	shalt  }
0x43: {  	_ =	shalt  }
0x44: {  	_ =	shalt  }
0x45: {  	_ =	shalt  }
0x46: {  	_ =	shalt  }
0x47: {  	_ =	shalt  }
0x48: {  	_ =	shalt  }
0x49: {  	_ =	shalt  }
0x4a: {  	_ =	shalt  }
0x4b: {  	_ =	shalt  }
0x4c: {  	_ =	shalt  }
0x4d: {  	_ =	shalt  }
0x4e: {  	_ =	shalt  }
0x4f: {  	_ =	shalt  }
0x50: {  	_ =	shalt  }
0x51: {  	_ =	shalt  }
0x52: {  	_ =	shalt  }
0x53: {  	_ =	shalt  }
0x54: {  	_ =	shalt  }
0x55: {  	_ =	shalt  }
0x56: {  	_ =	shalt  }
0x57: {  	_ =	shalt  }
0x58: {  	_ =	shalt  }
0x59: {  	_ =	shalt  }
0x5a: {  	_ =	shalt  }
0x5b: {  	_ =	shalt  }
0x5c: {  	_ =	shalt  }
0x5d: {  	_ =	shalt  }
0x5e: {  	_ =	shalt  }
0x5f: {  	_ =	shalt  }
0x60: {  	_ =	shalt  }
0x61: {  	_ =	shalt  }
0x62: {  	_ =	shalt  }
0x63: {  	_ =	shalt  }
0x64: {  	_ =	shalt  }
0x65: {  	_ =	shalt  }
0x66: {  	_ =	shalt  }
0x67: {  	_ =	shalt  }
0x68: {  	_ =	shalt  }
0x69: {  	_ =	shalt  }
0x6a: {  	_ =	shalt  }
0x6b: {  	_ =	shalt  }
0x6c: {  	_ =	shalt  }
0x6d: {  	_ =	shalt  }
0x6e: {  	_ =	shalt  }
0x6f: {  	_ =	shalt  }
0x70: {  	_ =	shalt  }
0x71: {  	_ =	shalt  }
0x72: {  	_ =	shalt  }
0x73: {  	_ =	shalt  }
0x74: {  	_ =	shalt  }
0x75: {  	_ =	shalt  }
0x76: {  	_ =	shalt  }
0x77: {  	_ =	shalt  }
0x78: {  	_ =	shalt  }
0x79: {  	_ =	shalt  }
0x7a: {  	_ =	shalt  }
0x7b: {  	_ =	shalt  }
0x7c: {  	_ =	shalt  }
0x7d: {  	_ =	shalt  }
0x7e: {  	_ =	shalt  }
0x7f: {  	_ =	shalt  }
0x80: {  	_ =	shalt  }
0x81: {  	_ =	shalt  }
0x82: {  	_ =	shalt  }
0x83: {  	_ =	shalt  }
0x84: {  	_ =	shalt  }
0x85: {  	_ =	shalt  }
0x86: {  	_ =	shalt  }
0x87: {  	_ =	shalt  }
.Lfunc_end0:
.L_simem_size_0:
called_computation.2_lowered:
.L_overlay_start_0:
0x88: {  	s2 =	sld [smem:$0x3FD9]  }
0x89: {  	s3 =	sld [smem:$0x3FFE];
	_ =	sdelay $0x1  }
0x8a: {  	s1 =	srdreg.scid  }
0x8b: {  	s0 =	sand.u32 $0x1, s1  }
0x8c: {  	s17 =	sshll.u32 s0, $0xA;
	s2 =	sadd.s32 s3, s2  }
0x8d: {  	s2 =	sadd.s32 s2, s17  }
0x8e: {  	[smem:$0x3FC0] =	sst s2  }
0x8f: {  	_ = 	snop  }
0x90: {  	s2 =	sld [smem:$0x3FD0];
	(tm) =	ssettm $0x1  }
0x91: {  	s18 =	sld [smem:$0x3FFB];
	_ =	sdelay $0x3  }
0x92: {  	_ =	strace s18  }
0x93: {  	s3 =	sld [smem:$0x3FFC];
	_ =	sdelay $0x3  }
0x94: {  	_ =	strace s3  }
0x95: {  	s3 =	sld [smem:$0x3FFD];
	_ =	sdelay $0x3  }
0x96: {  	_ =	strace s3  }
0x97: {  	_ =	strace $0x8FFFFFFF  }
0x98: {  	s19 =	sld [smem:$0x3FDB];
	_ =	sdelay $0x1  }
0x99: {  	s4 =	simm.s32 $_scs_section_size  }
0x9a: {  	s5 =	simm.s32 $_size__tile_overlayer_lowered;
	s6 =	simm.s32 $_tile_overlayer_lowered  }
0x9b: {  	s22 =	simm.s32 $0x1BFF;
	s21 =	sshll.u32 s6, $0x1;
	s3 =	sadd.s32 s4, s19  }
0x9c: {  	s7 =	simm.s32 $0x0;
	s20 =	sshll.u32 s5, $0x1;
	s5 =	sadd.s32 s21, s3  }
0x9d: {  	[timem:s7], [sflag:s22] =	dma.local [hbm:s5], s20  }
0x9e: {  	_ =	swait.ge [sflag:s22], s20  }
0x9f: {  	s4 =	ssub.s32 $0x0, s20;
	[sflag:s22] =	ssyncset.done $0x0  }
0xa0: {  	[sflag:s22] =	ssyncadd.s32 s4;
	_ =	sdelay $0x1  }
0xa1: {  	s23 =	simm.s32 $0x1B8B  }
0xa2: {  	_ =	swait.ge [sflag:s23], $0x1  }
0xa3: {  	[sflag:s23] =	ssyncset.done $0x0  }
0xa4: {  	s25 =	simm.s32 $0x1B8E;
	s24 =	sld [smem:$0x3FFE];
	[sflag:s23] =	ssyncadd.s32 $0xFFFFFFFF  }
0xa5: {  	s26 =	simm.s32 $execute0_lowered;
	[smem:$0x3FD2] =	sst s25  }
0xa6: {  	s5 =	sshll.u32 s26, $0x1;
	_ =	strace $0x8000004C;
	[dreg:$0x1] =	wrdreg $0xFFFFFFFF  }
0xa7: {  	s28 =	simm.s32 $_size_execute0_lowered;
	s3 =	sadd.s32 s3, s5;
	[dreg:$0x0] =	wrdreg $0x0  }
0xa8: {  	s5 =	sshll.u32 s28, $0x1;
	[dreg:$0x2] =	wrdreg s3  }
0xa9: {  	[dreg:$0x3] =	wrdreg s5  }
0xaa: {  	[dreg:$0x4] =	wrdreg $0xC0  }
0xab: {  	_ =	task [dreg:s7], $0x5FFFF  }
0xac: {  	[dreg:$0x1] =	wrdreg $0xFFFFFFFF  }
0xad: {  	[dreg:$0x0] =	wrdreg $0x60  }
0xae: {  	[dreg:$0x2] =	wrdreg s2  }
0xaf: {  	[dreg:$0x3] =	wrdreg s24  }
0xb0: {  	[dreg:$0x4] =	wrdreg $0x0  }
0xb1: {  	[dreg:$0x5] =	wrdreg $0x9  }
0xb2: {  	_ =	task.clear_ibuf [dreg:s7], $0x6FFFF;
	_ =	strace $0x9000004C  }
0xb3: {  	s29 =	simm.s32 $0x9;
	_ =	strace $0x8000004E  }
0xb4: {  	_ =	swait.ge [sflag:s29], $0x1  }
0xb5: {  	[sflag:s29] =	ssyncadd.s32 $0xFFFFFFFF  }
0xb6: {  	_ =	strace $0x9000004E  }
0xb7: {  	_ =	sfence  }
0xb8: {  	s30 =	sld [smem:$0x0];
	_ =	sdelay $0x2  }
0xb9: {  	s31 =	sshll.u32 s1, $0xD;
	s1 =	sshrl.u32 s1, $0x2  }
0xba: {  	s3 =	sand.u32 $0x4000, s31;
	s1 =	sadd.s32 s1, s30  }
0xbb: {  	s0 =	sor.u32 s3, s0;
	s1 =	sshll.u32 s1, $0x11  }
0xbc: {  	s0 =	sor.u32 s1, s0  }
0xbd: {  	s0 =	sadd.s32 $0x8F2B, s0  }
0xbe: {  	[sflag:s0] =	ssyncadd.remote.s32 $0x1  }
0xbf: {  	_ =	sfence.sel $0xFFFF  }
0xc0: {  	[dreg:$0x0] =	wrdreg $0xFFFFFFFF;
	(pc) =	sbr.abs _section_cstart, $3  }
0xc1: {  	[dreg:$0x1] =	wrdreg $0xFFFFFFFF  }
0xc2: {  	_ =	task.clear_ibuf [dreg:s7], $0x2FFFF;
	_ =	strace $0x9FFFFFFF  }
0xc3: {  	(tm) =	ssettm $0x7FFFFFFF  }
tec
execute0_lowered:
.L_overlay_start_1:
0x0: {  	(tag) =	ssettag $0x1  }
0x1: {  	s1 =	rddreg [dreg:$0x0]  }
0x2: {  	s0 =	rddreg [dreg:$0x1]  }
0x3: {  	s2 =	rddreg [dreg:$0x2];
	s4 =	simm.s32 $0x0  }
0x4: {  	s3 =	srdreg.scid;
	s13 =	stileid.u32;
	s28 =	simm.s32 $0x5  }
0x5: {  	s30 =	simm.s32 $0x1;
	s31 =	simm.s32 $0x6;
	[smem:$0x7FF] =	sst s4  }
0x6: {  	s3 =	sand.u32 $0x1, s3;
	s7 =	smul.u32 $0x13C00, s13;
	s6 =	sshll.u32 s13, $0x1  }
0x7: {  	s5 =	sadd.s32 $0x2800, s0;
	s10 =	sadd.s32 $0x17400, s0;
	s11 =	smul.u32 $0x5100, s13  }
0x8: {  	s16 =	sshll.u32 s13, $0x6;
	_ =	strace $0x8000004D;
	s8 =	smul.u32 $0x13C000, s3  }
0x9: {  	s9 =	sor.u32 s3, s6;
	s6 =	sadd.s32 $0xCA00, s0;
	s15 =	ssub.s32 $0x2, s3  }
0xa: {  	[dreg:$0x8] =	wrdreg s10;
	s3 =	smul.u32 $0x2880, s3;
	s12 =	sshrl.u32 s15, $0x1  }
0xb: {  	s9 =	smul.u32 $0x2880, s9;
	s8 =	sadd.s32 s7, s8;
	s10 =	ssub.s32 s15, s12  }
0xc: {  	s7 =	sadd.s32 s7, s2;
	s3 =	sadd.s32 s3, s11;
	s8 =	sshrl.u32 s8, $0x3  }
0xd: {  	s17 =	sshrl.u32 s9, $0x3;
	s19 =	sadd.s32 $0x200, s3;
	s23 =	sadd.s32 $0x280, s3  }
0xe: {  	s24 =	sadd.s32 $0x100, s3;
	s26 =	smax.u32 s10, $0x1;
	s29 =	sadd.s32 $0x180, s3  }
0xf: {  	s3 =	simm.s32 $0x13E80;
	s0 =	sadd.s32 s8, s0;
	s8 =	sor.u32 $0x1C0A, s16  }
0x10: {  	s18 =	sadd.s32 $0x10, s17;
	s9 =	sadd.s32 s5, s17;
	[dreg:$0xf] =	wrdreg s26  }
0x11: {  	s20 =	sshrl.u32 s19, $0x3;
	s21 =	sadd.s32 s6, s17;
	[dreg:$0x9] =	wrdreg s9  }
0x12: {  	s11 =	sshrl.u32 s23, $0x3;
	s14 =	sadd.s32 s5, s18;
	[dreg:$0xc] =	wrdreg s21  }
0x13: {  	s17 =	sshrl.u32 s7, $0x3;
	s9 =	sadd.s32 $0x20, s9;
	[dreg:$0xa] =	wrdreg s14  }
0x14: {  	s23 =	simm.s32 $0x0;
	s22 =	sadd.s32 s6, s18;
	[dreg:$0xb] =	wrdreg s9  }
0x15: {  	s15 =	sadd.s32 s20, s6;
	s11 =	sadd.s32 s11, s5;
	[dreg:$0xd] =	wrdreg s22  }
0x16: {  	s0 =	sadd.s32 $0x19C00, s0;
	s18 =	simm.s32 $0xA;
	[dreg:$0x4] =	wrdreg s15  }
0x17: {  	s21 =	simm.s32 $0x13D00;
	s14 =	sadd.s32 s20, s5;
	[dreg:$0xe] =	wrdreg s0  }
0x18: {  	s15 =	sshrl.u32 s24, $0x3;
	[dreg:$0x6] =	wrdreg s11;
	s24 =	simm.s32 $0x4  }
0x19: {  	s0 =	simm.s32 $0x1BF00;
	[dreg:$0x5] =	wrdreg s14;
	s25 =	sadd.s32 s15, s6  }
0x1a: {  	s22 =	simm.s32 $0x9;
	[dreg:$0x7] =	wrdreg s25;
	s25 =	simm.s32 $0x80  }
.LBB2_1:
0x1b: {  	s7 =	rddreg [dreg:$0x8]  }
0x1c: {  	[spmem:s17], [sflag:s8] =	dma.local [hbm:s7], $0x2780  }
0x1d: {  	_ =	swait.ge [sflag:s18], $0x2780  }
0x1e: {  	[sflag:s18] =	ssyncset.done $0x0  }
0x1f: {  	[sflag:s18] =	ssyncadd.s32 $0xFFFFD880  }
0x20: {  	[bflag:$0x0] =	sbarrier.arrive $0xFFFF  }
0x21: {  	s9 =	simm.s32 $0x13C00;
	s11 =	rddreg [dreg:$0x9]  }
0x22: {  	[tilespmem:s9], [sflag:$0x4] =	stream.linear.gather [hbm4b:s11+s4], $0x80, $0x38;
	[tilespmem:$0x1FF00] =	vst v63  }
0x23: {  	s10 =	simm.s32 $0x13C80;
	s12 =	rddreg [dreg:$0xa]  }
0x24: {  	[tilespmem:s10], [sflag:$0x5] =	stream.linear.gather [hbm4b:s12+s4], $0x80, $0x38;
	[tilespmem:$0x1FF00] =	vst v63  }
0x25: {  	s13 =	rddreg [dreg:$0xb]  }
0x26: {  	[tilespmem:s21], [sflag:$0x6] =	stream.linear.gather [hbm4b:s13+s4], $0x80, $0x38;
	[tilespmem:$0x1FF00] =	vst v63  }
0x27: {  	s14 =	rddreg [dreg:$0xc];
	s11 =	simm.s32 $0x13D80  }
0x28: {  	[tilespmem:s11], [sflag:$0x7] =	stream.linear.gather [hbm4b:s14+s4], $0x80, $0x38;
	[tilespmem:$0x1FF00] =	vst v63  }
0x29: {  	s16 =	simm.s32 $0x13E00;
	s15 =	rddreg [dreg:$0xd]  }
0x2a: {  	[tilespmem:s16], [sflag:$0x8] =	stream.linear.gather [hbm4b:s15+s4], $0x80, $0x38;
	[tilespmem:$0x1FF00] =	vst v63  }
0x2b: {  	_ =	swait.ge [sflag:s24], $0x80  }
0x2c: {  	[sflag:s24] =	ssyncset.done $0x0  }
0x2d: {  	s19 =	simm.s32 $0x13F00;
	[sflag:s24] =	ssyncadd.s32 $0xFFFFFF80  }
0x2e: {  	[tilespmem:s19], [sflag:$0x1] =	stream.indirect.gather [hbm4b:s1+s25], $0x80, s9, s25, $0xb8;
	[tilespmem:$0x1FF00] =	vst v63  }
0x2f: {  	_ =	swait.ge [sflag:s28], $0x80  }
0x30: {  	[sflag:s28] =	ssyncset.done $0x0  }
0x31: {  	s20 =	simm.s32 $0x17F00;
	[sflag:s28] =	ssyncadd.s32 $0xFFFFFF80  }
0x32: {  	[tilespmem:s20], [sflag:$0x2] =	stream.indirect.gather [hbm4b:s1+s25], $0x80, s10, s25, $0xb8;
	[tilespmem:$0x1FF00] =	vst v63  }
0x33: {  	_ =	swait.ge [sflag:s30], $0x4000  }
0x34: {  	[sflag:s30] =	ssyncset.done $0x0  }
0x35: {  	[sflag:s30] =	ssyncadd.s32 $0xFFFFC000  }
0x36: {  	_ =	swait.ge [sflag:s31], $0x80  }
0x37: {  	[sflag:s31] =	ssyncset.done $0x0  }
0x38: {  	s26 =	rddreg [dreg:$0x7];
	[sflag:s31] =	ssyncadd.s32 $0xFFFFFF80  }
0x39: {  	[tilespmem:s0], [sflag:$0x3] =	stream.indirect.gather [hbm4b:s1+s25], $0x80, s21, s25, $0xb8;
	[tilespmem:$0x1FF00] =	vst v63  }
0x3a: {  	p0 =	por $0x1, $0x1;
	s7 =	sadd.s32 $0x0, s26  }
0x3b: {  	[tilespmem:s3], [sflag:$0x9] =	stream.linear.gather [hbm4b:s7+s4], $0x80, $0x38;
	[tilespmem:$0x1FF00] =	vst v63  }
0x3c: {  	s11 =	simm.s32 @p0 $0x13C00;
	s7 =	sshrl.u32 @p0 s29, $0x3  }
0x3d: {  	s10 =	simm.s32 @p0 $0x0;
	s26 =	simm.s32 @p0 $0x7;
	s16 =	sadd.s32 @p0 s5, s7  }
0x3e: {  	[tilespmem:s11], [sflag:$0x4] =	stream.linear.gather @p0 [hbm4b:s16+s10], $0x80, $0x38;
	[tilespmem:$0x1FF00] =	vst v63  }
0x3f: {  	_ =	swait.ge @p0 [sflag:s26], $0x80  }
0x40: {  	s12 =	simm.s32 @p0 $0x80;
	s13 =	simm.s32 @p0 $0x13D80;
	[sflag:s26] =	ssyncset.done @p0 $0x0  }
0x41: {  	s16 =	simm.s32 @p0 $0x13F00;
	[sflag:s26] =	ssyncadd.s32 @p0 $0xFFFFFF80;
	s26 =	simm.s32 @p0 $0xA  }
0x42: {  	[spmem:s2] =	stream.indirect.scatter.add.f32 @p0 [tilespmem:s16], [sflag:$0xA], $0x80, s13, s12, $0xb8;
	[tilespmem:$0x1FF00] =	vst v63  }
0x43: {  	_ =	swait.ge @p0 [sflag:s26], $0x4000  }
0x44: {  	[sflag:s26] =	ssyncset.done @p0 $0x0  }
0x45: {  	s9 =	simm.s32 @p0 $0x2;
	[sflag:s26] =	ssyncadd.s32 @p0 $0xFFFFC000  }
0x46: {  	_ =	swait.ge @p0 [sflag:s9], $0x4000  }
0x47: {  	[sflag:s9] =	ssyncset.done @p0 $0x0  }
0x48: {  	[sflag:s9] =	ssyncadd.s32 @p0 $0xFFFFC000;
	s9 =	simm.s32 @p0 $0x4  }
0x49: {  	_ =	swait.ge @p0 [sflag:s9], $0x80  }
0x4a: {  	[sflag:s9] =	ssyncset.done @p0 $0x0  }
0x4b: {  	[sflag:s9] =	ssyncadd.s32 @p0 $0xFFFFFF80  }
0x4c: {  	[tilespmem:s16], [sflag:$0x1] =	stream.indirect.gather @p0 [hbm4b:s1+s12], $0x80, s11, s12, $0xb8;
	[tilespmem:$0x1FF00] =	vst v63  }
0x4d: {  	s7 =	sadd.s32 @p0 s6, s7;
	s9 =	rddreg [dreg:$0x5]  }
0x4e: {  	[tilespmem:s13], [sflag:$0x7] =	stream.linear.gather @p0 [hbm4b:s7+s10], $0x80, $0x38;
	[tilespmem:$0x1FF00] =	vst v63  }
0x4f: {  	s11 =	simm.s32 @p0 $0x8;
	s7 =	sadd.s32 @p0 $0x0, s9;
	s9 =	simm.s32 @p0 $0x13C80  }
0x50: {  	[tilespmem:s9], [sflag:$0x5] =	stream.linear.gather @p0 [hbm4b:s7+s10], $0x80, $0x38;
	[tilespmem:$0x1FF00] =	vst v63  }
0x51: {  	_ =	swait.ge @p0 [sflag:s11], $0x80  }
0x52: {  	[sflag:s11] =	ssyncset.done @p0 $0x0  }
0x53: {  	s7 =	simm.s32 @p0 $0x17F00;
	[sflag:s11] =	ssyncadd.s32 @p0 $0xFFFFFF80;
	s11 =	simm.s32 @p0 $0x13E00  }
0x54: {  	[spmem:s2] =	stream.indirect.scatter.add.f32 @p0 [tilespmem:s7], [sflag:$0xA], $0x80, s11, s12, $0xb8;
	[tilespmem:$0x1FF00] =	vst v63  }
0x55: {  	_ =	swait.ge @p0 [sflag:s26], $0x4000  }
0x56: {  	[sflag:s26] =	ssyncset.done @p0 $0x0  }
0x57: {  	s13 =	simm.s32 @p0 $0x3;
	[sflag:s26] =	ssyncadd.s32 @p0 $0xFFFFC000  }
0x58: {  	_ =	swait.ge @p0 [sflag:s13], $0x4000  }
0x59: {  	[sflag:s13] =	ssyncset.done @p0 $0x0  }
0x5a: {  	[sflag:s13] =	ssyncadd.s32 @p0 $0xFFFFC000;
	s13 =	simm.s32 @p0 $0x5  }
0x5b: {  	_ =	swait.ge @p0 [sflag:s13], $0x80  }
0x5c: {  	[sflag:s13] =	ssyncset.done @p0 $0x0  }
0x5d: {  	[sflag:s13] =	ssyncadd.s32 @p0 $0xFFFFFF80;
	s13 =	rddreg [dreg:$0x4]  }
0x5e: {  	[tilespmem:s7], [sflag:$0x2] =	stream.indirect.gather @p0 [hbm4b:s1+s12], $0x80, s9, s12, $0xb8;
	[tilespmem:$0x1FF00] =	vst v63  }
0x5f: {  	s7 =	rddreg [dreg:$0x6];
	s9 =	sadd.s32 @p0 $0x0, s13  }
0x60: {  	[tilespmem:s11], [sflag:$0x8] =	stream.linear.gather @p0 [hbm4b:s9+s10], $0x80, $0x38;
	[tilespmem:$0x1FF00] =	vst v63  }
0x61: {  	s7 =	sadd.s32 @p0 $0x0, s7;
	s9 =	simm.s32 @p0 $0x13D00;
	s11 =	simm.s32 @!p0 $0x7  }
0x62: {  	[tilespmem:s9], [sflag:$0x6] =	stream.linear.gather @p0 [hbm4b:s7+s10], $0x80, $0x38;
	[tilespmem:$0x1FF00] =	vst v63  }
0x63: {  	_ =	swait.ge @!p0 [sflag:s11], $0x80  }
0x64: {  	s7 =	simm.s32 @!p0 $0x13F00;
	s9 =	simm.s32 @!p0 $0xA;
	[sflag:s11] =	ssyncset.done @!p0 $0x0  }
0x65: {  	s10 =	simm.s32 @!p0 $0x80;
	[sflag:s11] =	ssyncadd.s32 @!p0 $0xFFFFFF80;
	s11 =	simm.s32 @!p0 $0x13D80  }
0x66: {  	[spmem:s2] =	stream.indirect.scatter.add.f32 @!p0 [tilespmem:s7], [sflag:$0xA], $0x80, s11, s10, $0xb8;
	[tilespmem:$0x1FF00] =	vst v63  }
0x67: {  	_ =	swait.ge @!p0 [sflag:s9], $0x4000  }
0x68: {  	[sflag:s9] =	ssyncset.done @!p0 $0x0  }
0x69: {  	s7 =	simm.s32 @!p0 $0x2;
	[sflag:s9] =	ssyncadd.s32 @!p0 $0xFFFFC000  }
0x6a: {  	_ =	swait.ge @!p0 [sflag:s7], $0x4000  }
0x6b: {  	[sflag:s7] =	ssyncset.done @!p0 $0x0  }
0x6c: {  	[sflag:s7] =	ssyncadd.s32 @!p0 $0xFFFFC000;
	s7 =	simm.s32 @!p0 $0x8  }
0x6d: {  	_ =	swait.ge @!p0 [sflag:s7], $0x80  }
0x6e: {  	[sflag:s7] =	ssyncset.done @!p0 $0x0  }
0x6f: {  	s11 =	simm.s32 @!p0 $0x17F00;
	[sflag:s7] =	ssyncadd.s32 @!p0 $0xFFFFFF80;
	s7 =	simm.s32 @!p0 $0x13E00  }
0x70: {  	[spmem:s2] =	stream.indirect.scatter.add.f32 @!p0 [tilespmem:s11], [sflag:$0xA], $0x80, s7, s10, $0xb8;
	[tilespmem:$0x1FF00] =	vst v63  }
0x71: {  	_ =	swait.ge @!p0 [sflag:s9], $0x4000  }
0x72: {  	[sflag:s9] =	ssyncset.done @!p0 $0x0  }
0x73: {  	s7 =	simm.s32 @!p0 $0x3;
	[sflag:s9] =	ssyncadd.s32 @!p0 $0xFFFFC000  }
0x74: {  	_ =	swait.ge @!p0 [sflag:s7], $0x4000  }
0x75: {  	[sflag:s7] =	ssyncset.done @!p0 $0x0  }
0x76: {  	[sflag:s7] =	ssyncadd.s32 @!p0 $0xFFFFC000  }
0x77: {  	_ =	swait.ge [sflag:s22], $0x80  }
0x78: {  	[sflag:s22] =	ssyncset.done $0x0  }
0x79: {  	[sflag:s22] =	ssyncadd.s32 $0xFFFFFF80  }
0x7a: {  	[spmem:s2] =	stream.indirect.scatter.add.f32 [tilespmem:s0], [sflag:$0xA], $0x80, s3, s25, $0xb8;
	[tilespmem:$0x1FF00] =	vst v63  }
0x7b: {  	s16 =	smov.u32 s29;
	s26 =	simm.s32 $0x30;
	_ =	swait.ge [sflag:s18], $0x4000  }
.LBB2_2:
0x7c: {  	[sflag:s18] =	ssyncset.done $0x0  }
0x7d: {  	[sflag:s18] =	ssyncadd.s32 $0xFFFFC000  }
0x7e: {  	_ =	swait.ge [sflag:s30], $0x4000  }
0x7f: {  	[sflag:s30] =	ssyncset.done $0x0  }
0x80: {  	[sflag:s30] =	ssyncadd.s32 $0xFFFFC000  }
0x81: {  	_ =	swait.ge [sflag:s31], $0x80  }
0x82: {  	[sflag:s31] =	ssyncset.done $0x0  }
0x83: {  	s7 =	smov.u32 s26;
	s9 =	rddreg [dreg:$0x7];
	[sflag:s31] =	ssyncadd.s32 $0xFFFFFF80  }
0x84: {  	[tilespmem:s0], [sflag:$0x3] =	stream.indirect.gather [hbm4b:s1+s25], $0x80, s21, s25, $0xb8;
	[tilespmem:$0x1FF00] =	vst v63  }
0x85: {  	s16 =	sadd.s32 $0x180, s16;
	p1 =	sne.s32 s7, $0x4E0;
	s9 =	sadd.s32 s7, s9  }
0x86: {  	[tilespmem:s3], [sflag:$0x9] =	stream.linear.gather [hbm4b:s9+s4], $0x80, $0x38;
	[tilespmem:$0x1FF00] =	vst v63  }
0x87: {  	s10 =	simm.s32 @p1 $0x0;
	s9 =	sshrl.u32 @p1 s16, $0x3  }
0x88: {  	s12 =	simm.s32 @p1 $0x13C00;
	s13 =	simm.s32 @p1 $0x7;
	s11 =	sadd.s32 @p1 s5, s9  }
0x89: {  	[tilespmem:s12], [sflag:$0x4] =	stream.linear.gather @p1 [hbm4b:s11+s10], $0x80, $0x38;
	[tilespmem:$0x1FF00] =	vst v63  }
0x8a: {  	_ =	swait.ge @p1 [sflag:s13], $0x80  }
0x8b: {  	s14 =	simm.s32 @p1 $0x13F00;
	s19 =	simm.s32 @p1 $0x13D80;
	[sflag:s13] =	ssyncset.done @p1 $0x0  }
0x8c: {  	s11 =	simm.s32 @p1 $0x80;
	[sflag:s13] =	ssyncadd.s32 @p1 $0xFFFFFF80;
	s13 =	simm.s32 @p1 $0xA  }
0x8d: {  	[spmem:s2] =	stream.indirect.scatter.add.f32 @p1 [tilespmem:s14], [sflag:$0xA], $0x80, s19, s11, $0xb8;
	[tilespmem:$0x1FF00] =	vst v63  }
0x8e: {  	_ =	swait.ge @p1 [sflag:s13], $0x4000  }
0x8f: {  	[sflag:s13] =	ssyncset.done @p1 $0x0  }
0x90: {  	s15 =	simm.s32 @p1 $0x2;
	[sflag:s13] =	ssyncadd.s32 @p1 $0xFFFFC000  }
0x91: {  	_ =	swait.ge @p1 [sflag:s15], $0x4000  }
0x92: {  	[sflag:s15] =	ssyncset.done @p1 $0x0  }
0x93: {  	s20 =	simm.s32 @p1 $0x4;
	[sflag:s15] =	ssyncadd.s32 @p1 $0xFFFFC000  }
0x94: {  	_ =	swait.ge @p1 [sflag:s20], $0x80  }
0x95: {  	[sflag:s20] =	ssyncset.done @p1 $0x0  }
0x96: {  	[sflag:s20] =	ssyncadd.s32 @p1 $0xFFFFFF80  }
0x97: {  	[tilespmem:s14], [sflag:$0x1] =	stream.indirect.gather @p1 [hbm4b:s1+s11], $0x80, s12, s11, $0xb8;
	[tilespmem:$0x1FF00] =	vst v63  }
0x98: {  	s9 =	sadd.s32 @p1 s6, s9;
	s15 =	rddreg [dreg:$0x5]  }
0x99: {  	[tilespmem:s19], [sflag:$0x7] =	stream.linear.gather @p1 [hbm4b:s9+s10], $0x80, $0x38;
	[tilespmem:$0x1FF00] =	vst v63  }
0x9a: {  	s12 =	sadd.s32 @p1 s7, s15;
	s14 =	simm.s32 @p1 $0x13C80;
	s9 =	simm.s32 @p1 $0x8  }
0x9b: {  	[tilespmem:s14], [sflag:$0x5] =	stream.linear.gather @p1 [hbm4b:s12+s10], $0x80, $0x38;
	[tilespmem:$0x1FF00] =	vst v63  }
0x9c: {  	_ =	swait.ge @p1 [sflag:s9], $0x80  }
0x9d: {  	[sflag:s9] =	ssyncset.done @p1 $0x0  }
0x9e: {  	s12 =	simm.s32 @p1 $0x17F00;
	[sflag:s9] =	ssyncadd.s32 @p1 $0xFFFFFF80;
	s9 =	simm.s32 @p1 $0x13E00  }
0x9f: {  	[spmem:s2] =	stream.indirect.scatter.add.f32 @p1 [tilespmem:s12], [sflag:$0xA], $0x80, s9, s11, $0xb8;
	[tilespmem:$0x1FF00] =	vst v63  }
0xa0: {  	_ =	swait.ge @p1 [sflag:s13], $0x4000  }
0xa1: {  	[sflag:s13] =	ssyncset.done @p1 $0x0  }
0xa2: {  	s15 =	simm.s32 @p1 $0x3;
	[sflag:s13] =	ssyncadd.s32 @p1 $0xFFFFC000  }
0xa3: {  	_ =	swait.ge @p1 [sflag:s15], $0x4000  }
0xa4: {  	[sflag:s15] =	ssyncset.done @p1 $0x0  }
0xa5: {  	s13 =	simm.s32 @p1 $0x5;
	[sflag:s15] =	ssyncadd.s32 @p1 $0xFFFFC000  }
0xa6: {  	_ =	swait.ge @p1 [sflag:s13], $0x80  }
0xa7: {  	[sflag:s13] =	ssyncset.done @p1 $0x0  }
0xa8: {  	s15 =	rddreg [dreg:$0x4];
	[sflag:s13] =	ssyncadd.s32 @p1 $0xFFFFFF80  }
0xa9: {  	[tilespmem:s12], [sflag:$0x2] =	stream.indirect.gather @p1 [hbm4b:s1+s11], $0x80, s14, s11, $0xb8;
	[tilespmem:$0x1FF00] =	vst v63  }
0xaa: {  	s13 =	rddreg [dreg:$0x6];
	s11 =	sadd.s32 @p1 s7, s15  }
0xab: {  	[tilespmem:s9], [sflag:$0x8] =	stream.linear.gather @p1 [hbm4b:s11+s10], $0x80, $0x38;
	[tilespmem:$0x1FF00] =	vst v63  }
0xac: {  	s7 =	sadd.s32 @p1 s7, s13;
	s9 =	simm.s32 @p1 $0x13D00;
	s11 =	simm.s32 @!p1 $0x7  }
0xad: {  	[tilespmem:s9], [sflag:$0x6] =	stream.linear.gather @p1 [hbm4b:s7+s10], $0x80, $0x38;
	[tilespmem:$0x1FF00] =	vst v63  }
0xae: {  	_ =	swait.ge @!p1 [sflag:s11], $0x80  }
0xaf: {  	s7 =	simm.s32 @!p1 $0x13F00;
	s9 =	simm.s32 @!p1 $0xA;
	[sflag:s11] =	ssyncset.done @!p1 $0x0  }
0xb0: {  	s10 =	simm.s32 @!p1 $0x80;
	[sflag:s11] =	ssyncadd.s32 @!p1 $0xFFFFFF80;
	s11 =	simm.s32 @!p1 $0x13D80  }
0xb1: {  	[spmem:s2] =	stream.indirect.scatter.add.f32 @!p1 [tilespmem:s7], [sflag:$0xA], $0x80, s11, s10, $0xb8;
	[tilespmem:$0x1FF00] =	vst v63  }
0xb2: {  	_ =	swait.ge @!p1 [sflag:s9], $0x4000  }
0xb3: {  	[sflag:s9] =	ssyncset.done @!p1 $0x0  }
0xb4: {  	s7 =	simm.s32 @!p1 $0x2;
	[sflag:s9] =	ssyncadd.s32 @!p1 $0xFFFFC000  }
0xb5: {  	_ =	swait.ge @!p1 [sflag:s7], $0x4000  }
0xb6: {  	[sflag:s7] =	ssyncset.done @!p1 $0x0  }
0xb7: {  	[sflag:s7] =	ssyncadd.s32 @!p1 $0xFFFFC000;
	s7 =	simm.s32 @!p1 $0x8  }
0xb8: {  	_ =	swait.ge @!p1 [sflag:s7], $0x80  }
0xb9: {  	[sflag:s7] =	ssyncset.done @!p1 $0x0  }
0xba: {  	s11 =	simm.s32 @!p1 $0x17F00;
	[sflag:s7] =	ssyncadd.s32 @!p1 $0xFFFFFF80;
	s7 =	simm.s32 @!p1 $0x13E00  }
0xbb: {  	[spmem:s2] =	stream.indirect.scatter.add.f32 @!p1 [tilespmem:s11], [sflag:$0xA], $0x80, s7, s10, $0xb8;
	[tilespmem:$0x1FF00] =	vst v63  }
0xbc: {  	_ =	swait.ge @!p1 [sflag:s9], $0x4000  }
0xbd: {  	[sflag:s9] =	ssyncset.done @!p1 $0x0  }
0xbe: {  	s7 =	simm.s32 @!p1 $0x3;
	[sflag:s9] =	ssyncadd.s32 @!p1 $0xFFFFC000  }
0xbf: {  	_ =	swait.ge @!p1 [sflag:s7], $0x4000  }
0xc0: {  	s26 =	sadd.s32 $0x30, s26;
	[sflag:s7] =	ssyncset.done @!p1 $0x0  }
0xc1: {  	p0 =	sne.s32 s26, $0x510;
	[sflag:s7] =	ssyncadd.s32 @!p1 $0xFFFFC000  }
.Ltmp0:
0xc2: {  	_ =	swait.ge [sflag:s22], $0x80;
	(pc) =	sbr.rel @p0 .LBB2_2-.Ltmp0, $4  }
0xc3: {  	[sflag:s22] =	ssyncset.done $0x0  }
0xc4: {  	[sflag:s22] =	ssyncadd.s32 $0xFFFFFF80  }
0xc5: {  	[spmem:s2] =	stream.indirect.scatter.add.f32 [tilespmem:s0], [sflag:$0xA], $0x80, s3, s25, $0xb8;
	[tilespmem:$0x1FF00] =	vst v63  }
0xc6: {  	_ =	swait.ge [sflag:s18], $0x4000  }
0xc7: {  	[sflag:s18] =	ssyncset.done $0x0  }
0xc8: {  	[sflag:s18] =	ssyncadd.s32 $0xFFFFC000  }
0xc9: {  	[bflag:$0x0] =	sbarrier.arrive $0xFFFF  }
0xca: {  	s7 =	rddreg [dreg:$0xe]  }
0xcb: {  	[hbm:s7], [sflag:s8] =	dma.local [spmem:s17], $0x2780  }
0xcc: {  	_ =	swait.ge [sflag:s18], $0x2780  }
0xcd: {  	s23 =	sadd.s32 $0x1, s23;
	s26 =	rddreg [dreg:$0xf]  }
0xce: {  	p0 =	sne.s32 s23, s26  }
.Ltmp1:
0xcf: {  	_ = 	snop;
	(pc) =	sbr.rel @p0 .LBB2_1-.Ltmp1, $3  }
0xd0: {  	_ =	sdelay $0x1  }
0xd1: {  	[sflag:s18] =	ssyncset.done $0x0  }
0xd2: {  	[sflag:s18] =	ssyncadd.s32 $0xFFFFD880  }
0xd3: {  	_ =	sfence.sel $0x180000  }
0xd4: {  	[bflag:$0x0] =	sbarrier.arrive $0xFFFF  }
0xd5: {  	_ =	strace $0x9000004D  }
0xd6: {  	s0 =	stileid.u32;
	[bflag:$0x2] =	sbarrier.arrive $0xFFFF  }
0xd7: {  	p0 =	sne.s32 s0, $0x0;
	s0 =	rddreg [dreg:$0x3]  }
0xd8: {  	s0 =	sadd.s32 @!p0 $0x100000, s0  }
0xd9: {  	[sflag:s0] =	ssyncadd.tile.s32 @!p0 $0x1;
	_ =	shalt  }
.Lfunc_end2:
_tile_overlayer_lowered:
.L_overlay_start_2:
0xda: {  	(tag) =	ssettag $0x2  }
0xdb: {  	s0 =	rddreg [dreg:$0x0];
	s2 =	stileid.u32  }
0xdc: {  	s1 =	rddreg [dreg:$0x1];
	p0 =	sne.s32 s2, $0x0  }
0xdd: {  	s3 =	rddreg [dreg:$0x2];
	[bflag:$0x3] =	sbarrier.arrive $0xFFFF;
	s2 =	simm.s32 @!p0 $0x1C0A  }
0xde: {  	[timem:s3], [sflag:s2] =	dma.local @!p0 [hbm:s0], s1  }
0xdf: {  	s0 =	simm.s32 @!p0 $0xA  }
0xe0: {  	_ =	swait.ge @!p0 [sflag:s0], s1  }
0xe1: {  	s1 =	ssub.s32 @!p0 $0x0, s1;
	[sflag:s0] =	ssyncset.done @!p0 $0x0  }
0xe2: {  	[sflag:s0] =	ssyncadd.s32 @!p0 s1  }
0xe3: {  	[bflag:$0x3] =	sbarrier.arrive $0xFFFF  }
0xe4: {  	_ =	shalt  }

// kernel: kernel.7.cloned.1.call-start
scs
__scs_entry_jumppad:
0x0: {  	(pc) =	sbr.rel $0x88, $3  }
0x1: {  	(tag) =	ssettag $0x0;
	lr =	simm.s32 $0x1  }
0x2: {  	[smem:$0x3F99] =	sst lr;
	_ =	strace $0xD0000000  }
0x3: {  	_ = 	snop  }
0x4: {  	_ = 	snop  }
0x5: {  	_ = 	snop  }
0x6: {  	_ = 	snop  }
0x7: {  	_ = 	snop  }
__scs_overlays_trampoline_lowered:
0x8: {  	[smem:$0x3FA8] =	sst s0  }
0x9: {  	[smem:$0x3FA9] =	sst s1  }
0xa: {  	[smem:$0x3FAA] =	sst s2  }
0xb: {  	[smem:$0x3FAB] =	sst s3  }
0xc: {  	[smem:$0x3FAC] =	sst s4  }
0xd: {  	[smem:$0x3FAD] =	sst s5  }
0xe: {  	[smem:$0x3FAE] =	sst s6  }
0xf: {  	[smem:$0x3FAF] =	sst s7  }
0x10: {  	[smem:$0x3FB0] =	sst s8  }
0x11: {  	[smem:$0x3FB1] =	sst s9;
	s0 =	simm.s32 @!p0 $0x0  }
0x12: {  	s1 =	sld [smem:$0x3F97];
	s0 =	simm.s32 @p0 $0x1  }
0x13: {  	[smem:$0x3FB2] =	sst s0;
	s0 =	simm.s32 @!p1 $0x0  }
0x14: {  	s2 =	sld [smem:$0x3F96];
	s0 =	simm.s32 @p1 $0x1  }
0x15: {  	[smem:$0x3FB3] =	sst s0;
	s0 =	simm.s32 @!p2 $0x0  }
0x16: {  	s3 =	sld [smem:$0x3FDB];
	s0 =	simm.s32 @p2 $0x1  }
0x17: {  	s4 =	simm.s32 $0x1BF5;
	[smem:$0x3FB5] =	sst s0  }
0x18: {  	s0 =	sld [smem:$0x3F98];
	_ =	swait.ge [sflag:s4], $0x0  }
0x19: {  	s7 =	sld [smem:$0x3F99]  }
0x1a: {  	s8 =	sadd.s32 $0xFFFFE003, lr  }
0x1b: {  	s9 =	sadd.s32 $0xFFFFFEF7, lr;
	s5 =	simm.s32 $0xFFFFFFFF;
	p2 =	slt.u32 s8, $0xFFFFF086  }
0x1c: {  	p1 =	slt.u32 s9, $0xF7A;
	s5 =	simm.s32 @!p2 $0x0  }
0x1d: {  	s5 =	simm.s32 @p1 $0x1;
	p0 =	seq.s32 s7, s2  }
0x1e: {  	s7 =	smul.u32 @!p0 $0xF7A, s2;
	p2 =	seq.s32 @!p0 s5, $0x0  }
0x1f: {  	s9 =	smul.u32 $0xF7A, s1;
	s8 =	simm.s32 @!p0 $0x1BF5;
	p2 =	por !p2, p0  }
0x20: {  	[sflag:s8] =	ssyncset.s32 @!p0 $0xFFFFF086;
	s6 =	sadd.s32 @!p0 s3, s7;
	s7 =	simm.s32 @!p0 $0x108  }
0x21: {  	s3 =	sadd.s32 s3, s9;
	s6 =	sadd.s32 @!p0 $0x88, s6;
	s7 =	simm.s32 @p2 $0x1082  }
0x22: {  	[simem:s7], [sflag:s8] =	dma.local @!p0 [hbm:s6], $0xF7A  }
0x23: {  	s9 =	sor.u32 $0xD0000000, s2;
	s6 =	simm.s32 $0x108;
	_ =	swait.ge @!p0 [sflag:s8], $0x0  }
0x24: {  	s3 =	sadd.s32 $0x88, s3;
	s6 =	simm.s32 @!p1 $0x1082;
	[sflag:s4] =	ssyncset.s32 $0xFFFFF086  }
0x25: {  	[simem:s6], [sflag:s4] =	dma.local [hbm:s3], $0xF7A  }
0x26: {  	[smem:$0x3F99] =	sst s1;
	(tag) =	ssettag s2;
	_ =	strace s9  }
0x27: {  	s1 =	sld [smem:$0x3FA9]  }
0x28: {  	s2 =	sld [smem:$0x3FAA]  }
0x29: {  	s4 =	sld [smem:$0x3FAC]  }
0x2a: {  	p0 =	seq.s32 s5, $0x0;
	s5 =	sld [smem:$0x3FAD]  }
0x2b: {  	s6 =	sld [smem:$0x3FAE]  }
0x2c: {  	s7 =	sld [smem:$0x3FAF]  }
0x2d: {  	s3 =	simm.s32 $0x108;
	s8 =	sld [smem:$0x3FB0]  }
0x2e: {  	s3 =	simm.s32 @!p0 $0x1082;
	s9 =	sld [smem:$0x3FB1]  }
0x2f: {  	lr =	sadd.s32 s0, s3;
	s0 =	sld [smem:$0x3FA8]  }
0x30: {  	s3 =	sld [smem:$0x3FAB]  }
0x31: {  	[smem:$0x3FB4] =	sst s10  }
0x32: {  	s10 =	sld [smem:$0x3FB2];
	_ =	sdelay $0x3  }
0x33: {  	p0 =	seq.s32 s10, $0x1;
	s10 =	sld [smem:$0x3FB4];
	_ =	sdelay $0x3  }
0x34: {  	[smem:$0x3FB4] =	sst s10  }
0x35: {  	s10 =	sld [smem:$0x3FB3];
	_ =	sdelay $0x3  }
0x36: {  	p1 =	seq.s32 s10, $0x1;
	s10 =	sld [smem:$0x3FB4];
	_ =	sdelay $0x3  }
0x37: {  	[smem:$0x3FB4] =	sst s10  }
0x38: {  	s10 =	sld [smem:$0x3FB5]  }
0x39: {  	_ = 	snop;
	(pc) =	sbr.ind lr, $3  }
0x3a: {  	_ = 	snop  }
0x3b: {  	_ = 	snop  }
0x3c: {  	p2 =	seq.s32 s10, $0x1;
	s10 =	sld [smem:$0x3FB4]  }
0x3d: {  	_ =	shalt  }
0x3e: {  	_ =	shalt  }
0x3f: {  	_ =	shalt  }
0x40: {  	_ =	shalt  }
0x41: {  	_ =	shalt  }
0x42: {  	_ =	shalt  }
0x43: {  	_ =	shalt  }
0x44: {  	_ =	shalt  }
0x45: {  	_ =	shalt  }
0x46: {  	_ =	shalt  }
0x47: {  	_ =	shalt  }
0x48: {  	_ =	shalt  }
0x49: {  	_ =	shalt  }
0x4a: {  	_ =	shalt  }
0x4b: {  	_ =	shalt  }
0x4c: {  	_ =	shalt  }
0x4d: {  	_ =	shalt  }
0x4e: {  	_ =	shalt  }
0x4f: {  	_ =	shalt  }
0x50: {  	_ =	shalt  }
0x51: {  	_ =	shalt  }
0x52: {  	_ =	shalt  }
0x53: {  	_ =	shalt  }
0x54: {  	_ =	shalt  }
0x55: {  	_ =	shalt  }
0x56: {  	_ =	shalt  }
0x57: {  	_ =	shalt  }
0x58: {  	_ =	shalt  }
0x59: {  	_ =	shalt  }
0x5a: {  	_ =	shalt  }
0x5b: {  	_ =	shalt  }
0x5c: {  	_ =	shalt  }
0x5d: {  	_ =	shalt  }
0x5e: {  	_ =	shalt  }
0x5f: {  	_ =	shalt  }
0x60: {  	_ =	shalt  }
0x61: {  	_ =	shalt  }
0x62: {  	_ =	shalt  }
0x63: {  	_ =	shalt  }
0x64: {  	_ =	shalt  }
0x65: {  	_ =	shalt  }
0x66: {  	_ =	shalt  }
0x67: {  	_ =	shalt  }
0x68: {  	_ =	shalt  }
0x69: {  	_ =	shalt  }
0x6a: {  	_ =	shalt  }
0x6b: {  	_ =	shalt  }
0x6c: {  	_ =	shalt  }
0x6d: {  	_ =	shalt  }
0x6e: {  	_ =	shalt  }
0x6f: {  	_ =	shalt  }
0x70: {  	_ =	shalt  }
0x71: {  	_ =	shalt  }
0x72: {  	_ =	shalt  }
0x73: {  	_ =	shalt  }
0x74: {  	_ =	shalt  }
0x75: {  	_ =	shalt  }
0x76: {  	_ =	shalt  }
0x77: {  	_ =	shalt  }
0x78: {  	_ =	shalt  }
0x79: {  	_ =	shalt  }
0x7a: {  	_ =	shalt  }
0x7b: {  	_ =	shalt  }
0x7c: {  	_ =	shalt  }
0x7d: {  	_ =	shalt  }
0x7e: {  	_ =	shalt  }
0x7f: {  	_ =	shalt  }
0x80: {  	_ =	shalt  }
0x81: {  	_ =	shalt  }
0x82: {  	_ =	shalt  }
0x83: {  	_ =	shalt  }
0x84: {  	_ =	shalt  }
0x85: {  	_ =	shalt  }
0x86: {  	_ =	shalt  }
0x87: {  	_ =	shalt  }
.Lfunc_end0:
.L_simem_size_0:
called_computation_lowered:
.L_overlay_start_0:
0x88: {  	s2 =	sld [smem:$0x3FD9]  }
0x89: {  	s3 =	sld [smem:$0x3FFE];
	_ =	sdelay $0x1  }
0x8a: {  	s1 =	srdreg.scid  }
0x8b: {  	s0 =	sand.u32 $0x1, s1  }
0x8c: {  	s17 =	sshll.u32 s0, $0xA;
	s2 =	sadd.s32 s3, s2  }
0x8d: {  	s2 =	sadd.s32 s2, s17  }
0x8e: {  	[smem:$0x3FC0] =	sst s2  }
0x8f: {  	_ = 	snop  }
0x90: {  	s2 =	sld [smem:$0x3FD0];
	(tm) =	ssettm $0x1  }
0x91: {  	s18 =	sld [smem:$0x3FFB];
	_ =	sdelay $0x3  }
0x92: {  	_ =	strace s18  }
0x93: {  	s3 =	sld [smem:$0x3FFC];
	_ =	sdelay $0x3  }
0x94: {  	_ =	strace s3  }
0x95: {  	s3 =	sld [smem:$0x3FFD];
	_ =	sdelay $0x3  }
0x96: {  	_ =	strace s3  }
0x97: {  	_ =	strace $0x8FFFFFFF  }
0x98: {  	s19 =	sld [smem:$0x3FDB];
	_ =	sdelay $0x1  }
0x99: {  	s4 =	simm.s32 $_scs_section_size  }
0x9a: {  	s5 =	simm.s32 $_size__tile_overlayer_lowered;
	s6 =	simm.s32 $_tile_overlayer_lowered  }
0x9b: {  	s22 =	simm.s32 $0x1BFF;
	s21 =	sshll.u32 s6, $0x1;
	s3 =	sadd.s32 s4, s19  }
0x9c: {  	s7 =	simm.s32 $0x0;
	s20 =	sshll.u32 s5, $0x1;
	s5 =	sadd.s32 s21, s3  }
0x9d: {  	[timem:s7], [sflag:s22] =	dma.local [hbm:s5], s20  }
0x9e: {  	_ =	swait.ge [sflag:s22], s20  }
0x9f: {  	s4 =	ssub.s32 $0x0, s20;
	[sflag:s22] =	ssyncset.done $0x0  }
0xa0: {  	[sflag:s22] =	ssyncadd.s32 s4;
	_ =	sdelay $0x1  }
0xa1: {  	s23 =	simm.s32 $0x1B8B  }
0xa2: {  	_ =	swait.ge [sflag:s23], $0x1  }
0xa3: {  	[sflag:s23] =	ssyncset.done $0x0  }
0xa4: {  	s25 =	simm.s32 $0x1B8E;
	s24 =	sld [smem:$0x3FFE];
	[sflag:s23] =	ssyncadd.s32 $0xFFFFFFFF  }
0xa5: {  	s26 =	simm.s32 $execute0_lowered;
	[smem:$0x3FD2] =	sst s25  }
0xa6: {  	s5 =	sshll.u32 s26, $0x1;
	_ =	strace $0x80000046;
	[dreg:$0x1] =	wrdreg $0xFFFFFFFF  }
0xa7: {  	s28 =	simm.s32 $_size_execute0_lowered;
	s3 =	sadd.s32 s3, s5;
	[dreg:$0x0] =	wrdreg $0x0  }
0xa8: {  	s5 =	sshll.u32 s28, $0x1;
	[dreg:$0x2] =	wrdreg s3  }
0xa9: {  	[dreg:$0x3] =	wrdreg s5  }
0xaa: {  	[dreg:$0x4] =	wrdreg $0xC0  }
0xab: {  	_ =	task [dreg:s7], $0x5FFFF  }
0xac: {  	[dreg:$0x1] =	wrdreg $0xFFFFFFFF  }
0xad: {  	[dreg:$0x0] =	wrdreg $0x60  }
0xae: {  	[dreg:$0x2] =	wrdreg s24  }
0xaf: {  	[dreg:$0x3] =	wrdreg s2  }
0xb0: {  	[dreg:$0x4] =	wrdreg $0x0  }
0xb1: {  	[dreg:$0x5] =	wrdreg $0x9  }
0xb2: {  	_ =	task.clear_ibuf [dreg:s7], $0x6FFFF;
	_ =	strace $0x90000046  }
0xb3: {  	s29 =	simm.s32 $0x9;
	_ =	strace $0x80000048  }
0xb4: {  	_ =	swait.ge [sflag:s29], $0x1  }
0xb5: {  	[sflag:s29] =	ssyncadd.s32 $0xFFFFFFFF  }
0xb6: {  	_ =	strace $0x90000048  }
0xb7: {  	_ =	sfence  }
0xb8: {  	s30 =	sld [smem:$0x0];
	_ =	sdelay $0x2  }
0xb9: {  	s31 =	sshll.u32 s1, $0xD;
	s1 =	sshrl.u32 s1, $0x2  }
0xba: {  	s3 =	sand.u32 $0x4000, s31;
	s1 =	sadd.s32 s1, s30  }
0xbb: {  	s0 =	sor.u32 s3, s0;
	s1 =	sshll.u32 s1, $0x11  }
0xbc: {  	s0 =	sor.u32 s1, s0  }
0xbd: {  	s0 =	sadd.s32 $0x8F2B, s0  }
0xbe: {  	[sflag:s0] =	ssyncadd.remote.s32 $0x1  }
0xbf: {  	_ =	sfence.sel $0xFFFF  }
0xc0: {  	[dreg:$0x0] =	wrdreg $0xFFFFFFFF;
	(pc) =	sbr.abs _section_cstart, $3  }
0xc1: {  	[dreg:$0x1] =	wrdreg $0xFFFFFFFF  }
0xc2: {  	_ =	task.clear_ibuf [dreg:s7], $0x2FFFF;
	_ =	strace $0x9FFFFFFF  }
0xc3: {  	(tm) =	ssettm $0x7FFFFFFF  }
tec
execute0_lowered:
.L_overlay_start_1:
0x0: {  	(tag) =	ssettag $0x1  }
0x1: {  	s5 =	rddreg [dreg:$0x0]  }
0x2: {  	s8 =	rddreg [dreg:$0x1];
	s1 =	srdreg.scid  }
0x3: {  	s0 =	stileid.u32;
	s2 =	rddreg [dreg:$0x2];
	s3 =	simm.s32 $0x0  }
0x4: {  	s14 =	simm.s32 $0x80;
	s15 =	simm.s32 $0x1;
	s16 =	simm.s32 $0x0  }
0x5: {  	s4 =	sand.u32 $0x1, s1;
	s6 =	sshll.u32 s0, $0x1;
	s1 =	rddreg [dreg:$0x3]  }
0x6: {  	[smem:$0x7FF] =	sst s3;
	s9 =	smul.u32 $0x2780, s0;
	s31 =	sshll.u32 s0, $0x6  }
0x7: {  	s6 =	sor.u32 s4, s6;
	s7 =	ssub.s32 $0x2, s4;
	s11 =	smul.u32 $0x27800, s4  }
0x8: {  	_ =	strace $0x80000047;
	s6 =	smul.u32 $0x510, s6;
	s30 =	sshrl.u32 s7, $0x1  }
0x9: {  	s4 =	sadd.s32 $0x16E00, s5;
	s13 =	sadd.s32 s9, s2;
	s12 =	ssub.s32 s7, s30  }
0xa: {  	s9 =	sadd.s32 s9, s11;
	s11 =	simm.s32 $0x2;
	s10 =	sadd.s32 s6, s5  }
0xb: {  	s5 =	sadd.s32 $0x16C00, s5;
	s6 =	sor.u32 $0x1C02, s31;
	s9 =	sshrl.u32 s9, $0x3  }
0xc: {  	s7 =	sadd.s32 $0xCA00, s10;
	s8 =	sadd.s32 s8, s9;
	s9 =	smax.u32 s12, $0x1  }
0xd: {  	s10 =	sshrl.u32 s13, $0x3;
	s12 =	simm.s32 $0x2780;
	s13 =	simm.s32 $0x5000  }
.LBB2_1:
0xe: {  	[spmem:s10], [sflag:s6] =	dma.local [hbm:s4], $0x4F0  }
0xf: {  	_ =	swait.ge [sflag:s11], $0x4F0  }
0x10: {  	[sflag:s11] =	ssyncset.done $0x0  }
0x11: {  	[sflag:s11] =	ssyncadd.s32 $0xFFFFFB10  }
0x12: {  	[tilespmem:s12], [sflag:$0x2] =	stream.linear.gather [hbm4b:s7+s3], $0x2880, $0x38;
	[tilespmem:$0x5800] =	vst v63  }
0x13: {  	_ =	swait.ge [sflag:s11], $0x2880  }
0x14: {  	[sflag:s11] =	ssyncset.done $0x0  }
0x15: {  	[sflag:s11] =	ssyncadd.s32 $0xFFFFD780  }
0x16: {  	[tilespmem:s13], [sflag:$0x2] =	stream.linear.gather [hbm4b:s5+s3], $0x800, $0x38;
	[tilespmem:$0x5800] =	vst v63  }
0x17: {  	_ =	swait.ge [sflag:s11], $0x800  }
0x18: {  	[sflag:s11] =	ssyncset.done $0x0  }
0x19: {  	[sflag:s11] =	ssyncadd.s32 $0xFFFFF800  }
0x1a: {  	s17 =	simm.s32 $0x0;
	[bflag:$0x0] =	sbarrier.arrive $0xFFFF  }
.LBB2_2:
0x1b: {  	p0 =	sne.s32 s17, $0xA000  }
.Ltmp0:
0x1c: {  	_ = 	snop;
	(pc) =	sbr.rel @p0 .LBB2_2-.Ltmp0, $4  }
0x1d: {  	_ = 	snop  }
0x1e: {  	s18 =	sshra.s32 s17, $0x2  }
0x1f: {  	s17 =	sadd.s32 $0x200, s17;
	s18 =	sadd.s32 $0x2780, s18  }
0x20: {  	[spmem:s2] =	stream.indirect.scatter.add.f32 [tilespmem:s13], [sflag:$0x1], $0x10, s18, s14, $0xb8;
	[tilespmem:$0x5800] =	vst v63  }
0x21: {  	_ =	swait.ge [sflag:s15], $0x800  }
0x22: {  	s17 =	simm.s32 $0x50;
	[sflag:s15] =	ssyncset.done $0x0  }
.LBB2_4:
0x23: {  	p0 =	sne.s32 s17, $0x1;
	s17 =	sadd.s32 $0xFFFFFFFF, s17;
	[sflag:s15] =	ssyncadd.s32 $0xFFFFF800  }
.Ltmp1:
0x24: {  	(pc) =	sbr.rel @p0 .LBB2_4-.Ltmp1, $3  }
0x25: {  	_ =	sdelay $0x1  }
0x26: {  	_ =	swait.ge [sflag:s15], $0x800  }
0x27: {  	[sflag:s15] =	ssyncset.done $0x0  }
0x28: {  	s16 =	sadd.s32 $0x1, s16  }
0x29: {  	[sflag:s15] =	ssyncadd.s32 $0xFFFFF800;
	p0 =	sne.s32 s16, s9  }
.Ltmp2:
0x2a: {  	[bflag:$0x0] =	sbarrier.arrive $0xFFFF;
	(pc) =	sbr.rel @p0 .LBB2_1-.Ltmp2, $4  }
0x2b: {  	[hbm:s8], [sflag:s6] =	dma.local [spmem:s10], $0x4F0  }
0x2c: {  	_ =	swait.ge [sflag:s11], $0x4F0  }
0x2d: {  	[sflag:s11] =	ssyncset.done $0x0  }
0x2e: {  	[sflag:s11] =	ssyncadd.s32 $0xFFFFFB10  }
0x2f: {  	_ =	sfence.sel $0x180000  }
0x30: {  	[bflag:$0x0] =	sbarrier.arrive $0xFFFF  }
0x31: {  	p0 =	sne.s32 s0, $0x0;
	_ =	strace $0x90000047  }
0x32: {  	s0 =	sadd.s32 @!p0 $0x100000, s1;
	[bflag:$0x2] =	sbarrier.arrive $0xFFFF  }
0x33: {  	[sflag:s0] =	ssyncadd.tile.s32 @!p0 $0x1;
	_ =	shalt  }
.Lfunc_end2:
_tile_overlayer_lowered:
.L_overlay_start_2:
0x34: {  	(tag) =	ssettag $0x2  }
0x35: {  	s0 =	rddreg [dreg:$0x0];
	s2 =	stileid.u32  }
0x36: {  	s1 =	rddreg [dreg:$0x1];
	p0 =	sne.s32 s2, $0x0  }
0x37: {  	s3 =	rddreg [dreg:$0x2];
	[bflag:$0x3] =	sbarrier.arrive $0xFFFF;
	s2 =	simm.s32 @!p0 $0x1C02  }
0x38: {  	[timem:s3], [sflag:s2] =	dma.local @!p0 [hbm:s0], s1  }
0x39: {  	s0 =	simm.s32 @!p0 $0x2  }
0x3a: {  	_ =	swait.ge @!p0 [sflag:s0], s1  }
0x3b: {  	s1 =	ssub.s32 @!p0 $0x0, s1;
	[sflag:s0] =	ssyncset.done @!p0 $0x0  }
0x3c: {  	[sflag:s0] =	ssyncadd.s32 @!p0 s1  }
0x3d: {  	[bflag:$0x3] =	sbarrier.arrive $0xFFFF  }
0x3e: {  	_ =	shalt  }

</sc_bundles>
